<compile_context>
chip_gen: v7x
topology: tpu7x:2x2x1
jax: 0.10.2.dev20260603
libtpu: 0.0.44.dev20260713+nightly
codegen_flags: <defaults>
</compile_context>

<pallas_src>
import functools

import jax
import jax.numpy as jnp
from jax import lax
from jax.experimental import pallas as pl
from jax.experimental.pallas import tpu as pltpu
from jax.experimental.pallas import tpu_sc as plsc

NP = 10240
CH = 128
NCORES = 2
NSUB = 16
NW = NCORES * NSUB
ROWS_PER_TILE = NP // NSUB
ZR = 64


def _sc_mesh():
    return plsc.VectorSubcoreMesh(core_axis_name="c", subcore_axis_name="s")


def _zero_acc(acc, zbuf, sid, c):
    zvec = jnp.zeros((16,), jnp.float32)

    def fill(r, _):
        for t in range(c // 16):
            zbuf[r, pl.ds(t * 16, 16)] = zvec
        return 0

    lax.fori_loop(0, ZR, fill, 0)
    base_row = sid * ROWS_PER_TILE
    for t in range(ROWS_PER_TILE // ZR):
        pltpu.sync_copy(zbuf, acc.at[pl.ds(base_row + t * ZR, ZR)])


def _make_deg_kernel(EP):
    NCH = EP // (NW * CH)

    @functools.partial(
        pl.kernel,
        out_type=jax.ShapeDtypeStruct((NCORES * NP, 128), jnp.float32),
        mesh=_sc_mesh(),
        scratch_types=[
            pltpu.VMEM_SHARED((NP, 128), jnp.float32),
            pltpu.VMEM((CH,), jnp.int32),
            pltpu.VMEM((CH, 128), jnp.float32),
            pltpu.VMEM((ZR, 128), jnp.float32),
        ],
    )
    def k(dst_hbm, val_hbm, out_hbm, acc, dstb, valb, zbuf):
        cid = lax.axis_index("c")
        sid = lax.axis_index("s")
        _zero_acc(acc, zbuf, sid, 128)
        pltpu.sync_copy(val_hbm, valb)
        wid = sid * NCORES + cid
        ebase = wid * NCH * CH
        plsc.subcore_barrier()

        def body(ci, _):
            off = ebase + ci * CH
            pltpu.sync_copy(dst_hbm.at[pl.ds(off, CH)], dstb)
            pltpu.sync_copy(valb, acc.at[dstb], add=True)
            return 0

        lax.fori_loop(0, NCH, body, 0)
        plsc.subcore_barrier()
        base_row = sid * ROWS_PER_TILE
        pltpu.sync_copy(
            acc.at[pl.ds(base_row, ROWS_PER_TILE)],
            out_hbm.at[pl.ds(cid * NP + base_row, ROWS_PER_TILE)],
        )

    return k


def _make_scatter_kernel(C, EP):
    NCH = EP // (NW * CH)

    @functools.partial(
        pl.kernel,
        out_type=jax.ShapeDtypeStruct((NCORES * NP, C), jnp.float32),
        mesh=_sc_mesh(),
        scratch_types=[
            pltpu.VMEM_SHARED((NP, C), jnp.float32),
            pltpu.VMEM((CH,), jnp.int32),
            pltpu.VMEM((CH,), jnp.int32),
            pltpu.VMEM((CH, C), jnp.float32),
            pltpu.VMEM((ZR, C), jnp.float32),
            pltpu.SemaphoreType.DMA,
        ],
    )
    def k(g_hbm, src_hbm, dst_hbm, out_hbm, acc, srcb, dstb, rows, zbuf, sem):
        cid = lax.axis_index("c")
        sid = lax.axis_index("s")
        _zero_acc(acc, zbuf, sid, C)
        wid = sid * NCORES + cid
        ebase = wid * NCH * CH
        plsc.subcore_barrier()

        def body(ci, _):
            off = ebase + ci * CH
            pltpu.sync_copy(src_hbm.at[pl.ds(off, CH)], srcb)
            pltpu.sync_copy(dst_hbm.at[pl.ds(off, CH)], dstb)
            pltpu.async_copy(g_hbm.at[srcb], rows, sem).wait()
            pltpu.sync_copy(rows, acc.at[dstb], add=True)
            return 0

        lax.fori_loop(0, NCH, body, 0)
        plsc.subcore_barrier()
        base_row = sid * ROWS_PER_TILE
        pltpu.sync_copy(
            acc.at[pl.ds(base_row, ROWS_PER_TILE)],
            out_hbm.at[pl.ds(cid * NP + base_row, ROWS_PER_TILE)],
        )

    return k



_R = 256


def _dinv(c0, c1):
    return lax.rsqrt(c0[:, 0:1] + c1[:, 0:1] + 1.0)


def _tc_scale(c0_ref, c1_ref, x_ref, o_ref):
    o_ref[...] = x_ref[...] * _dinv(c0_ref[...], c1_ref[...])


def _tc_mid(c0_ref, c1_ref, a0_ref, a1_ref, g_ref, o_ref):
    d = _dinv(c0_ref[...], c1_ref[...])
    o_ref[...] = (d * d) * (a0_ref[...] + a1_ref[...] + g_ref[...])


def _tc_mlp(c0_ref, c1_ref, a0_ref, a1_ref, g_ref, w1_ref, b1_ref, w2_ref, o_ref):
    d = _dinv(c0_ref[...], c1_ref[...])
    p = d * (a0_ref[...] + a1_ref[...] + g_ref[...])
    hid = jnp.maximum(
        jnp.dot(p, w1_ref[...], preferred_element_type=jnp.float32) + b1_ref[...], 0.0
    )
    o_ref[...] = d * jnp.dot(hid, w2_ref[...], preferred_element_type=jnp.float32)


def _tc_final(c0_ref, c1_ref, a0_ref, a1_ref, g_ref, b2_ref, o_ref):
    d = _dinv(c0_ref[...], c1_ref[...])
    out_c = b2_ref.shape[1]
    s = (d * (a0_ref[...] + a1_ref[...] + g_ref[...]))[:, :out_c] + b2_ref[...]
    m = jnp.max(s, axis=1, keepdims=True)
    e = jnp.exp(s - m)
    lse = jnp.log(jnp.sum(e, axis=1, keepdims=True))
    o_ref[...] = s - m - lse


def _row_spec(c):
    return pl.BlockSpec((_R, c), lambda i: (i, 0))


def _full_spec(r, c):
    return pl.BlockSpec((r, c), lambda i: (0, 0))


def _call_rows(body, in_specs, out_c, args):
    grid = NP // _R
    return pl.pallas_call(
        body,
        grid=(grid,),
        in_specs=in_specs,
        out_specs=_row_spec(out_c),
        out_shape=jax.ShapeDtypeStruct((NP, out_c), jnp.float32),
    )(*args)


def kernel(x, edge_index, W1, b1, W2, b2):
    N, in_c = x.shape
    E = edge_index.shape[1]
    hid_c = W1.shape[1]
    out_c = W2.shape[1]

    EG = NW * CH
    EP = ((E + EG - 1) // EG) * EG

    xp = jnp.zeros((NP, in_c), jnp.float32).at[:N].set(x)
    pad = jnp.full((EP - E,), N, jnp.int32)
    srcp = jnp.concatenate([edge_index[0], pad])
    dstp = jnp.concatenate([edge_index[1], pad])
    W2p = jnp.zeros((hid_c, hid_c), jnp.float32).at[:, :out_c].set(W2)

    deg_k = _make_deg_kernel(EP)
    scat_big = _make_scatter_kernel(in_c, EP)

    ones_val = jnp.zeros((CH, 128), jnp.float32).at[:, 0].set(1.0)
    cnt = deg_k(dstp, ones_val)
    c0, c1 = cnt[:NP], cnt[NP:]
    cnt_specs = [_row_spec(128), _row_spec(128)]

    g0 = _call_rows(_tc_scale, cnt_specs + [_row_spec(in_c)], in_c, (c0, c1, xp))

    a = scat_big(g0, srcp, dstp)
    g1 = _call_rows(
        _tc_mid,
        cnt_specs + [_row_spec(in_c)] * 3,
        in_c,
        (c0, c1, a[:NP], a[NP:], g0),
    )

    a = scat_big(g1, srcp, dstp)
    g2 = _call_rows(
        _tc_mlp,
        cnt_specs
        + [_row_spec(in_c)] * 3
        + [_full_spec(in_c, hid_c), _full_spec(1, hid_c), _full_spec(hid_c, hid_c)],
        hid_c,
        (c0, c1, a[:NP], a[NP:], g1, W1, b1.reshape(1, hid_c), W2p),
    )

    a = scat_big(g2, srcp, dstp)
    g3 = _call_rows(
        _tc_mid,
        cnt_specs + [_row_spec(hid_c)] * 3,
        hid_c,
        (c0, c1, a[:NP], a[NP:], g2),
    )

    a = scat_big(g3, srcp, dstp)
    out = _call_rows(
        _tc_final,
        cnt_specs + [_row_spec(hid_c)] * 3 + [_full_spec(1, out_c)],
        out_c,
        (c0, c1, a[:NP], a[NP:], g3, b2.reshape(1, out_c)),
    )
    return out[:N]

# --- scband reference (transcript-rebuilt; emitter-appended) ---
"""Pipeline reference for scband-sgc-gcn-16286515986688 (READ-ONLY COPY).

The authoritative reference and input builder live on the scoring server;
editing this copy changes nothing except your own understanding.
"""

import jax, jax.numpy as jnp
import numpy as np

N = 10000
E = 320000
IN_C = 128
HID_C = 128
OUT_C = 64
K = 2


def _glorot(key, shape):
    fan_in, fan_out = shape[0], shape[1]
    limit = np.sqrt(6.0 / (fan_in + fan_out))
    return jax.random.uniform(key, shape, dtype=jnp.float32, minval=-limit, maxval=limit)


def setup_inputs(seed: int = 0) -> dict:
    key = jax.random.key(seed)
    k1, k2, k3, k4 = jax.random.split(key, 4)
    x = jax.random.normal(k1, (N, IN_C), dtype=jnp.float32)
    edge_index = jax.random.randint(k2, (2, E), 0, N, dtype=jnp.int32)
    W1 = _glorot(k3, (IN_C, HID_C))
    b1 = jnp.zeros((HID_C,), dtype=jnp.float32)
    W2 = _glorot(k4, (HID_C, OUT_C))
    b2 = jnp.zeros((OUT_C,), dtype=jnp.float32)
    return {"x": x, "edge_index": edge_index, "W1": W1, "b1": b1, "W2": W2, "b2": b2}


def _sgconv(x, edge_index, W, b, k_hops):
    # Faithful SGConv (PyG): gcn_norm with added self-loops, K propagation steps,
    # then a single linear transform.
    n = x.shape[0]
    loop = jnp.arange(n, dtype=edge_index.dtype)
    src = jnp.concatenate([edge_index[0], loop])
    dst = jnp.concatenate([edge_index[1], loop])
    ones = jnp.ones(src.shape[0], dtype=jnp.float32)
    deg = jax.ops.segment_sum(ones, dst, num_segments=n)
    deg_inv_sqrt = jnp.where(deg > 0, 1.0 / jnp.sqrt(deg), 0.0)
    norm = deg_inv_sqrt[src] * deg_inv_sqrt[dst]
    h = x
    for _ in range(k_hops):
        msgs = h[src] * norm[:, None]
        h = jax.ops.segment_sum(msgs, dst, num_segments=n)
    return h @ W + b


def reference(x, edge_index, W1, b1, W2, b2):
    hid = _sgconv(x, edge_index, W1, b1, K)
    hid = jax.nn.relu(hid)
    out = _sgconv(hid, edge_index, W2, b2, K)
    return jax.nn.log_softmax(out, axis=1)

if __name__ == "__main__":
    import jax
    _d = setup_inputs()
    print(jax.jit(kernel)(*tuple(_d.values())))

</pallas_src>

<mosaic_0001>
#map = affine_map<(d0, d1) -> (0)>
#map1 = affine_map<(d0, d1) -> (0, 0)>
module attributes {stable_mosaic.version = 14 : i64} {
  func.func @k(%arg0: i32, %arg1: i32, %arg2: memref<323584xi32, #tpu.memory_space<hbm>>, %arg3: memref<128x128xf32, #tpu.memory_space<hbm>>, %arg4: memref<20480x128xf32, #tpu.memory_space<hbm>>, %arg5: memref<10240x128xf32, #tpu.memory_space<vmem_shared>>, %arg6: memref<128xi32, #tpu.memory_space<vmem>>, %arg7: memref<128x128xf32, #tpu.memory_space<vmem>>, %arg8: memref<64x128xf32, #tpu.memory_space<vmem>>) attributes {dimension_semantics = [#tpu.dimension_semantics<core_parallel>, #tpu.dimension_semantics<subcore_parallel>], iteration_bounds = array<i64: 2, 16>, scalar_prefetch = 0 : i64, scratch_operands = 4 : i64, tpu.core_type = #tpu.core_type<sc_vector_subcore>, window_params = [{transform_indices = #map}, {transform_indices = #map1}, {transform_indices = #map1}]} {
    %broadcast_in_dim3A = arith.constant 0.000000e+00 : f32
    %broadcast_in_dim3A_0 = vector.broadcast %broadcast_in_dim3A : f32 to vector<16xf32>
    %scan3A = arith.constant 0 : i32
    %scan3A_1 = arith.constant 0 : i32
    %scan3A_2 = arith.constant 64 : i32
    %scan3A_3 = arith.addi %scan3A_1, %scan3A_2 : i32
    %scan3A_4 = arith.constant 1 : i32
    %scan3A_5 = scf.for %scan3A_47 = %scan3A_1 to %scan3A_3 step %scan3A_4 iter_args(%scan3A_48 = %scan3A) -> (i32)  : i32 {
      %swap3A = arith.index_cast %scan3A_47 : i32 to index
      %swap3A_49 = arith.constant 0 : index
      %swap3A_50 = tpu.vector_load %arg8[%swap3A, %swap3A_49] {strides = array<i32>} : memref<64x128xf32, #tpu.memory_space<vmem>>, vector<1x16xf32>,
      %swap3A_51 = vector.shape_cast %swap3A_50 : vector<1x16xf32> to vector<16xf32>
      %swap3A_52 = vector.shape_cast %broadcast_in_dim3A_0 : vector<16xf32> to vector<1x16xf32>
      tpu.vector_store %arg8[%swap3A, %swap3A_49], %swap3A_52 {strides = array<i32>} : memref<64x128xf32, #tpu.memory_space<vmem>>, vector<1x16xf32>,
      %swap3A_53 = arith.index_cast %scan3A_47 : i32 to index
      %swap3A_54 = arith.constant 16 : index
      %swap3A_55 = tpu.vector_load %arg8[%swap3A_53, %swap3A_54] {strides = array<i32>} : memref<64x128xf32, #tpu.memory_space<vmem>>, vector<1x16xf32>,
      %swap3A_56 = vector.shape_cast %swap3A_55 : vector<1x16xf32> to vector<16xf32>
      %swap3A_57 = vector.shape_cast %broadcast_in_dim3A_0 : vector<16xf32> to vector<1x16xf32>
      tpu.vector_store %arg8[%swap3A_53, %swap3A_54], %swap3A_57 {strides = array<i32>} : memref<64x128xf32, #tpu.memory_space<vmem>>, vector<1x16xf32>,
      %swap3A_58 = arith.index_cast %scan3A_47 : i32 to index
      %swap3A_59 = arith.constant 32 : index
      %swap3A_60 = tpu.vector_load %arg8[%swap3A_58, %swap3A_59] {strides = array<i32>} : memref<64x128xf32, #tpu.memory_space<vmem>>, vector<1x16xf32>,
      %swap3A_61 = vector.shape_cast %swap3A_60 : vector<1x16xf32> to vector<16xf32>
      %swap3A_62 = vector.shape_cast %broadcast_in_dim3A_0 : vector<16xf32> to vector<1x16xf32>
      tpu.vector_store %arg8[%swap3A_58, %swap3A_59], %swap3A_62 {strides = array<i32>} : memref<64x128xf32, #tpu.memory_space<vmem>>, vector<1x16xf32>,
      %swap3A_63 = arith.index_cast %scan3A_47 : i32 to index
      %swap3A_64 = arith.constant 48 : index
      %swap3A_65 = tpu.vector_load %arg8[%swap3A_63, %swap3A_64] {strides = array<i32>} : memref<64x128xf32, #tpu.memory_space<vmem>>, vector<1x16xf32>,
      %swap3A_66 = vector.shape_cast %swap3A_65 : vector<1x16xf32> to vector<16xf32>
      %swap3A_67 = vector.shape_cast %broadcast_in_dim3A_0 : vector<16xf32> to vector<1x16xf32>
      tpu.vector_store %arg8[%swap3A_63, %swap3A_64], %swap3A_67 {strides = array<i32>} : memref<64x128xf32, #tpu.memory_space<vmem>>, vector<1x16xf32>,
      %swap3A_68 = arith.index_cast %scan3A_47 : i32 to index
      %swap3A_69 = arith.constant 64 : index
      %swap3A_70 = tpu.vector_load %arg8[%swap3A_68, %swap3A_69] {strides = array<i32>} : memref<64x128xf32, #tpu.memory_space<vmem>>, vector<1x16xf32>,
      %swap3A_71 = vector.shape_cast %swap3A_70 : vector<1x16xf32> to vector<16xf32>
      %swap3A_72 = vector.shape_cast %broadcast_in_dim3A_0 : vector<16xf32> to vector<1x16xf32>
      tpu.vector_store %arg8[%swap3A_68, %swap3A_69], %swap3A_72 {strides = array<i32>} : memref<64x128xf32, #tpu.memory_space<vmem>>, vector<1x16xf32>,
      %swap3A_73 = arith.index_cast %scan3A_47 : i32 to index
      %swap3A_74 = arith.constant 80 : index
      %swap3A_75 = tpu.vector_load %arg8[%swap3A_73, %swap3A_74] {strides = array<i32>} : memref<64x128xf32, #tpu.memory_space<vmem>>, vector<1x16xf32>,
      %swap3A_76 = vector.shape_cast %swap3A_75 : vector<1x16xf32> to vector<16xf32>
      %swap3A_77 = vector.shape_cast %broadcast_in_dim3A_0 : vector<16xf32> to vector<1x16xf32>
      tpu.vector_store %arg8[%swap3A_73, %swap3A_74], %swap3A_77 {strides = array<i32>} : memref<64x128xf32, #tpu.memory_space<vmem>>, vector<1x16xf32>,
      %swap3A_78 = arith.index_cast %scan3A_47 : i32 to index
      %swap3A_79 = arith.constant 96 : index
      %swap3A_80 = tpu.vector_load %arg8[%swap3A_78, %swap3A_79] {strides = array<i32>} : memref<64x128xf32, #tpu.memory_space<vmem>>, vector<1x16xf32>,
      %swap3A_81 = vector.shape_cast %swap3A_80 : vector<1x16xf32> to vector<16xf32>
      %swap3A_82 = vector.shape_cast %broadcast_in_dim3A_0 : vector<16xf32> to vector<1x16xf32>
      tpu.vector_store %arg8[%swap3A_78, %swap3A_79], %swap3A_82 {strides = array<i32>} : memref<64x128xf32, #tpu.memory_space<vmem>>, vector<1x16xf32>,
      %swap3A_83 = arith.index_cast %scan3A_47 : i32 to index
      %swap3A_84 = arith.constant 112 : index
      %swap3A_85 = tpu.vector_load %arg8[%swap3A_83, %swap3A_84] {strides = array<i32>} : memref<64x128xf32, #tpu.memory_space<vmem>>, vector<1x16xf32>,
      %swap3A_86 = vector.shape_cast %swap3A_85 : vector<1x16xf32> to vector<16xf32>
      %swap3A_87 = vector.shape_cast %broadcast_in_dim3A_0 : vector<16xf32> to vector<1x16xf32>
      tpu.vector_store %arg8[%swap3A_83, %swap3A_84], %swap3A_87 {strides = array<i32>} : memref<64x128xf32, #tpu.memory_space<vmem>>, vector<1x16xf32>,
      %scan3A_88 = arith.constant 0 : i32
      scf.yield %scan3A_88 : i32
    }
    %scan3A_6 = arith.constant 64 : i32
    %mul3A = arith.constant 640 : i32
    %mul3A_7 = arith.muli %arg1, %mul3A : i32
    %add3A = arith.constant 0 : i32
    %add3A_8 = arith.addi %mul3A_7, %add3A : i32
    "tpu.region"() ({
      %run_scoped3A = tpu.sem_alloc : memref<!tpu.dma_semaphore, #tpu.memory_space<semaphore_mem>>
      %dma_start3A = arith.constant 0 : i32
      %dma_start3A_47 = tpu.memref_slice %arg5[%add3A_8, %dma_start3A] : memref<10240x128xf32, #tpu.memory_space<vmem_shared>> -> memref<64x128xf32, #tpu.memory_space<vmem_shared>>
      %dma_start3A_48 = arith.constant 0 : i32
      %dma_start3A_49 = tpu.memref_slice %arg5[%add3A_8, %dma_start3A_48] : memref<10240x128xf32, #tpu.memory_space<vmem_shared>> -> memref<64x128xf32, #tpu.memory_space<vmem_shared>>
      tpu.enqueue_dma source(%arg8 : memref<64x128xf32, #tpu.memory_space<vmem>>) target(%dma_start3A_49 : memref<64x128xf32, #tpu.memory_space<vmem_shared>>) target_semaphore(%run_scoped3A : memref<!tpu.dma_semaphore, #tpu.memory_space<semaphore_mem>>)
      %dma_wait3A = arith.constant 0 : i32
      %dma_wait3A_50 = tpu.memref_slice %arg5[%add3A_8, %dma_wait3A] : memref<10240x128xf32, #tpu.memory_space<vmem_shared>> -> memref<64x128xf32, #tpu.memory_space<vmem_shared>>
      %dma_wait3A_51 = arith.constant 0 : i32
      %dma_wait3A_52 = tpu.memref_slice %arg5[%add3A_8, %dma_wait3A_51] : memref<10240x128xf32, #tpu.memory_space<vmem_shared>> -> memref<64x128xf32, #tpu.memory_space<vmem_shared>>
      tpu.wait_dma2 semaphore(%run_scoped3A : memref<!tpu.dma_semaphore, #tpu.memory_space<semaphore_mem>>) src(%arg8 : memref<64x128xf32, #tpu.memory_space<vmem>>) dst(%dma_wait3A_52 : memref<64x128xf32, #tpu.memory_space<vmem_shared>>)
      tpu.yield
    }) : () -> ()
    %add3A_9 = arith.constant 64 : i32
    %add3A_10 = arith.addi %mul3A_7, %add3A_9 : i32
    "tpu.region"() ({
      %run_scoped3A = tpu.sem_alloc : memref<!tpu.dma_semaphore, #tpu.memory_space<semaphore_mem>>
      %dma_start3A = arith.constant 0 : i32
      %dma_start3A_47 = tpu.memref_slice %arg5[%add3A_10, %dma_start3A] : memref<10240x128xf32, #tpu.memory_space<vmem_shared>> -> memref<64x128xf32, #tpu.memory_space<vmem_shared>>
      %dma_start3A_48 = arith.constant 0 : i32
      %dma_start3A_49 = tpu.memref_slice %arg5[%add3A_10, %dma_start3A_48] : memref<10240x128xf32, #tpu.memory_space<vmem_shared>> -> memref<64x128xf32, #tpu.memory_space<vmem_shared>>
      tpu.enqueue_dma source(%arg8 : memref<64x128xf32, #tpu.memory_space<vmem>>) target(%dma_start3A_49 : memref<64x128xf32, #tpu.memory_space<vmem_shared>>) target_semaphore(%run_scoped3A : memref<!tpu.dma_semaphore, #tpu.memory_space<semaphore_mem>>)
      %dma_wait3A = arith.constant 0 : i32
      %dma_wait3A_50 = tpu.memref_slice %arg5[%add3A_10, %dma_wait3A] : memref<10240x128xf32, #tpu.memory_space<vmem_shared>> -> memref<64x128xf32, #tpu.memory_space<vmem_shared>>
      %dma_wait3A_51 = arith.constant 0 : i32
      %dma_wait3A_52 = tpu.memref_slice %arg5[%add3A_10, %dma_wait3A_51] : memref<10240x128xf32, #tpu.memory_space<vmem_shared>> -> memref<64x128xf32, #tpu.memory_space<vmem_shared>>
      tpu.wait_dma2 semaphore(%run_scoped3A : memref<!tpu.dma_semaphore, #tpu.memory_space<semaphore_mem>>) src(%arg8 : memref<64x128xf32, #tpu.memory_space<vmem>>) dst(%dma_wait3A_52 : memref<64x128xf32, #tpu.memory_space<vmem_shared>>)
      tpu.yield
    }) : () -> ()
    %add3A_11 = arith.constant 128 : i32
    %add3A_12 = arith.addi %mul3A_7, %add3A_11 : i32
    "tpu.region"() ({
      %run_scoped3A = tpu.sem_alloc : memref<!tpu.dma_semaphore, #tpu.memory_space<semaphore_mem>>
      %dma_start3A = arith.constant 0 : i32
      %dma_start3A_47 = tpu.memref_slice %arg5[%add3A_12, %dma_start3A] : memref<10240x128xf32, #tpu.memory_space<vmem_shared>> -> memref<64x128xf32, #tpu.memory_space<vmem_shared>>
      %dma_start3A_48 = arith.constant 0 : i32
      %dma_start3A_49 = tpu.memref_slice %arg5[%add3A_12, %dma_start3A_48] : memref<10240x128xf32, #tpu.memory_space<vmem_shared>> -> memref<64x128xf32, #tpu.memory_space<vmem_shared>>
      tpu.enqueue_dma source(%arg8 : memref<64x128xf32, #tpu.memory_space<vmem>>) target(%dma_start3A_49 : memref<64x128xf32, #tpu.memory_space<vmem_shared>>) target_semaphore(%run_scoped3A : memref<!tpu.dma_semaphore, #tpu.memory_space<semaphore_mem>>)
      %dma_wait3A = arith.constant 0 : i32
      %dma_wait3A_50 = tpu.memref_slice %arg5[%add3A_12, %dma_wait3A] : memref<10240x128xf32, #tpu.memory_space<vmem_shared>> -> memref<64x128xf32, #tpu.memory_space<vmem_shared>>
      %dma_wait3A_51 = arith.constant 0 : i32
      %dma_wait3A_52 = tpu.memref_slice %arg5[%add3A_12, %dma_wait3A_51] : memref<10240x128xf32, #tpu.memory_space<vmem_shared>> -> memref<64x128xf32, #tpu.memory_space<vmem_shared>>
      tpu.wait_dma2 semaphore(%run_scoped3A : memref<!tpu.dma_semaphore, #tpu.memory_space<semaphore_mem>>) src(%arg8 : memref<64x128xf32, #tpu.memory_space<vmem>>) dst(%dma_wait3A_52 : memref<64x128xf32, #tpu.memory_space<vmem_shared>>)
      tpu.yield
    }) : () -> ()
    %add3A_13 = arith.constant 192 : i32
    %add3A_14 = arith.addi %mul3A_7, %add3A_13 : i32
    "tpu.region"() ({
      %run_scoped3A = tpu.sem_alloc : memref<!tpu.dma_semaphore, #tpu.memory_space<semaphore_mem>>
      %dma_start3A = arith.constant 0 : i32
      %dma_start3A_47 = tpu.memref_slice %arg5[%add3A_14, %dma_start3A] : memref<10240x128xf32, #tpu.memory_space<vmem_shared>> -> memref<64x128xf32, #tpu.memory_space<vmem_shared>>
      %dma_start3A_48 = arith.constant 0 : i32
      %dma_start3A_49 = tpu.memref_slice %arg5[%add3A_14, %dma_start3A_48] : memref<10240x128xf32, #tpu.memory_space<vmem_shared>> -> memref<64x128xf32, #tpu.memory_space<vmem_shared>>
      tpu.enqueue_dma source(%arg8 : memref<64x128xf32, #tpu.memory_space<vmem>>) target(%dma_start3A_49 : memref<64x128xf32, #tpu.memory_space<vmem_shared>>) target_semaphore(%run_scoped3A : memref<!tpu.dma_semaphore, #tpu.memory_space<semaphore_mem>>)
      %dma_wait3A = arith.constant 0 : i32
      %dma_wait3A_50 = tpu.memref_slice %arg5[%add3A_14, %dma_wait3A] : memref<10240x128xf32, #tpu.memory_space<vmem_shared>> -> memref<64x128xf32, #tpu.memory_space<vmem_shared>>
      %dma_wait3A_51 = arith.constant 0 : i32
      %dma_wait3A_52 = tpu.memref_slice %arg5[%add3A_14, %dma_wait3A_51] : memref<10240x128xf32, #tpu.memory_space<vmem_shared>> -> memref<64x128xf32, #tpu.memory_space<vmem_shared>>
      tpu.wait_dma2 semaphore(%run_scoped3A : memref<!tpu.dma_semaphore, #tpu.memory_space<semaphore_mem>>) src(%arg8 : memref<64x128xf32, #tpu.memory_space<vmem>>) dst(%dma_wait3A_52 : memref<64x128xf32, #tpu.memory_space<vmem_shared>>)
      tpu.yield
    }) : () -> ()
    %add3A_15 = arith.constant 256 : i32
    %add3A_16 = arith.addi %mul3A_7, %add3A_15 : i32
    "tpu.region"() ({
      %run_scoped3A = tpu.sem_alloc : memref<!tpu.dma_semaphore, #tpu.memory_space<semaphore_mem>>
      %dma_start3A = arith.constant 0 : i32
      %dma_start3A_47 = tpu.memref_slice %arg5[%add3A_16, %dma_start3A] : memref<10240x128xf32, #tpu.memory_space<vmem_shared>> -> memref<64x128xf32, #tpu.memory_space<vmem_shared>>
      %dma_start3A_48 = arith.constant 0 : i32
      %dma_start3A_49 = tpu.memref_slice %arg5[%add3A_16, %dma_start3A_48] : memref<10240x128xf32, #tpu.memory_space<vmem_shared>> -> memref<64x128xf32, #tpu.memory_space<vmem_shared>>
      tpu.enqueue_dma source(%arg8 : memref<64x128xf32, #tpu.memory_space<vmem>>) target(%dma_start3A_49 : memref<64x128xf32, #tpu.memory_space<vmem_shared>>) target_semaphore(%run_scoped3A : memref<!tpu.dma_semaphore, #tpu.memory_space<semaphore_mem>>)
      %dma_wait3A = arith.constant 0 : i32
      %dma_wait3A_50 = tpu.memref_slice %arg5[%add3A_16, %dma_wait3A] : memref<10240x128xf32, #tpu.memory_space<vmem_shared>> -> memref<64x128xf32, #tpu.memory_space<vmem_shared>>
      %dma_wait3A_51 = arith.constant 0 : i32
      %dma_wait3A_52 = tpu.memref_slice %arg5[%add3A_16, %dma_wait3A_51] : memref<10240x128xf32, #tpu.memory_space<vmem_shared>> -> memref<64x128xf32, #tpu.memory_space<vmem_shared>>
      tpu.wait_dma2 semaphore(%run_scoped3A : memref<!tpu.dma_semaphore, #tpu.memory_space<semaphore_mem>>) src(%arg8 : memref<64x128xf32, #tpu.memory_space<vmem>>) dst(%dma_wait3A_52 : memref<64x128xf32, #tpu.memory_space<vmem_shared>>)
      tpu.yield
    }) : () -> ()
    %add3A_17 = arith.constant 320 : i32
    %add3A_18 = arith.addi %mul3A_7, %add3A_17 : i32
    "tpu.region"() ({
      %run_scoped3A = tpu.sem_alloc : memref<!tpu.dma_semaphore, #tpu.memory_space<semaphore_mem>>
      %dma_start3A = arith.constant 0 : i32
      %dma_start3A_47 = tpu.memref_slice %arg5[%add3A_18, %dma_start3A] : memref<10240x128xf32, #tpu.memory_space<vmem_shared>> -> memref<64x128xf32, #tpu.memory_space<vmem_shared>>
      %dma_start3A_48 = arith.constant 0 : i32
      %dma_start3A_49 = tpu.memref_slice %arg5[%add3A_18, %dma_start3A_48] : memref<10240x128xf32, #tpu.memory_space<vmem_shared>> -> memref<64x128xf32, #tpu.memory_space<vmem_shared>>
      tpu.enqueue_dma source(%arg8 : memref<64x128xf32, #tpu.memory_space<vmem>>) target(%dma_start3A_49 : memref<64x128xf32, #tpu.memory_space<vmem_shared>>) target_semaphore(%run_scoped3A : memref<!tpu.dma_semaphore, #tpu.memory_space<semaphore_mem>>)
      %dma_wait3A = arith.constant 0 : i32
      %dma_wait3A_50 = tpu.memref_slice %arg5[%add3A_18, %dma_wait3A] : memref<10240x128xf32, #tpu.memory_space<vmem_shared>> -> memref<64x128xf32, #tpu.memory_space<vmem_shared>>
      %dma_wait3A_51 = arith.constant 0 : i32
      %dma_wait3A_52 = tpu.memref_slice %arg5[%add3A_18, %dma_wait3A_51] : memref<10240x128xf32, #tpu.memory_space<vmem_shared>> -> memref<64x128xf32, #tpu.memory_space<vmem_shared>>
      tpu.wait_dma2 semaphore(%run_scoped3A : memref<!tpu.dma_semaphore, #tpu.memory_space<semaphore_mem>>) src(%arg8 : memref<64x128xf32, #tpu.memory_space<vmem>>) dst(%dma_wait3A_52 : memref<64x128xf32, #tpu.memory_space<vmem_shared>>)
      tpu.yield
    }) : () -> ()
    %add3A_19 = arith.constant 384 : i32
    %add3A_20 = arith.addi %mul3A_7, %add3A_19 : i32
    "tpu.region"() ({
      %run_scoped3A = tpu.sem_alloc : memref<!tpu.dma_semaphore, #tpu.memory_space<semaphore_mem>>
      %dma_start3A = arith.constant 0 : i32
      %dma_start3A_47 = tpu.memref_slice %arg5[%add3A_20, %dma_start3A] : memref<10240x128xf32, #tpu.memory_space<vmem_shared>> -> memref<64x128xf32, #tpu.memory_space<vmem_shared>>
      %dma_start3A_48 = arith.constant 0 : i32
      %dma_start3A_49 = tpu.memref_slice %arg5[%add3A_20, %dma_start3A_48] : memref<10240x128xf32, #tpu.memory_space<vmem_shared>> -> memref<64x128xf32, #tpu.memory_space<vmem_shared>>
      tpu.enqueue_dma source(%arg8 : memref<64x128xf32, #tpu.memory_space<vmem>>) target(%dma_start3A_49 : memref<64x128xf32, #tpu.memory_space<vmem_shared>>) target_semaphore(%run_scoped3A : memref<!tpu.dma_semaphore, #tpu.memory_space<semaphore_mem>>)
      %dma_wait3A = arith.constant 0 : i32
      %dma_wait3A_50 = tpu.memref_slice %arg5[%add3A_20, %dma_wait3A] : memref<10240x128xf32, #tpu.memory_space<vmem_shared>> -> memref<64x128xf32, #tpu.memory_space<vmem_shared>>
      %dma_wait3A_51 = arith.constant 0 : i32
      %dma_wait3A_52 = tpu.memref_slice %arg5[%add3A_20, %dma_wait3A_51] : memref<10240x128xf32, #tpu.memory_space<vmem_shared>> -> memref<64x128xf32, #tpu.memory_space<vmem_shared>>
      tpu.wait_dma2 semaphore(%run_scoped3A : memref<!tpu.dma_semaphore, #tpu.memory_space<semaphore_mem>>) src(%arg8 : memref<64x128xf32, #tpu.memory_space<vmem>>) dst(%dma_wait3A_52 : memref<64x128xf32, #tpu.memory_space<vmem_shared>>)
      tpu.yield
    }) : () -> ()
    %add3A_21 = arith.constant 448 : i32
    %add3A_22 = arith.addi %mul3A_7, %add3A_21 : i32
    "tpu.region"() ({
      %run_scoped3A = tpu.sem_alloc : memref<!tpu.dma_semaphore, #tpu.memory_space<semaphore_mem>>
      %dma_start3A = arith.constant 0 : i32
      %dma_start3A_47 = tpu.memref_slice %arg5[%add3A_22, %dma_start3A] : memref<10240x128xf32, #tpu.memory_space<vmem_shared>> -> memref<64x128xf32, #tpu.memory_space<vmem_shared>>
      %dma_start3A_48 = arith.constant 0 : i32
      %dma_start3A_49 = tpu.memref_slice %arg5[%add3A_22, %dma_start3A_48] : memref<10240x128xf32, #tpu.memory_space<vmem_shared>> -> memref<64x128xf32, #tpu.memory_space<vmem_shared>>
      tpu.enqueue_dma source(%arg8 : memref<64x128xf32, #tpu.memory_space<vmem>>) target(%dma_start3A_49 : memref<64x128xf32, #tpu.memory_space<vmem_shared>>) target_semaphore(%run_scoped3A : memref<!tpu.dma_semaphore, #tpu.memory_space<semaphore_mem>>)
      %dma_wait3A = arith.constant 0 : i32
      %dma_wait3A_50 = tpu.memref_slice %arg5[%add3A_22, %dma_wait3A] : memref<10240x128xf32, #tpu.memory_space<vmem_shared>> -> memref<64x128xf32, #tpu.memory_space<vmem_shared>>
      %dma_wait3A_51 = arith.constant 0 : i32
      %dma_wait3A_52 = tpu.memref_slice %arg5[%add3A_22, %dma_wait3A_51] : memref<10240x128xf32, #tpu.memory_space<vmem_shared>> -> memref<64x128xf32, #tpu.memory_space<vmem_shared>>
      tpu.wait_dma2 semaphore(%run_scoped3A : memref<!tpu.dma_semaphore, #tpu.memory_space<semaphore_mem>>) src(%arg8 : memref<64x128xf32, #tpu.memory_space<vmem>>) dst(%dma_wait3A_52 : memref<64x128xf32, #tpu.memory_space<vmem_shared>>)
      tpu.yield
    }) : () -> ()
    %add3A_23 = arith.constant 512 : i32
    %add3A_24 = arith.addi %mul3A_7, %add3A_23 : i32
    "tpu.region"() ({
      %run_scoped3A = tpu.sem_alloc : memref<!tpu.dma_semaphore, #tpu.memory_space<semaphore_mem>>
      %dma_start3A = arith.constant 0 : i32
      %dma_start3A_47 = tpu.memref_slice %arg5[%add3A_24, %dma_start3A] : memref<10240x128xf32, #tpu.memory_space<vmem_shared>> -> memref<64x128xf32, #tpu.memory_space<vmem_shared>>
      %dma_start3A_48 = arith.constant 0 : i32
      %dma_start3A_49 = tpu.memref_slice %arg5[%add3A_24, %dma_start3A_48] : memref<10240x128xf32, #tpu.memory_space<vmem_shared>> -> memref<64x128xf32, #tpu.memory_space<vmem_shared>>
      tpu.enqueue_dma source(%arg8 : memref<64x128xf32, #tpu.memory_space<vmem>>) target(%dma_start3A_49 : memref<64x128xf32, #tpu.memory_space<vmem_shared>>) target_semaphore(%run_scoped3A : memref<!tpu.dma_semaphore, #tpu.memory_space<semaphore_mem>>)
      %dma_wait3A = arith.constant 0 : i32
      %dma_wait3A_50 = tpu.memref_slice %arg5[%add3A_24, %dma_wait3A] : memref<10240x128xf32, #tpu.memory_space<vmem_shared>> -> memref<64x128xf32, #tpu.memory_space<vmem_shared>>
      %dma_wait3A_51 = arith.constant 0 : i32
      %dma_wait3A_52 = tpu.memref_slice %arg5[%add3A_24, %dma_wait3A_51] : memref<10240x128xf32, #tpu.memory_space<vmem_shared>> -> memref<64x128xf32, #tpu.memory_space<vmem_shared>>
      tpu.wait_dma2 semaphore(%run_scoped3A : memref<!tpu.dma_semaphore, #tpu.memory_space<semaphore_mem>>) src(%arg8 : memref<64x128xf32, #tpu.memory_space<vmem>>) dst(%dma_wait3A_52 : memref<64x128xf32, #tpu.memory_space<vmem_shared>>)
      tpu.yield
    }) : () -> ()
    %add3A_25 = arith.constant 576 : i32
    %add3A_26 = arith.addi %mul3A_7, %add3A_25 : i32
    "tpu.region"() ({
      %run_scoped3A = tpu.sem_alloc : memref<!tpu.dma_semaphore, #tpu.memory_space<semaphore_mem>>
      %dma_start3A = arith.constant 0 : i32
      %dma_start3A_47 = tpu.memref_slice %arg5[%add3A_26, %dma_start3A] : memref<10240x128xf32, #tpu.memory_space<vmem_shared>> -> memref<64x128xf32, #tpu.memory_space<vmem_shared>>
      %dma_start3A_48 = arith.constant 0 : i32
      %dma_start3A_49 = tpu.memref_slice %arg5[%add3A_26, %dma_start3A_48] : memref<10240x128xf32, #tpu.memory_space<vmem_shared>> -> memref<64x128xf32, #tpu.memory_space<vmem_shared>>
      tpu.enqueue_dma source(%arg8 : memref<64x128xf32, #tpu.memory_space<vmem>>) target(%dma_start3A_49 : memref<64x128xf32, #tpu.memory_space<vmem_shared>>) target_semaphore(%run_scoped3A : memref<!tpu.dma_semaphore, #tpu.memory_space<semaphore_mem>>)
      %dma_wait3A = arith.constant 0 : i32
      %dma_wait3A_50 = tpu.memref_slice %arg5[%add3A_26, %dma_wait3A] : memref<10240x128xf32, #tpu.memory_space<vmem_shared>> -> memref<64x128xf32, #tpu.memory_space<vmem_shared>>
      %dma_wait3A_51 = arith.constant 0 : i32
      %dma_wait3A_52 = tpu.memref_slice %arg5[%add3A_26, %dma_wait3A_51] : memref<10240x128xf32, #tpu.memory_space<vmem_shared>> -> memref<64x128xf32, #tpu.memory_space<vmem_shared>>
      tpu.wait_dma2 semaphore(%run_scoped3A : memref<!tpu.dma_semaphore, #tpu.memory_space<semaphore_mem>>) src(%arg8 : memref<64x128xf32, #tpu.memory_space<vmem>>) dst(%dma_wait3A_52 : memref<64x128xf32, #tpu.memory_space<vmem_shared>>)
      tpu.yield
    }) : () -> ()
    "tpu.region"() ({
      %run_scoped3A = tpu.sem_alloc : memref<!tpu.dma_semaphore, #tpu.memory_space<semaphore_mem>>
      tpu.enqueue_dma source(%arg3 : memref<128x128xf32, #tpu.memory_space<hbm>>) target(%arg7 : memref<128x128xf32, #tpu.memory_space<vmem>>) target_semaphore(%run_scoped3A : memref<!tpu.dma_semaphore, #tpu.memory_space<semaphore_mem>>)
      tpu.wait_dma2 semaphore(%run_scoped3A : memref<!tpu.dma_semaphore, #tpu.memory_space<semaphore_mem>>) src(%arg3 : memref<128x128xf32, #tpu.memory_space<hbm>>) dst(%arg7 : memref<128x128xf32, #tpu.memory_space<vmem>>)
      tpu.yield
    }) : () -> ()
    %mul3A_27 = arith.constant 2 : i32
    %mul3A_28 = arith.muli %arg1, %mul3A_27 : i32
    %add3A_29 = arith.addi %mul3A_28, %arg0 : i32
    %mul3A_30 = arith.constant 79 : i32
    %mul3A_31 = arith.muli %add3A_29, %mul3A_30 : i32
    %mul3A_32 = arith.constant 128 : i32
    %mul3A_33 = arith.muli %mul3A_31, %mul3A_32 : i32
    %barrier3A = arith.constant 0 : index
    tpu.barrier barrier_id(%barrier3A)
    %scan3A_34 = arith.constant 0 : i32
    %scan3A_35 = arith.constant 0 : i32
    %scan3A_36 = arith.constant 79 : i32
    %scan3A_37 = arith.addi %scan3A_35, %scan3A_36 : i32
    %scan3A_38 = arith.constant 1 : i32
    %scan3A_39 = scf.for %scan3A_47 = %scan3A_35 to %scan3A_37 step %scan3A_38 iter_args(%scan3A_48 = %scan3A_34) -> (i32)  : i32 {
      %mul3A_49 = arith.constant 128 : i32
      %mul3A_50 = arith.muli %scan3A_47, %mul3A_49 : i32
      %add3A_51 = arith.addi %mul3A_33, %mul3A_50 : i32
      "tpu.region"() ({
        %run_scoped3A = tpu.sem_alloc : memref<!tpu.dma_semaphore, #tpu.memory_space<semaphore_mem>>
        %dma_start3A = tpu.memref_slice %arg2[%add3A_51] : memref<323584xi32, #tpu.memory_space<hbm>> -> memref<128xi32, #tpu.memory_space<hbm>>
        %dma_start3A_53 = tpu.memref_slice %arg2[%add3A_51] : memref<323584xi32, #tpu.memory_space<hbm>> -> memref<128xi32, #tpu.memory_space<hbm>>
        tpu.enqueue_dma source(%dma_start3A_53 : memref<128xi32, #tpu.memory_space<hbm>>) target(%arg6 : memref<128xi32, #tpu.memory_space<vmem>>) target_semaphore(%run_scoped3A : memref<!tpu.dma_semaphore, #tpu.memory_space<semaphore_mem>>)
        %dma_wait3A = tpu.memref_slice %arg2[%add3A_51] : memref<323584xi32, #tpu.memory_space<hbm>> -> memref<128xi32, #tpu.memory_space<hbm>>
        %dma_wait3A_54 = tpu.memref_slice %arg2[%add3A_51] : memref<323584xi32, #tpu.memory_space<hbm>> -> memref<128xi32, #tpu.memory_space<hbm>>
        tpu.wait_dma2 semaphore(%run_scoped3A : memref<!tpu.dma_semaphore, #tpu.memory_space<semaphore_mem>>) src(%dma_wait3A_54 : memref<128xi32, #tpu.memory_space<hbm>>) dst(%arg6 : memref<128xi32, #tpu.memory_space<vmem>>)
        tpu.yield
      }) : () -> ()
      "tpu.region"() ({
        %run_scoped3A = tpu.sem_alloc : memref<!tpu.dma_semaphore, #tpu.memory_space<semaphore_mem>>
        %dma_start3A = arith.constant 0 : i32
        %dma_start3A_53 = arith.constant 0 : i32
        %dma_start3A_54 = tpu.memref_slice %arg5[%dma_start3A, %dma_start3A_53] : memref<10240x128xf32, #tpu.memory_space<vmem_shared>> -> memref<10240x128xf32, #tpu.memory_space<vmem_shared>>
        tpu.enqueue_indirect_dma source(%arg7 : memref<128x128xf32, #tpu.memory_space<vmem>>) target(%dma_start3A_54 : memref<10240x128xf32, #tpu.memory_space<vmem_shared>>) offsets(%arg6 : memref<128xi32, #tpu.memory_space<vmem>>) semaphore(%run_scoped3A : memref<!tpu.dma_semaphore, #tpu.memory_space<semaphore_mem>>) {add = true}
        %dma_wait3A = arith.constant 0 : i32
        %dma_wait3A_55 = arith.constant 0 : i32
        %dma_wait3A_56 = tpu.memref_slice %arg5[%dma_wait3A, %dma_wait3A_55] : memref<10240x128xf32, #tpu.memory_space<vmem_shared>> -> memref<10240x128xf32, #tpu.memory_space<vmem_shared>>
        tpu.wait_indirect_dma semaphore(%run_scoped3A : memref<!tpu.dma_semaphore, #tpu.memory_space<semaphore_mem>>) src(%arg7 : memref<128x128xf32, #tpu.memory_space<vmem>>) dst(%dma_wait3A_56 : memref<10240x128xf32, #tpu.memory_space<vmem_shared>>)
        tpu.yield
      }) : () -> ()
      %scan3A_52 = arith.constant 0 : i32
      scf.yield %scan3A_52 : i32
    }
    %scan3A_40 = arith.constant 79 : i32
    %barrier3A_41 = arith.constant 0 : index
    tpu.barrier barrier_id(%barrier3A_41)
    %mul3A_42 = arith.constant 640 : i32
    %mul3A_43 = arith.muli %arg1, %mul3A_42 : i32
    %mul3A_44 = arith.constant 10240 : i32
    %mul3A_45 = arith.muli %arg0, %mul3A_44 : i32
    %add3A_46 = arith.addi %mul3A_45, %mul3A_43 : i32
    "tpu.region"() ({
      %run_scoped3A = tpu.sem_alloc : memref<!tpu.dma_semaphore, #tpu.memory_space<semaphore_mem>>
      %dma_start3A = arith.constant 0 : i32
      %dma_start3A_47 = tpu.memref_slice %arg4[%add3A_46, %dma_start3A] : memref<20480x128xf32, #tpu.memory_space<hbm>> -> memref<640x128xf32, #tpu.memory_space<hbm>>
      %dma_start3A_48 = arith.constant 0 : i32
      %dma_start3A_49 = tpu.memref_slice %arg5[%mul3A_43, %dma_start3A_48] : memref<10240x128xf32, #tpu.memory_space<vmem_shared>> -> memref<640x128xf32, #tpu.memory_space<vmem_shared>>
      tpu.enqueue_dma source(%dma_start3A_49 : memref<640x128xf32, #tpu.memory_space<vmem_shared>>) target(%dma_start3A_47 : memref<640x128xf32, #tpu.memory_space<hbm>>) target_semaphore(%run_scoped3A : memref<!tpu.dma_semaphore, #tpu.memory_space<semaphore_mem>>)
      %dma_wait3A = arith.constant 0 : i32
      %dma_wait3A_50 = tpu.memref_slice %arg4[%add3A_46, %dma_wait3A] : memref<20480x128xf32, #tpu.memory_space<hbm>> -> memref<640x128xf32, #tpu.memory_space<hbm>>
      %dma_wait3A_51 = arith.constant 0 : i32
      %dma_wait3A_52 = tpu.memref_slice %arg5[%mul3A_43, %dma_wait3A_51] : memref<10240x128xf32, #tpu.memory_space<vmem_shared>> -> memref<640x128xf32, #tpu.memory_space<vmem_shared>>
      tpu.wait_dma2 semaphore(%run_scoped3A : memref<!tpu.dma_semaphore, #tpu.memory_space<semaphore_mem>>) src(%dma_wait3A_52 : memref<640x128xf32, #tpu.memory_space<vmem_shared>>) dst(%dma_wait3A_50 : memref<640x128xf32, #tpu.memory_space<hbm>>)
      tpu.yield
    }) : () -> ()
    return
  }
}

#map = affine_map<(d0, d1) -> (0, 0)>
#map1 = affine_map<(d0, d1) -> (0)>
module attributes {stable_mosaic.version = 14 : i64} {
  func.func @k(%arg0: i32, %arg1: i32, %arg2: memref<10240x128xf32, #tpu.memory_space<hbm>>, %arg3: memref<323584xi32, #tpu.memory_space<hbm>>, %arg4: memref<323584xi32, #tpu.memory_space<hbm>>, %arg5: memref<20480x128xf32, #tpu.memory_space<hbm>>, %arg6: memref<10240x128xf32, #tpu.memory_space<vmem_shared>>, %arg7: memref<128xi32, #tpu.memory_space<vmem>>, %arg8: memref<128xi32, #tpu.memory_space<vmem>>, %arg9: memref<128x128xf32, #tpu.memory_space<vmem>>, %arg10: memref<64x128xf32, #tpu.memory_space<vmem>>, %arg11: memref<!tpu.dma_semaphore, #tpu.memory_space<semaphore_mem>>) attributes {dimension_semantics = [#tpu.dimension_semantics<core_parallel>, #tpu.dimension_semantics<subcore_parallel>], iteration_bounds = array<i64: 2, 16>, scalar_prefetch = 0 : i64, scratch_operands = 6 : i64, tpu.core_type = #tpu.core_type<sc_vector_subcore>, window_params = [{transform_indices = #map}, {transform_indices = #map1}, {transform_indices = #map1}, {transform_indices = #map}]} {
    %broadcast_in_dim3A = arith.constant 0.000000e+00 : f32
    %broadcast_in_dim3A_0 = vector.broadcast %broadcast_in_dim3A : f32 to vector<16xf32>
    %scan3A = arith.constant 0 : i32
    %scan3A_1 = arith.constant 0 : i32
    %scan3A_2 = arith.constant 64 : i32
    %scan3A_3 = arith.addi %scan3A_1, %scan3A_2 : i32
    %scan3A_4 = arith.constant 1 : i32
    %scan3A_5 = scf.for %scan3A_47 = %scan3A_1 to %scan3A_3 step %scan3A_4 iter_args(%scan3A_48 = %scan3A) -> (i32)  : i32 {
      %swap3A = arith.index_cast %scan3A_47 : i32 to index
      %swap3A_49 = arith.constant 0 : index
      %swap3A_50 = tpu.vector_load %arg10[%swap3A, %swap3A_49] {strides = array<i32>} : memref<64x128xf32, #tpu.memory_space<vmem>>, vector<1x16xf32>,
      %swap3A_51 = vector.shape_cast %swap3A_50 : vector<1x16xf32> to vector<16xf32>
      %swap3A_52 = vector.shape_cast %broadcast_in_dim3A_0 : vector<16xf32> to vector<1x16xf32>
      tpu.vector_store %arg10[%swap3A, %swap3A_49], %swap3A_52 {strides = array<i32>} : memref<64x128xf32, #tpu.memory_space<vmem>>, vector<1x16xf32>,
      %swap3A_53 = arith.index_cast %scan3A_47 : i32 to index
      %swap3A_54 = arith.constant 16 : index
      %swap3A_55 = tpu.vector_load %arg10[%swap3A_53, %swap3A_54] {strides = array<i32>} : memref<64x128xf32, #tpu.memory_space<vmem>>, vector<1x16xf32>,
      %swap3A_56 = vector.shape_cast %swap3A_55 : vector<1x16xf32> to vector<16xf32>
      %swap3A_57 = vector.shape_cast %broadcast_in_dim3A_0 : vector<16xf32> to vector<1x16xf32>
      tpu.vector_store %arg10[%swap3A_53, %swap3A_54], %swap3A_57 {strides = array<i32>} : memref<64x128xf32, #tpu.memory_space<vmem>>, vector<1x16xf32>,
      %swap3A_58 = arith.index_cast %scan3A_47 : i32 to index
      %swap3A_59 = arith.constant 32 : index
      %swap3A_60 = tpu.vector_load %arg10[%swap3A_58, %swap3A_59] {strides = array<i32>} : memref<64x128xf32, #tpu.memory_space<vmem>>, vector<1x16xf32>,
      %swap3A_61 = vector.shape_cast %swap3A_60 : vector<1x16xf32> to vector<16xf32>
      %swap3A_62 = vector.shape_cast %broadcast_in_dim3A_0 : vector<16xf32> to vector<1x16xf32>
      tpu.vector_store %arg10[%swap3A_58, %swap3A_59], %swap3A_62 {strides = array<i32>} : memref<64x128xf32, #tpu.memory_space<vmem>>, vector<1x16xf32>,
      %swap3A_63 = arith.index_cast %scan3A_47 : i32 to index
      %swap3A_64 = arith.constant 48 : index
      %swap3A_65 = tpu.vector_load %arg10[%swap3A_63, %swap3A_64] {strides = array<i32>} : memref<64x128xf32, #tpu.memory_space<vmem>>, vector<1x16xf32>,
      %swap3A_66 = vector.shape_cast %swap3A_65 : vector<1x16xf32> to vector<16xf32>
      %swap3A_67 = vector.shape_cast %broadcast_in_dim3A_0 : vector<16xf32> to vector<1x16xf32>
      tpu.vector_store %arg10[%swap3A_63, %swap3A_64], %swap3A_67 {strides = array<i32>} : memref<64x128xf32, #tpu.memory_space<vmem>>, vector<1x16xf32>,
      %swap3A_68 = arith.index_cast %scan3A_47 : i32 to index
      %swap3A_69 = arith.constant 64 : index
      %swap3A_70 = tpu.vector_load %arg10[%swap3A_68, %swap3A_69] {strides = array<i32>} : memref<64x128xf32, #tpu.memory_space<vmem>>, vector<1x16xf32>,
      %swap3A_71 = vector.shape_cast %swap3A_70 : vector<1x16xf32> to vector<16xf32>
      %swap3A_72 = vector.shape_cast %broadcast_in_dim3A_0 : vector<16xf32> to vector<1x16xf32>
      tpu.vector_store %arg10[%swap3A_68, %swap3A_69], %swap3A_72 {strides = array<i32>} : memref<64x128xf32, #tpu.memory_space<vmem>>, vector<1x16xf32>,
      %swap3A_73 = arith.index_cast %scan3A_47 : i32 to index
      %swap3A_74 = arith.constant 80 : index
      %swap3A_75 = tpu.vector_load %arg10[%swap3A_73, %swap3A_74] {strides = array<i32>} : memref<64x128xf32, #tpu.memory_space<vmem>>, vector<1x16xf32>,
      %swap3A_76 = vector.shape_cast %swap3A_75 : vector<1x16xf32> to vector<16xf32>
      %swap3A_77 = vector.shape_cast %broadcast_in_dim3A_0 : vector<16xf32> to vector<1x16xf32>
      tpu.vector_store %arg10[%swap3A_73, %swap3A_74], %swap3A_77 {strides = array<i32>} : memref<64x128xf32, #tpu.memory_space<vmem>>, vector<1x16xf32>,
      %swap3A_78 = arith.index_cast %scan3A_47 : i32 to index
      %swap3A_79 = arith.constant 96 : index
      %swap3A_80 = tpu.vector_load %arg10[%swap3A_78, %swap3A_79] {strides = array<i32>} : memref<64x128xf32, #tpu.memory_space<vmem>>, vector<1x16xf32>,
      %swap3A_81 = vector.shape_cast %swap3A_80 : vector<1x16xf32> to vector<16xf32>
      %swap3A_82 = vector.shape_cast %broadcast_in_dim3A_0 : vector<16xf32> to vector<1x16xf32>
      tpu.vector_store %arg10[%swap3A_78, %swap3A_79], %swap3A_82 {strides = array<i32>} : memref<64x128xf32, #tpu.memory_space<vmem>>, vector<1x16xf32>,
      %swap3A_83 = arith.index_cast %scan3A_47 : i32 to index
      %swap3A_84 = arith.constant 112 : index
      %swap3A_85 = tpu.vector_load %arg10[%swap3A_83, %swap3A_84] {strides = array<i32>} : memref<64x128xf32, #tpu.memory_space<vmem>>, vector<1x16xf32>,
      %swap3A_86 = vector.shape_cast %swap3A_85 : vector<1x16xf32> to vector<16xf32>
      %swap3A_87 = vector.shape_cast %broadcast_in_dim3A_0 : vector<16xf32> to vector<1x16xf32>
      tpu.vector_store %arg10[%swap3A_83, %swap3A_84], %swap3A_87 {strides = array<i32>} : memref<64x128xf32, #tpu.memory_space<vmem>>, vector<1x16xf32>,
      %scan3A_88 = arith.constant 0 : i32
      scf.yield %scan3A_88 : i32
    }
    %scan3A_6 = arith.constant 64 : i32
    %mul3A = arith.constant 640 : i32
    %mul3A_7 = arith.muli %arg1, %mul3A : i32
    %add3A = arith.constant 0 : i32
    %add3A_8 = arith.addi %mul3A_7, %add3A : i32
    "tpu.region"() ({
      %run_scoped3A = tpu.sem_alloc : memref<!tpu.dma_semaphore, #tpu.memory_space<semaphore_mem>>
      %dma_start3A = arith.constant 0 : i32
      %dma_start3A_47 = tpu.memref_slice %arg6[%add3A_8, %dma_start3A] : memref<10240x128xf32, #tpu.memory_space<vmem_shared>> -> memref<64x128xf32, #tpu.memory_space<vmem_shared>>
      %dma_start3A_48 = arith.constant 0 : i32
      %dma_start3A_49 = tpu.memref_slice %arg6[%add3A_8, %dma_start3A_48] : memref<10240x128xf32, #tpu.memory_space<vmem_shared>> -> memref<64x128xf32, #tpu.memory_space<vmem_shared>>
      tpu.enqueue_dma source(%arg10 : memref<64x128xf32, #tpu.memory_space<vmem>>) target(%dma_start3A_49 : memref<64x128xf32, #tpu.memory_space<vmem_shared>>) target_semaphore(%run_scoped3A : memref<!tpu.dma_semaphore, #tpu.memory_space<semaphore_mem>>)
      %dma_wait3A = arith.constant 0 : i32
      %dma_wait3A_50 = tpu.memref_slice %arg6[%add3A_8, %dma_wait3A] : memref<10240x128xf32, #tpu.memory_space<vmem_shared>> -> memref<64x128xf32, #tpu.memory_space<vmem_shared>>
      %dma_wait3A_51 = arith.constant 0 : i32
      %dma_wait3A_52 = tpu.memref_slice %arg6[%add3A_8, %dma_wait3A_51] : memref<10240x128xf32, #tpu.memory_space<vmem_shared>> -> memref<64x128xf32, #tpu.memory_space<vmem_shared>>
      tpu.wait_dma2 semaphore(%run_scoped3A : memref<!tpu.dma_semaphore, #tpu.memory_space<semaphore_mem>>) src(%arg10 : memref<64x128xf32, #tpu.memory_space<vmem>>) dst(%dma_wait3A_52 : memref<64x128xf32, #tpu.memory_space<vmem_shared>>)
      tpu.yield
    }) : () -> ()
    %add3A_9 = arith.constant 64 : i32
    %add3A_10 = arith.addi %mul3A_7, %add3A_9 : i32
    "tpu.region"() ({
      %run_scoped3A = tpu.sem_alloc : memref<!tpu.dma_semaphore, #tpu.memory_space<semaphore_mem>>
      %dma_start3A = arith.constant 0 : i32
      %dma_start3A_47 = tpu.memref_slice %arg6[%add3A_10, %dma_start3A] : memref<10240x128xf32, #tpu.memory_space<vmem_shared>> -> memref<64x128xf32, #tpu.memory_space<vmem_shared>>
      %dma_start3A_48 = arith.constant 0 : i32
      %dma_start3A_49 = tpu.memref_slice %arg6[%add3A_10, %dma_start3A_48] : memref<10240x128xf32, #tpu.memory_space<vmem_shared>> -> memref<64x128xf32, #tpu.memory_space<vmem_shared>>
      tpu.enqueue_dma source(%arg10 : memref<64x128xf32, #tpu.memory_space<vmem>>) target(%dma_start3A_49 : memref<64x128xf32, #tpu.memory_space<vmem_shared>>) target_semaphore(%run_scoped3A : memref<!tpu.dma_semaphore, #tpu.memory_space<semaphore_mem>>)
      %dma_wait3A = arith.constant 0 : i32
      %dma_wait3A_50 = tpu.memref_slice %arg6[%add3A_10, %dma_wait3A] : memref<10240x128xf32, #tpu.memory_space<vmem_shared>> -> memref<64x128xf32, #tpu.memory_space<vmem_shared>>
      %dma_wait3A_51 = arith.constant 0 : i32
      %dma_wait3A_52 = tpu.memref_slice %arg6[%add3A_10, %dma_wait3A_51] : memref<10240x128xf32, #tpu.memory_space<vmem_shared>> -> memref<64x128xf32, #tpu.memory_space<vmem_shared>>
      tpu.wait_dma2 semaphore(%run_scoped3A : memref<!tpu.dma_semaphore, #tpu.memory_space<semaphore_mem>>) src(%arg10 : memref<64x128xf32, #tpu.memory_space<vmem>>) dst(%dma_wait3A_52 : memref<64x128xf32, #tpu.memory_space<vmem_shared>>)
      tpu.yield
    }) : () -> ()
    %add3A_11 = arith.constant 128 : i32
    %add3A_12 = arith.addi %mul3A_7, %add3A_11 : i32
    "tpu.region"() ({
      %run_scoped3A = tpu.sem_alloc : memref<!tpu.dma_semaphore, #tpu.memory_space<semaphore_mem>>
      %dma_start3A = arith.constant 0 : i32
      %dma_start3A_47 = tpu.memref_slice %arg6[%add3A_12, %dma_start3A] : memref<10240x128xf32, #tpu.memory_space<vmem_shared>> -> memref<64x128xf32, #tpu.memory_space<vmem_shared>>
      %dma_start3A_48 = arith.constant 0 : i32
      %dma_start3A_49 = tpu.memref_slice %arg6[%add3A_12, %dma_start3A_48] : memref<10240x128xf32, #tpu.memory_space<vmem_shared>> -> memref<64x128xf32, #tpu.memory_space<vmem_shared>>
      tpu.enqueue_dma source(%arg10 : memref<64x128xf32, #tpu.memory_space<vmem>>) target(%dma_start3A_49 : memref<64x128xf32, #tpu.memory_space<vmem_shared>>) target_semaphore(%run_scoped3A : memref<!tpu.dma_semaphore, #tpu.memory_space<semaphore_mem>>)
      %dma_wait3A = arith.constant 0 : i32
      %dma_wait3A_50 = tpu.memref_slice %arg6[%add3A_12, %dma_wait3A] : memref<10240x128xf32, #tpu.memory_space<vmem_shared>> -> memref<64x128xf32, #tpu.memory_space<vmem_shared>>
      %dma_wait3A_51 = arith.constant 0 : i32
      %dma_wait3A_52 = tpu.memref_slice %arg6[%add3A_12, %dma_wait3A_51] : memref<10240x128xf32, #tpu.memory_space<vmem_shared>> -> memref<64x128xf32, #tpu.memory_space<vmem_shared>>
      tpu.wait_dma2 semaphore(%run_scoped3A : memref<!tpu.dma_semaphore, #tpu.memory_space<semaphore_mem>>) src(%arg10 : memref<64x128xf32, #tpu.memory_space<vmem>>) dst(%dma_wait3A_52 : memref<64x128xf32, #tpu.memory_space<vmem_shared>>)
      tpu.yield
    }) : () -> ()
    %add3A_13 = arith.constant 192 : i32
    %add3A_14 = arith.addi %mul3A_7, %add3A_13 : i32
    "tpu.region"() ({
      %run_scoped3A = tpu.sem_alloc : memref<!tpu.dma_semaphore, #tpu.memory_space<semaphore_mem>>
      %dma_start3A = arith.constant 0 : i32
      %dma_start3A_47 = tpu.memref_slice %arg6[%add3A_14, %dma_start3A] : memref<10240x128xf32, #tpu.memory_space<vmem_shared>> -> memref<64x128xf32, #tpu.memory_space<vmem_shared>>
      %dma_start3A_48 = arith.constant 0 : i32
      %dma_start3A_49 = tpu.memref_slice %arg6[%add3A_14, %dma_start3A_48] : memref<10240x128xf32, #tpu.memory_space<vmem_shared>> -> memref<64x128xf32, #tpu.memory_space<vmem_shared>>
      tpu.enqueue_dma source(%arg10 : memref<64x128xf32, #tpu.memory_space<vmem>>) target(%dma_start3A_49 : memref<64x128xf32, #tpu.memory_space<vmem_shared>>) target_semaphore(%run_scoped3A : memref<!tpu.dma_semaphore, #tpu.memory_space<semaphore_mem>>)
      %dma_wait3A = arith.constant 0 : i32
      %dma_wait3A_50 = tpu.memref_slice %arg6[%add3A_14, %dma_wait3A] : memref<10240x128xf32, #tpu.memory_space<vmem_shared>> -> memref<64x128xf32, #tpu.memory_space<vmem_shared>>
      %dma_wait3A_51 = arith.constant 0 : i32
      %dma_wait3A_52 = tpu.memref_slice %arg6[%add3A_14, %dma_wait3A_51] : memref<10240x128xf32, #tpu.memory_space<vmem_shared>> -> memref<64x128xf32, #tpu.memory_space<vmem_shared>>
      tpu.wait_dma2 semaphore(%run_scoped3A : memref<!tpu.dma_semaphore, #tpu.memory_space<semaphore_mem>>) src(%arg10 : memref<64x128xf32, #tpu.memory_space<vmem>>) dst(%dma_wait3A_52 : memref<64x128xf32, #tpu.memory_space<vmem_shared>>)
      tpu.yield
    }) : () -> ()
    %add3A_15 = arith.constant 256 : i32
    %add3A_16 = arith.addi %mul3A_7, %add3A_15 : i32
    "tpu.region"() ({
      %run_scoped3A = tpu.sem_alloc : memref<!tpu.dma_semaphore, #tpu.memory_space<semaphore_mem>>
      %dma_start3A = arith.constant 0 : i32
      %dma_start3A_47 = tpu.memref_slice %arg6[%add3A_16, %dma_start3A] : memref<10240x128xf32, #tpu.memory_space<vmem_shared>> -> memref<64x128xf32, #tpu.memory_space<vmem_shared>>
      %dma_start3A_48 = arith.constant 0 : i32
      %dma_start3A_49 = tpu.memref_slice %arg6[%add3A_16, %dma_start3A_48] : memref<10240x128xf32, #tpu.memory_space<vmem_shared>> -> memref<64x128xf32, #tpu.memory_space<vmem_shared>>
      tpu.enqueue_dma source(%arg10 : memref<64x128xf32, #tpu.memory_space<vmem>>) target(%dma_start3A_49 : memref<64x128xf32, #tpu.memory_space<vmem_shared>>) target_semaphore(%run_scoped3A : memref<!tpu.dma_semaphore, #tpu.memory_space<semaphore_mem>>)
      %dma_wait3A = arith.constant 0 : i32
      %dma_wait3A_50 = tpu.memref_slice %arg6[%add3A_16, %dma_wait3A] : memref<10240x128xf32, #tpu.memory_space<vmem_shared>> -> memref<64x128xf32, #tpu.memory_space<vmem_shared>>
      %dma_wait3A_51 = arith.constant 0 : i32
      %dma_wait3A_52 = tpu.memref_slice %arg6[%add3A_16, %dma_wait3A_51] : memref<10240x128xf32, #tpu.memory_space<vmem_shared>> -> memref<64x128xf32, #tpu.memory_space<vmem_shared>>
      tpu.wait_dma2 semaphore(%run_scoped3A : memref<!tpu.dma_semaphore, #tpu.memory_space<semaphore_mem>>) src(%arg10 : memref<64x128xf32, #tpu.memory_space<vmem>>) dst(%dma_wait3A_52 : memref<64x128xf32, #tpu.memory_space<vmem_shared>>)
      tpu.yield
    }) : () -> ()
    %add3A_17 = arith.constant 320 : i32
    %add3A_18 = arith.addi %mul3A_7, %add3A_17 : i32
    "tpu.region"() ({
      %run_scoped3A = tpu.sem_alloc : memref<!tpu.dma_semaphore, #tpu.memory_space<semaphore_mem>>
      %dma_start3A = arith.constant 0 : i32
      %dma_start3A_47 = tpu.memref_slice %arg6[%add3A_18, %dma_start3A] : memref<10240x128xf32, #tpu.memory_space<vmem_shared>> -> memref<64x128xf32, #tpu.memory_space<vmem_shared>>
      %dma_start3A_48 = arith.constant 0 : i32
      %dma_start3A_49 = tpu.memref_slice %arg6[%add3A_18, %dma_start3A_48] : memref<10240x128xf32, #tpu.memory_space<vmem_shared>> -> memref<64x128xf32, #tpu.memory_space<vmem_shared>>
      tpu.enqueue_dma source(%arg10 : memref<64x128xf32, #tpu.memory_space<vmem>>) target(%dma_start3A_49 : memref<64x128xf32, #tpu.memory_space<vmem_shared>>) target_semaphore(%run_scoped3A : memref<!tpu.dma_semaphore, #tpu.memory_space<semaphore_mem>>)
      %dma_wait3A = arith.constant 0 : i32
      %dma_wait3A_50 = tpu.memref_slice %arg6[%add3A_18, %dma_wait3A] : memref<10240x128xf32, #tpu.memory_space<vmem_shared>> -> memref<64x128xf32, #tpu.memory_space<vmem_shared>>
      %dma_wait3A_51 = arith.constant 0 : i32
      %dma_wait3A_52 = tpu.memref_slice %arg6[%add3A_18, %dma_wait3A_51] : memref<10240x128xf32, #tpu.memory_space<vmem_shared>> -> memref<64x128xf32, #tpu.memory_space<vmem_shared>>
      tpu.wait_dma2 semaphore(%run_scoped3A : memref<!tpu.dma_semaphore, #tpu.memory_space<semaphore_mem>>) src(%arg10 : memref<64x128xf32, #tpu.memory_space<vmem>>) dst(%dma_wait3A_52 : memref<64x128xf32, #tpu.memory_space<vmem_shared>>)
      tpu.yield
    }) : () -> ()
    %add3A_19 = arith.constant 384 : i32
    %add3A_20 = arith.addi %mul3A_7, %add3A_19 : i32
    "tpu.region"() ({
      %run_scoped3A = tpu.sem_alloc : memref<!tpu.dma_semaphore, #tpu.memory_space<semaphore_mem>>
      %dma_start3A = arith.constant 0 : i32
      %dma_start3A_47 = tpu.memref_slice %arg6[%add3A_20, %dma_start3A] : memref<10240x128xf32, #tpu.memory_space<vmem_shared>> -> memref<64x128xf32, #tpu.memory_space<vmem_shared>>
      %dma_start3A_48 = arith.constant 0 : i32
      %dma_start3A_49 = tpu.memref_slice %arg6[%add3A_20, %dma_start3A_48] : memref<10240x128xf32, #tpu.memory_space<vmem_shared>> -> memref<64x128xf32, #tpu.memory_space<vmem_shared>>
      tpu.enqueue_dma source(%arg10 : memref<64x128xf32, #tpu.memory_space<vmem>>) target(%dma_start3A_49 : memref<64x128xf32, #tpu.memory_space<vmem_shared>>) target_semaphore(%run_scoped3A : memref<!tpu.dma_semaphore, #tpu.memory_space<semaphore_mem>>)
      %dma_wait3A = arith.constant 0 : i32
      %dma_wait3A_50 = tpu.memref_slice %arg6[%add3A_20, %dma_wait3A] : memref<10240x128xf32, #tpu.memory_space<vmem_shared>> -> memref<64x128xf32, #tpu.memory_space<vmem_shared>>
      %dma_wait3A_51 = arith.constant 0 : i32
      %dma_wait3A_52 = tpu.memref_slice %arg6[%add3A_20, %dma_wait3A_51] : memref<10240x128xf32, #tpu.memory_space<vmem_shared>> -> memref<64x128xf32, #tpu.memory_space<vmem_shared>>
      tpu.wait_dma2 semaphore(%run_scoped3A : memref<!tpu.dma_semaphore, #tpu.memory_space<semaphore_mem>>) src(%arg10 : memref<64x128xf32, #tpu.memory_space<vmem>>) dst(%dma_wait3A_52 : memref<64x128xf32, #tpu.memory_space<vmem_shared>>)
      tpu.yield
    }) : () -> ()
    %add3A_21 = arith.constant 448 : i32
    %add3A_22 = arith.addi %mul3A_7, %add3A_21 : i32
    "tpu.region"() ({
      %run_scoped3A = tpu.sem_alloc : memref<!tpu.dma_semaphore, #tpu.memory_space<semaphore_mem>>
      %dma_start3A = arith.constant 0 : i32
      %dma_start3A_47 = tpu.memref_slice %arg6[%add3A_22, %dma_start3A] : memref<10240x128xf32, #tpu.memory_space<vmem_shared>> -> memref<64x128xf32, #tpu.memory_space<vmem_shared>>
      %dma_start3A_48 = arith.constant 0 : i32
      %dma_start3A_49 = tpu.memref_slice %arg6[%add3A_22, %dma_start3A_48] : memref<10240x128xf32, #tpu.memory_space<vmem_shared>> -> memref<64x128xf32, #tpu.memory_space<vmem_shared>>
      tpu.enqueue_dma source(%arg10 : memref<64x128xf32, #tpu.memory_space<vmem>>) target(%dma_start3A_49 : memref<64x128xf32, #tpu.memory_space<vmem_shared>>) target_semaphore(%run_scoped3A : memref<!tpu.dma_semaphore, #tpu.memory_space<semaphore_mem>>)
      %dma_wait3A = arith.constant 0 : i32
      %dma_wait3A_50 = tpu.memref_slice %arg6[%add3A_22, %dma_wait3A] : memref<10240x128xf32, #tpu.memory_space<vmem_shared>> -> memref<64x128xf32, #tpu.memory_space<vmem_shared>>
      %dma_wait3A_51 = arith.constant 0 : i32
      %dma_wait3A_52 = tpu.memref_slice %arg6[%add3A_22, %dma_wait3A_51] : memref<10240x128xf32, #tpu.memory_space<vmem_shared>> -> memref<64x128xf32, #tpu.memory_space<vmem_shared>>
      tpu.wait_dma2 semaphore(%run_scoped3A : memref<!tpu.dma_semaphore, #tpu.memory_space<semaphore_mem>>) src(%arg10 : memref<64x128xf32, #tpu.memory_space<vmem>>) dst(%dma_wait3A_52 : memref<64x128xf32, #tpu.memory_space<vmem_shared>>)
      tpu.yield
    }) : () -> ()
    %add3A_23 = arith.constant 512 : i32
    %add3A_24 = arith.addi %mul3A_7, %add3A_23 : i32
    "tpu.region"() ({
      %run_scoped3A = tpu.sem_alloc : memref<!tpu.dma_semaphore, #tpu.memory_space<semaphore_mem>>
      %dma_start3A = arith.constant 0 : i32
      %dma_start3A_47 = tpu.memref_slice %arg6[%add3A_24, %dma_start3A] : memref<10240x128xf32, #tpu.memory_space<vmem_shared>> -> memref<64x128xf32, #tpu.memory_space<vmem_shared>>
      %dma_start3A_48 = arith.constant 0 : i32
      %dma_start3A_49 = tpu.memref_slice %arg6[%add3A_24, %dma_start3A_48] : memref<10240x128xf32, #tpu.memory_space<vmem_shared>> -> memref<64x128xf32, #tpu.memory_space<vmem_shared>>
      tpu.enqueue_dma source(%arg10 : memref<64x128xf32, #tpu.memory_space<vmem>>) target(%dma_start3A_49 : memref<64x128xf32, #tpu.memory_space<vmem_shared>>) target_semaphore(%run_scoped3A : memref<!tpu.dma_semaphore, #tpu.memory_space<semaphore_mem>>)
      %dma_wait3A = arith.constant 0 : i32
      %dma_wait3A_50 = tpu.memref_slice %arg6[%add3A_24, %dma_wait3A] : memref<10240x128xf32, #tpu.memory_space<vmem_shared>> -> memref<64x128xf32, #tpu.memory_space<vmem_shared>>
      %dma_wait3A_51 = arith.constant 0 : i32
      %dma_wait3A_52 = tpu.memref_slice %arg6[%add3A_24, %dma_wait3A_51] : memref<10240x128xf32, #tpu.memory_space<vmem_shared>> -> memref<64x128xf32, #tpu.memory_space<vmem_shared>>
      tpu.wait_dma2 semaphore(%run_scoped3A : memref<!tpu.dma_semaphore, #tpu.memory_space<semaphore_mem>>) src(%arg10 : memref<64x128xf32, #tpu.memory_space<vmem>>) dst(%dma_wait3A_52 : memref<64x128xf32, #tpu.memory_space<vmem_shared>>)
      tpu.yield
    }) : () -> ()
    %add3A_25 = arith.constant 576 : i32
    %add3A_26 = arith.addi %mul3A_7, %add3A_25 : i32
    "tpu.region"() ({
      %run_scoped3A = tpu.sem_alloc : memref<!tpu.dma_semaphore, #tpu.memory_space<semaphore_mem>>
      %dma_start3A = arith.constant 0 : i32
      %dma_start3A_47 = tpu.memref_slice %arg6[%add3A_26, %dma_start3A] : memref<10240x128xf32, #tpu.memory_space<vmem_shared>> -> memref<64x128xf32, #tpu.memory_space<vmem_shared>>
      %dma_start3A_48 = arith.constant 0 : i32
      %dma_start3A_49 = tpu.memref_slice %arg6[%add3A_26, %dma_start3A_48] : memref<10240x128xf32, #tpu.memory_space<vmem_shared>> -> memref<64x128xf32, #tpu.memory_space<vmem_shared>>
      tpu.enqueue_dma source(%arg10 : memref<64x128xf32, #tpu.memory_space<vmem>>) target(%dma_start3A_49 : memref<64x128xf32, #tpu.memory_space<vmem_shared>>) target_semaphore(%run_scoped3A : memref<!tpu.dma_semaphore, #tpu.memory_space<semaphore_mem>>)
      %dma_wait3A = arith.constant 0 : i32
      %dma_wait3A_50 = tpu.memref_slice %arg6[%add3A_26, %dma_wait3A] : memref<10240x128xf32, #tpu.memory_space<vmem_shared>> -> memref<64x128xf32, #tpu.memory_space<vmem_shared>>
      %dma_wait3A_51 = arith.constant 0 : i32
      %dma_wait3A_52 = tpu.memref_slice %arg6[%add3A_26, %dma_wait3A_51] : memref<10240x128xf32, #tpu.memory_space<vmem_shared>> -> memref<64x128xf32, #tpu.memory_space<vmem_shared>>
      tpu.wait_dma2 semaphore(%run_scoped3A : memref<!tpu.dma_semaphore, #tpu.memory_space<semaphore_mem>>) src(%arg10 : memref<64x128xf32, #tpu.memory_space<vmem>>) dst(%dma_wait3A_52 : memref<64x128xf32, #tpu.memory_space<vmem_shared>>)
      tpu.yield
    }) : () -> ()
    %mul3A_27 = arith.constant 2 : i32
    %mul3A_28 = arith.muli %arg1, %mul3A_27 : i32
    %add3A_29 = arith.addi %mul3A_28, %arg0 : i32
    %mul3A_30 = arith.constant 79 : i32
    %mul3A_31 = arith.muli %add3A_29, %mul3A_30 : i32
    %mul3A_32 = arith.constant 128 : i32
    %mul3A_33 = arith.muli %mul3A_31, %mul3A_32 : i32
    %barrier3A = arith.constant 0 : index
    tpu.barrier barrier_id(%barrier3A)
    %scan3A_34 = arith.constant 0 : i32
    %scan3A_35 = arith.constant 0 : i32
    %scan3A_36 = arith.constant 79 : i32
    %scan3A_37 = arith.addi %scan3A_35, %scan3A_36 : i32
    %scan3A_38 = arith.constant 1 : i32
    %scan3A_39 = scf.for %scan3A_47 = %scan3A_35 to %scan3A_37 step %scan3A_38 iter_args(%scan3A_48 = %scan3A_34) -> (i32)  : i32 {
      %mul3A_49 = arith.constant 128 : i32
      %mul3A_50 = arith.muli %scan3A_47, %mul3A_49 : i32
      %add3A_51 = arith.addi %mul3A_33, %mul3A_50 : i32
      "tpu.region"() ({
        %run_scoped3A = tpu.sem_alloc : memref<!tpu.dma_semaphore, #tpu.memory_space<semaphore_mem>>
        %dma_start3A_57 = tpu.memref_slice %arg3[%add3A_51] : memref<323584xi32, #tpu.memory_space<hbm>> -> memref<128xi32, #tpu.memory_space<hbm>>
        %dma_start3A_58 = tpu.memref_slice %arg3[%add3A_51] : memref<323584xi32, #tpu.memory_space<hbm>> -> memref<128xi32, #tpu.memory_space<hbm>>
        tpu.enqueue_dma source(%dma_start3A_58 : memref<128xi32, #tpu.memory_space<hbm>>) target(%arg7 : memref<128xi32, #tpu.memory_space<vmem>>) target_semaphore(%run_scoped3A : memref<!tpu.dma_semaphore, #tpu.memory_space<semaphore_mem>>)
        %dma_wait3A_59 = tpu.memref_slice %arg3[%add3A_51] : memref<323584xi32, #tpu.memory_space<hbm>> -> memref<128xi32, #tpu.memory_space<hbm>>
        %dma_wait3A_60 = tpu.memref_slice %arg3[%add3A_51] : memref<323584xi32, #tpu.memory_space<hbm>> -> memref<128xi32, #tpu.memory_space<hbm>>
        tpu.wait_dma2 semaphore(%run_scoped3A : memref<!tpu.dma_semaphore, #tpu.memory_space<semaphore_mem>>) src(%dma_wait3A_60 : memref<128xi32, #tpu.memory_space<hbm>>) dst(%arg7 : memref<128xi32, #tpu.memory_space<vmem>>)
        tpu.yield
      }) : () -> ()
      "tpu.region"() ({
        %run_scoped3A = tpu.sem_alloc : memref<!tpu.dma_semaphore, #tpu.memory_space<semaphore_mem>>
        %dma_start3A_57 = tpu.memref_slice %arg4[%add3A_51] : memref<323584xi32, #tpu.memory_space<hbm>> -> memref<128xi32, #tpu.memory_space<hbm>>
        %dma_start3A_58 = tpu.memref_slice %arg4[%add3A_51] : memref<323584xi32, #tpu.memory_space<hbm>> -> memref<128xi32, #tpu.memory_space<hbm>>
        tpu.enqueue_dma source(%dma_start3A_58 : memref<128xi32, #tpu.memory_space<hbm>>) target(%arg8 : memref<128xi32, #tpu.memory_space<vmem>>) target_semaphore(%run_scoped3A : memref<!tpu.dma_semaphore, #tpu.memory_space<semaphore_mem>>)
        %dma_wait3A_59 = tpu.memref_slice %arg4[%add3A_51] : memref<323584xi32, #tpu.memory_space<hbm>> -> memref<128xi32, #tpu.memory_space<hbm>>
        %dma_wait3A_60 = tpu.memref_slice %arg4[%add3A_51] : memref<323584xi32, #tpu.memory_space<hbm>> -> memref<128xi32, #tpu.memory_space<hbm>>
        tpu.wait_dma2 semaphore(%run_scoped3A : memref<!tpu.dma_semaphore, #tpu.memory_space<semaphore_mem>>) src(%dma_wait3A_60 : memref<128xi32, #tpu.memory_space<hbm>>) dst(%arg8 : memref<128xi32, #tpu.memory_space<vmem>>)
        tpu.yield
      }) : () -> ()
      %dma_start3A = arith.constant 0 : i32
      %dma_start3A_52 = arith.constant 0 : i32
      %dma_start3A_53 = tpu.memref_slice %arg2[%dma_start3A, %dma_start3A_52] : memref<10240x128xf32, #tpu.memory_space<hbm>> -> memref<10240x128xf32, #tpu.memory_space<hbm>>
      tpu.enqueue_indirect_dma source(%dma_start3A_53 : memref<10240x128xf32, #tpu.memory_space<hbm>>) target(%arg9 : memref<128x128xf32, #tpu.memory_space<vmem>>) offsets(%arg7 : memref<128xi32, #tpu.memory_space<vmem>>) semaphore(%arg11 : memref<!tpu.dma_semaphore, #tpu.memory_space<semaphore_mem>>)
      %dma_wait3A = arith.constant 0 : i32
      %dma_wait3A_54 = arith.constant 0 : i32
      %dma_wait3A_55 = tpu.memref_slice %arg2[%dma_wait3A, %dma_wait3A_54] : memref<10240x128xf32, #tpu.memory_space<hbm>> -> memref<10240x128xf32, #tpu.memory_space<hbm>>
      tpu.wait_indirect_dma semaphore(%arg11 : memref<!tpu.dma_semaphore, #tpu.memory_space<semaphore_mem>>) src(%dma_wait3A_55 : memref<10240x128xf32, #tpu.memory_space<hbm>>) dst(%arg9 : memref<128x128xf32, #tpu.memory_space<vmem>>)
      "tpu.region"() ({
        %run_scoped3A = tpu.sem_alloc : memref<!tpu.dma_semaphore, #tpu.memory_space<semaphore_mem>>
        %dma_start3A_57 = arith.constant 0 : i32
        %dma_start3A_58 = arith.constant 0 : i32
        %dma_start3A_59 = tpu.memref_slice %arg6[%dma_start3A_57, %dma_start3A_58] : memref<10240x128xf32, #tpu.memory_space<vmem_shared>> -> memref<10240x128xf32, #tpu.memory_space<vmem_shared>>
        tpu.enqueue_indirect_dma source(%arg9 : memref<128x128xf32, #tpu.memory_space<vmem>>) target(%dma_start3A_59 : memref<10240x128xf32, #tpu.memory_space<vmem_shared>>) offsets(%arg8 : memref<128xi32, #tpu.memory_space<vmem>>) semaphore(%run_scoped3A : memref<!tpu.dma_semaphore, #tpu.memory_space<semaphore_mem>>) {add = true}
        %dma_wait3A_60 = arith.constant 0 : i32
        %dma_wait3A_61 = arith.constant 0 : i32
        %dma_wait3A_62 = tpu.memref_slice %arg6[%dma_wait3A_60, %dma_wait3A_61] : memref<10240x128xf32, #tpu.memory_space<vmem_shared>> -> memref<10240x128xf32, #tpu.memory_space<vmem_shared>>
        tpu.wait_indirect_dma semaphore(%run_scoped3A : memref<!tpu.dma_semaphore, #tpu.memory_space<semaphore_mem>>) src(%arg9 : memref<128x128xf32, #tpu.memory_space<vmem>>) dst(%dma_wait3A_62 : memref<10240x128xf32, #tpu.memory_space<vmem_shared>>)
        tpu.yield
      }) : () -> ()
      %scan3A_56 = arith.constant 0 : i32
      scf.yield %scan3A_56 : i32
    }
    %scan3A_40 = arith.constant 79 : i32
    %barrier3A_41 = arith.constant 0 : index
    tpu.barrier barrier_id(%barrier3A_41)
    %mul3A_42 = arith.constant 640 : i32
    %mul3A_43 = arith.muli %arg1, %mul3A_42 : i32
    %mul3A_44 = arith.constant 10240 : i32
    %mul3A_45 = arith.muli %arg0, %mul3A_44 : i32
    %add3A_46 = arith.addi %mul3A_45, %mul3A_43 : i32
    "tpu.region"() ({
      %run_scoped3A = tpu.sem_alloc : memref<!tpu.dma_semaphore, #tpu.memory_space<semaphore_mem>>
      %dma_start3A = arith.constant 0 : i32
      %dma_start3A_47 = tpu.memref_slice %arg5[%add3A_46, %dma_start3A] : memref<20480x128xf32, #tpu.memory_space<hbm>> -> memref<640x128xf32, #tpu.memory_space<hbm>>
      %dma_start3A_48 = arith.constant 0 : i32
      %dma_start3A_49 = tpu.memref_slice %arg6[%mul3A_43, %dma_start3A_48] : memref<10240x128xf32, #tpu.memory_space<vmem_shared>> -> memref<640x128xf32, #tpu.memory_space<vmem_shared>>
      tpu.enqueue_dma source(%dma_start3A_49 : memref<640x128xf32, #tpu.memory_space<vmem_shared>>) target(%dma_start3A_47 : memref<640x128xf32, #tpu.memory_space<hbm>>) target_semaphore(%run_scoped3A : memref<!tpu.dma_semaphore, #tpu.memory_space<semaphore_mem>>)
      %dma_wait3A = arith.constant 0 : i32
      %dma_wait3A_50 = tpu.memref_slice %arg5[%add3A_46, %dma_wait3A] : memref<20480x128xf32, #tpu.memory_space<hbm>> -> memref<640x128xf32, #tpu.memory_space<hbm>>
      %dma_wait3A_51 = arith.constant 0 : i32
      %dma_wait3A_52 = tpu.memref_slice %arg6[%mul3A_43, %dma_wait3A_51] : memref<10240x128xf32, #tpu.memory_space<vmem_shared>> -> memref<640x128xf32, #tpu.memory_space<vmem_shared>>
      tpu.wait_dma2 semaphore(%run_scoped3A : memref<!tpu.dma_semaphore, #tpu.memory_space<semaphore_mem>>) src(%dma_wait3A_52 : memref<640x128xf32, #tpu.memory_space<vmem_shared>>) dst(%dma_wait3A_50 : memref<640x128xf32, #tpu.memory_space<hbm>>)
      tpu.yield
    }) : () -> ()
    return
  }
}

#map = affine_map<(d0, d1) -> (0, 0)>
#map1 = affine_map<(d0, d1) -> (0)>
module attributes {stable_mosaic.version = 14 : i64} {
  func.func @k(%arg0: i32, %arg1: i32, %arg2: memref<10240x128xf32, #tpu.memory_space<hbm>>, %arg3: memref<323584xi32, #tpu.memory_space<hbm>>, %arg4: memref<323584xi32, #tpu.memory_space<hbm>>, %arg5: memref<20480x128xf32, #tpu.memory_space<hbm>>, %arg6: memref<10240x128xf32, #tpu.memory_space<vmem_shared>>, %arg7: memref<128xi32, #tpu.memory_space<vmem>>, %arg8: memref<128xi32, #tpu.memory_space<vmem>>, %arg9: memref<128x128xf32, #tpu.memory_space<vmem>>, %arg10: memref<64x128xf32, #tpu.memory_space<vmem>>, %arg11: memref<!tpu.dma_semaphore, #tpu.memory_space<semaphore_mem>>) attributes {dimension_semantics = [#tpu.dimension_semantics<core_parallel>, #tpu.dimension_semantics<subcore_parallel>], iteration_bounds = array<i64: 2, 16>, scalar_prefetch = 0 : i64, scratch_operands = 6 : i64, tpu.core_type = #tpu.core_type<sc_vector_subcore>, window_params = [{transform_indices = #map}, {transform_indices = #map1}, {transform_indices = #map1}, {transform_indices = #map}]} {
    %broadcast_in_dim3A = arith.constant 0.000000e+00 : f32
    %broadcast_in_dim3A_0 = vector.broadcast %broadcast_in_dim3A : f32 to vector<16xf32>
    %scan3A = arith.constant 0 : i32
    %scan3A_1 = arith.constant 0 : i32
    %scan3A_2 = arith.constant 64 : i32
    %scan3A_3 = arith.addi %scan3A_1, %scan3A_2 : i32
    %scan3A_4 = arith.constant 1 : i32
    %scan3A_5 = scf.for %scan3A_47 = %scan3A_1 to %scan3A_3 step %scan3A_4 iter_args(%scan3A_48 = %scan3A) -> (i32)  : i32 {
      %swap3A = arith.index_cast %scan3A_47 : i32 to index
      %swap3A_49 = arith.constant 0 : index
      %swap3A_50 = tpu.vector_load %arg10[%swap3A, %swap3A_49] {strides = array<i32>} : memref<64x128xf32, #tpu.memory_space<vmem>>, vector<1x16xf32>,
      %swap3A_51 = vector.shape_cast %swap3A_50 : vector<1x16xf32> to vector<16xf32>
      %swap3A_52 = vector.shape_cast %broadcast_in_dim3A_0 : vector<16xf32> to vector<1x16xf32>
      tpu.vector_store %arg10[%swap3A, %swap3A_49], %swap3A_52 {strides = array<i32>} : memref<64x128xf32, #tpu.memory_space<vmem>>, vector<1x16xf32>,
      %swap3A_53 = arith.index_cast %scan3A_47 : i32 to index
      %swap3A_54 = arith.constant 16 : index
      %swap3A_55 = tpu.vector_load %arg10[%swap3A_53, %swap3A_54] {strides = array<i32>} : memref<64x128xf32, #tpu.memory_space<vmem>>, vector<1x16xf32>,
      %swap3A_56 = vector.shape_cast %swap3A_55 : vector<1x16xf32> to vector<16xf32>
      %swap3A_57 = vector.shape_cast %broadcast_in_dim3A_0 : vector<16xf32> to vector<1x16xf32>
      tpu.vector_store %arg10[%swap3A_53, %swap3A_54], %swap3A_57 {strides = array<i32>} : memref<64x128xf32, #tpu.memory_space<vmem>>, vector<1x16xf32>,
      %swap3A_58 = arith.index_cast %scan3A_47 : i32 to index
      %swap3A_59 = arith.constant 32 : index
      %swap3A_60 = tpu.vector_load %arg10[%swap3A_58, %swap3A_59] {strides = array<i32>} : memref<64x128xf32, #tpu.memory_space<vmem>>, vector<1x16xf32>,
      %swap3A_61 = vector.shape_cast %swap3A_60 : vector<1x16xf32> to vector<16xf32>
      %swap3A_62 = vector.shape_cast %broadcast_in_dim3A_0 : vector<16xf32> to vector<1x16xf32>
      tpu.vector_store %arg10[%swap3A_58, %swap3A_59], %swap3A_62 {strides = array<i32>} : memref<64x128xf32, #tpu.memory_space<vmem>>, vector<1x16xf32>,
      %swap3A_63 = arith.index_cast %scan3A_47 : i32 to index
      %swap3A_64 = arith.constant 48 : index
      %swap3A_65 = tpu.vector_load %arg10[%swap3A_63, %swap3A_64] {strides = array<i32>} : memref<64x128xf32, #tpu.memory_space<vmem>>, vector<1x16xf32>,
      %swap3A_66 = vector.shape_cast %swap3A_65 : vector<1x16xf32> to vector<16xf32>
      %swap3A_67 = vector.shape_cast %broadcast_in_dim3A_0 : vector<16xf32> to vector<1x16xf32>
      tpu.vector_store %arg10[%swap3A_63, %swap3A_64], %swap3A_67 {strides = array<i32>} : memref<64x128xf32, #tpu.memory_space<vmem>>, vector<1x16xf32>,
      %swap3A_68 = arith.index_cast %scan3A_47 : i32 to index
      %swap3A_69 = arith.constant 64 : index
      %swap3A_70 = tpu.vector_load %arg10[%swap3A_68, %swap3A_69] {strides = array<i32>} : memref<64x128xf32, #tpu.memory_space<vmem>>, vector<1x16xf32>,
      %swap3A_71 = vector.shape_cast %swap3A_70 : vector<1x16xf32> to vector<16xf32>
      %swap3A_72 = vector.shape_cast %broadcast_in_dim3A_0 : vector<16xf32> to vector<1x16xf32>
      tpu.vector_store %arg10[%swap3A_68, %swap3A_69], %swap3A_72 {strides = array<i32>} : memref<64x128xf32, #tpu.memory_space<vmem>>, vector<1x16xf32>,
      %swap3A_73 = arith.index_cast %scan3A_47 : i32 to index
      %swap3A_74 = arith.constant 80 : index
      %swap3A_75 = tpu.vector_load %arg10[%swap3A_73, %swap3A_74] {strides = array<i32>} : memref<64x128xf32, #tpu.memory_space<vmem>>, vector<1x16xf32>,
      %swap3A_76 = vector.shape_cast %swap3A_75 : vector<1x16xf32> to vector<16xf32>
      %swap3A_77 = vector.shape_cast %broadcast_in_dim3A_0 : vector<16xf32> to vector<1x16xf32>
      tpu.vector_store %arg10[%swap3A_73, %swap3A_74], %swap3A_77 {strides = array<i32>} : memref<64x128xf32, #tpu.memory_space<vmem>>, vector<1x16xf32>,
      %swap3A_78 = arith.index_cast %scan3A_47 : i32 to index
      %swap3A_79 = arith.constant 96 : index
      %swap3A_80 = tpu.vector_load %arg10[%swap3A_78, %swap3A_79] {strides = array<i32>} : memref<64x128xf32, #tpu.memory_space<vmem>>, vector<1x16xf32>,
      %swap3A_81 = vector.shape_cast %swap3A_80 : vector<1x16xf32> to vector<16xf32>
      %swap3A_82 = vector.shape_cast %broadcast_in_dim3A_0 : vector<16xf32> to vector<1x16xf32>
      tpu.vector_store %arg10[%swap3A_78, %swap3A_79], %swap3A_82 {strides = array<i32>} : memref<64x128xf32, #tpu.memory_space<vmem>>, vector<1x16xf32>,
      %swap3A_83 = arith.index_cast %scan3A_47 : i32 to index
      %swap3A_84 = arith.constant 112 : index
      %swap3A_85 = tpu.vector_load %arg10[%swap3A_83, %swap3A_84] {strides = array<i32>} : memref<64x128xf32, #tpu.memory_space<vmem>>, vector<1x16xf32>,
      %swap3A_86 = vector.shape_cast %swap3A_85 : vector<1x16xf32> to vector<16xf32>
      %swap3A_87 = vector.shape_cast %broadcast_in_dim3A_0 : vector<16xf32> to vector<1x16xf32>
      tpu.vector_store %arg10[%swap3A_83, %swap3A_84], %swap3A_87 {strides = array<i32>} : memref<64x128xf32, #tpu.memory_space<vmem>>, vector<1x16xf32>,
      %scan3A_88 = arith.constant 0 : i32
      scf.yield %scan3A_88 : i32
    }
    %scan3A_6 = arith.constant 64 : i32
    %mul3A = arith.constant 640 : i32
    %mul3A_7 = arith.muli %arg1, %mul3A : i32
    %add3A = arith.constant 0 : i32
    %add3A_8 = arith.addi %mul3A_7, %add3A : i32
    "tpu.region"() ({
      %run_scoped3A = tpu.sem_alloc : memref<!tpu.dma_semaphore, #tpu.memory_space<semaphore_mem>>
      %dma_start3A = arith.constant 0 : i32
      %dma_start3A_47 = tpu.memref_slice %arg6[%add3A_8, %dma_start3A] : memref<10240x128xf32, #tpu.memory_space<vmem_shared>> -> memref<64x128xf32, #tpu.memory_space<vmem_shared>>
      %dma_start3A_48 = arith.constant 0 : i32
      %dma_start3A_49 = tpu.memref_slice %arg6[%add3A_8, %dma_start3A_48] : memref<10240x128xf32, #tpu.memory_space<vmem_shared>> -> memref<64x128xf32, #tpu.memory_space<vmem_shared>>
      tpu.enqueue_dma source(%arg10 : memref<64x128xf32, #tpu.memory_space<vmem>>) target(%dma_start3A_49 : memref<64x128xf32, #tpu.memory_space<vmem_shared>>) target_semaphore(%run_scoped3A : memref<!tpu.dma_semaphore, #tpu.memory_space<semaphore_mem>>)
      %dma_wait3A = arith.constant 0 : i32
      %dma_wait3A_50 = tpu.memref_slice %arg6[%add3A_8, %dma_wait3A] : memref<10240x128xf32, #tpu.memory_space<vmem_shared>> -> memref<64x128xf32, #tpu.memory_space<vmem_shared>>
      %dma_wait3A_51 = arith.constant 0 : i32
      %dma_wait3A_52 = tpu.memref_slice %arg6[%add3A_8, %dma_wait3A_51] : memref<10240x128xf32, #tpu.memory_space<vmem_shared>> -> memref<64x128xf32, #tpu.memory_space<vmem_shared>>
      tpu.wait_dma2 semaphore(%run_scoped3A : memref<!tpu.dma_semaphore, #tpu.memory_space<semaphore_mem>>) src(%arg10 : memref<64x128xf32, #tpu.memory_space<vmem>>) dst(%dma_wait3A_52 : memref<64x128xf32, #tpu.memory_space<vmem_shared>>)
      tpu.yield
    }) : () -> ()
    %add3A_9 = arith.constant 64 : i32
    %add3A_10 = arith.addi %mul3A_7, %add3A_9 : i32
    "tpu.region"() ({
      %run_scoped3A = tpu.sem_alloc : memref<!tpu.dma_semaphore, #tpu.memory_space<semaphore_mem>>
      %dma_start3A = arith.constant 0 : i32
      %dma_start3A_47 = tpu.memref_slice %arg6[%add3A_10, %dma_start3A] : memref<10240x128xf32, #tpu.memory_space<vmem_shared>> -> memref<64x128xf32, #tpu.memory_space<vmem_shared>>
      %dma_start3A_48 = arith.constant 0 : i32
      %dma_start3A_49 = tpu.memref_slice %arg6[%add3A_10, %dma_start3A_48] : memref<10240x128xf32, #tpu.memory_space<vmem_shared>> -> memref<64x128xf32, #tpu.memory_space<vmem_shared>>
      tpu.enqueue_dma source(%arg10 : memref<64x128xf32, #tpu.memory_space<vmem>>) target(%dma_start3A_49 : memref<64x128xf32, #tpu.memory_space<vmem_shared>>) target_semaphore(%run_scoped3A : memref<!tpu.dma_semaphore, #tpu.memory_space<semaphore_mem>>)
      %dma_wait3A = arith.constant 0 : i32
      %dma_wait3A_50 = tpu.memref_slice %arg6[%add3A_10, %dma_wait3A] : memref<10240x128xf32, #tpu.memory_space<vmem_shared>> -> memref<64x128xf32, #tpu.memory_space<vmem_shared>>
      %dma_wait3A_51 = arith.constant 0 : i32
      %dma_wait3A_52 = tpu.memref_slice %arg6[%add3A_10, %dma_wait3A_51] : memref<10240x128xf32, #tpu.memory_space<vmem_shared>> -> memref<64x128xf32, #tpu.memory_space<vmem_shared>>
      tpu.wait_dma2 semaphore(%run_scoped3A : memref<!tpu.dma_semaphore, #tpu.memory_space<semaphore_mem>>) src(%arg10 : memref<64x128xf32, #tpu.memory_space<vmem>>) dst(%dma_wait3A_52 : memref<64x128xf32, #tpu.memory_space<vmem_shared>>)
      tpu.yield
    }) : () -> ()
    %add3A_11 = arith.constant 128 : i32
    %add3A_12 = arith.addi %mul3A_7, %add3A_11 : i32
    "tpu.region"() ({
      %run_scoped3A = tpu.sem_alloc : memref<!tpu.dma_semaphore, #tpu.memory_space<semaphore_mem>>
      %dma_start3A = arith.constant 0 : i32
      %dma_start3A_47 = tpu.memref_slice %arg6[%add3A_12, %dma_start3A] : memref<10240x128xf32, #tpu.memory_space<vmem_shared>> -> memref<64x128xf32, #tpu.memory_space<vmem_shared>>
      %dma_start3A_48 = arith.constant 0 : i32
      %dma_start3A_49 = tpu.memref_slice %arg6[%add3A_12, %dma_start3A_48] : memref<10240x128xf32, #tpu.memory_space<vmem_shared>> -> memref<64x128xf32, #tpu.memory_space<vmem_shared>>
      tpu.enqueue_dma source(%arg10 : memref<64x128xf32, #tpu.memory_space<vmem>>) target(%dma_start3A_49 : memref<64x128xf32, #tpu.memory_space<vmem_shared>>) target_semaphore(%run_scoped3A : memref<!tpu.dma_semaphore, #tpu.memory_space<semaphore_mem>>)
      %dma_wait3A = arith.constant 0 : i32
      %dma_wait3A_50 = tpu.memref_slice %arg6[%add3A_12, %dma_wait3A] : memref<10240x128xf32, #tpu.memory_space<vmem_shared>> -> memref<64x128xf32, #tpu.memory_space<vmem_shared>>
      %dma_wait3A_51 = arith.constant 0 : i32
      %dma_wait3A_52 = tpu.memref_slice %arg6[%add3A_12, %dma_wait3A_51] : memref<10240x128xf32, #tpu.memory_space<vmem_shared>> -> memref<64x128xf32, #tpu.memory_space<vmem_shared>>
      tpu.wait_dma2 semaphore(%run_scoped3A : memref<!tpu.dma_semaphore, #tpu.memory_space<semaphore_mem>>) src(%arg10 : memref<64x128xf32, #tpu.memory_space<vmem>>) dst(%dma_wait3A_52 : memref<64x128xf32, #tpu.memory_space<vmem_shared>>)
      tpu.yield
    }) : () -> ()
    %add3A_13 = arith.constant 192 : i32
    %add3A_14 = arith.addi %mul3A_7, %add3A_13 : i32
    "tpu.region"() ({
      %run_scoped3A = tpu.sem_alloc : memref<!tpu.dma_semaphore, #tpu.memory_space<semaphore_mem>>
      %dma_start3A = arith.constant 0 : i32
      %dma_start3A_47 = tpu.memref_slice %arg6[%add3A_14, %dma_start3A] : memref<10240x128xf32, #tpu.memory_space<vmem_shared>> -> memref<64x128xf32, #tpu.memory_space<vmem_shared>>
      %dma_start3A_48 = arith.constant 0 : i32
      %dma_start3A_49 = tpu.memref_slice %arg6[%add3A_14, %dma_start3A_48] : memref<10240x128xf32, #tpu.memory_space<vmem_shared>> -> memref<64x128xf32, #tpu.memory_space<vmem_shared>>
      tpu.enqueue_dma source(%arg10 : memref<64x128xf32, #tpu.memory_space<vmem>>) target(%dma_start3A_49 : memref<64x128xf32, #tpu.memory_space<vmem_shared>>) target_semaphore(%run_scoped3A : memref<!tpu.dma_semaphore, #tpu.memory_space<semaphore_mem>>)
      %dma_wait3A = arith.constant 0 : i32
      %dma_wait3A_50 = tpu.memref_slice %arg6[%add3A_14, %dma_wait3A] : memref<10240x128xf32, #tpu.memory_space<vmem_shared>> -> memref<64x128xf32, #tpu.memory_space<vmem_shared>>
      %dma_wait3A_51 = arith.constant 0 : i32
      %dma_wait3A_52 = tpu.memref_slice %arg6[%add3A_14, %dma_wait3A_51] : memref<10240x128xf32, #tpu.memory_space<vmem_shared>> -> memref<64x128xf32, #tpu.memory_space<vmem_shared>>
      tpu.wait_dma2 semaphore(%run_scoped3A : memref<!tpu.dma_semaphore, #tpu.memory_space<semaphore_mem>>) src(%arg10 : memref<64x128xf32, #tpu.memory_space<vmem>>) dst(%dma_wait3A_52 : memref<64x128xf32, #tpu.memory_space<vmem_shared>>)
      tpu.yield
    }) : () -> ()
    %add3A_15 = arith.constant 256 : i32
    %add3A_16 = arith.addi %mul3A_7, %add3A_15 : i32
    "tpu.region"() ({
      %run_scoped3A = tpu.sem_alloc : memref<!tpu.dma_semaphore, #tpu.memory_space<semaphore_mem>>
      %dma_start3A = arith.constant 0 : i32
      %dma_start3A_47 = tpu.memref_slice %arg6[%add3A_16, %dma_start3A] : memref<10240x128xf32, #tpu.memory_space<vmem_shared>> -> memref<64x128xf32, #tpu.memory_space<vmem_shared>>
      %dma_start3A_48 = arith.constant 0 : i32
      %dma_start3A_49 = tpu.memref_slice %arg6[%add3A_16, %dma_start3A_48] : memref<10240x128xf32, #tpu.memory_space<vmem_shared>> -> memref<64x128xf32, #tpu.memory_space<vmem_shared>>
      tpu.enqueue_dma source(%arg10 : memref<64x128xf32, #tpu.memory_space<vmem>>) target(%dma_start3A_49 : memref<64x128xf32, #tpu.memory_space<vmem_shared>>) target_semaphore(%run_scoped3A : memref<!tpu.dma_semaphore, #tpu.memory_space<semaphore_mem>>)
      %dma_wait3A = arith.constant 0 : i32
      %dma_wait3A_50 = tpu.memref_slice %arg6[%add3A_16, %dma_wait3A] : memref<10240x128xf32, #tpu.memory_space<vmem_shared>> -> memref<64x128xf32, #tpu.memory_space<vmem_shared>>
      %dma_wait3A_51 = arith.constant 0 : i32
      %dma_wait3A_52 = tpu.memref_slice %arg6[%add3A_16, %dma_wait3A_51] : memref<10240x128xf32, #tpu.memory_space<vmem_shared>> -> memref<64x128xf32, #tpu.memory_space<vmem_shared>>
      tpu.wait_dma2 semaphore(%run_scoped3A : memref<!tpu.dma_semaphore, #tpu.memory_space<semaphore_mem>>) src(%arg10 : memref<64x128xf32, #tpu.memory_space<vmem>>) dst(%dma_wait3A_52 : memref<64x128xf32, #tpu.memory_space<vmem_shared>>)
      tpu.yield
    }) : () -> ()
    %add3A_17 = arith.constant 320 : i32
    %add3A_18 = arith.addi %mul3A_7, %add3A_17 : i32
    "tpu.region"() ({
      %run_scoped3A = tpu.sem_alloc : memref<!tpu.dma_semaphore, #tpu.memory_space<semaphore_mem>>
      %dma_start3A = arith.constant 0 : i32
      %dma_start3A_47 = tpu.memref_slice %arg6[%add3A_18, %dma_start3A] : memref<10240x128xf32, #tpu.memory_space<vmem_shared>> -> memref<64x128xf32, #tpu.memory_space<vmem_shared>>
      %dma_start3A_48 = arith.constant 0 : i32
      %dma_start3A_49 = tpu.memref_slice %arg6[%add3A_18, %dma_start3A_48] : memref<10240x128xf32, #tpu.memory_space<vmem_shared>> -> memref<64x128xf32, #tpu.memory_space<vmem_shared>>
      tpu.enqueue_dma source(%arg10 : memref<64x128xf32, #tpu.memory_space<vmem>>) target(%dma_start3A_49 : memref<64x128xf32, #tpu.memory_space<vmem_shared>>) target_semaphore(%run_scoped3A : memref<!tpu.dma_semaphore, #tpu.memory_space<semaphore_mem>>)
      %dma_wait3A = arith.constant 0 : i32
      %dma_wait3A_50 = tpu.memref_slice %arg6[%add3A_18, %dma_wait3A] : memref<10240x128xf32, #tpu.memory_space<vmem_shared>> -> memref<64x128xf32, #tpu.memory_space<vmem_shared>>
      %dma_wait3A_51 = arith.constant 0 : i32
      %dma_wait3A_52 = tpu.memref_slice %arg6[%add3A_18, %dma_wait3A_51] : memref<10240x128xf32, #tpu.memory_space<vmem_shared>> -> memref<64x128xf32, #tpu.memory_space<vmem_shared>>
      tpu.wait_dma2 semaphore(%run_scoped3A : memref<!tpu.dma_semaphore, #tpu.memory_space<semaphore_mem>>) src(%arg10 : memref<64x128xf32, #tpu.memory_space<vmem>>) dst(%dma_wait3A_52 : memref<64x128xf32, #tpu.memory_space<vmem_shared>>)
      tpu.yield
    }) : () -> ()
    %add3A_19 = arith.constant 384 : i32
    %add3A_20 = arith.addi %mul3A_7, %add3A_19 : i32
    "tpu.region"() ({
      %run_scoped3A = tpu.sem_alloc : memref<!tpu.dma_semaphore, #tpu.memory_space<semaphore_mem>>
      %dma_start3A = arith.constant 0 : i32
      %dma_start3A_47 = tpu.memref_slice %arg6[%add3A_20, %dma_start3A] : memref<10240x128xf32, #tpu.memory_space<vmem_shared>> -> memref<64x128xf32, #tpu.memory_space<vmem_shared>>
      %dma_start3A_48 = arith.constant 0 : i32
      %dma_start3A_49 = tpu.memref_slice %arg6[%add3A_20, %dma_start3A_48] : memref<10240x128xf32, #tpu.memory_space<vmem_shared>> -> memref<64x128xf32, #tpu.memory_space<vmem_shared>>
      tpu.enqueue_dma source(%arg10 : memref<64x128xf32, #tpu.memory_space<vmem>>) target(%dma_start3A_49 : memref<64x128xf32, #tpu.memory_space<vmem_shared>>) target_semaphore(%run_scoped3A : memref<!tpu.dma_semaphore, #tpu.memory_space<semaphore_mem>>)
      %dma_wait3A = arith.constant 0 : i32
      %dma_wait3A_50 = tpu.memref_slice %arg6[%add3A_20, %dma_wait3A] : memref<10240x128xf32, #tpu.memory_space<vmem_shared>> -> memref<64x128xf32, #tpu.memory_space<vmem_shared>>
      %dma_wait3A_51 = arith.constant 0 : i32
      %dma_wait3A_52 = tpu.memref_slice %arg6[%add3A_20, %dma_wait3A_51] : memref<10240x128xf32, #tpu.memory_space<vmem_shared>> -> memref<64x128xf32, #tpu.memory_space<vmem_shared>>
      tpu.wait_dma2 semaphore(%run_scoped3A : memref<!tpu.dma_semaphore, #tpu.memory_space<semaphore_mem>>) src(%arg10 : memref<64x128xf32, #tpu.memory_space<vmem>>) dst(%dma_wait3A_52 : memref<64x128xf32, #tpu.memory_space<vmem_shared>>)
      tpu.yield
    }) : () -> ()
    %add3A_21 = arith.constant 448 : i32
    %add3A_22 = arith.addi %mul3A_7, %add3A_21 : i32
    "tpu.region"() ({
      %run_scoped3A = tpu.sem_alloc : memref<!tpu.dma_semaphore, #tpu.memory_space<semaphore_mem>>
      %dma_start3A = arith.constant 0 : i32
      %dma_start3A_47 = tpu.memref_slice %arg6[%add3A_22, %dma_start3A] : memref<10240x128xf32, #tpu.memory_space<vmem_shared>> -> memref<64x128xf32, #tpu.memory_space<vmem_shared>>
      %dma_start3A_48 = arith.constant 0 : i32
      %dma_start3A_49 = tpu.memref_slice %arg6[%add3A_22, %dma_start3A_48] : memref<10240x128xf32, #tpu.memory_space<vmem_shared>> -> memref<64x128xf32, #tpu.memory_space<vmem_shared>>
      tpu.enqueue_dma source(%arg10 : memref<64x128xf32, #tpu.memory_space<vmem>>) target(%dma_start3A_49 : memref<64x128xf32, #tpu.memory_space<vmem_shared>>) target_semaphore(%run_scoped3A : memref<!tpu.dma_semaphore, #tpu.memory_space<semaphore_mem>>)
      %dma_wait3A = arith.constant 0 : i32
      %dma_wait3A_50 = tpu.memref_slice %arg6[%add3A_22, %dma_wait3A] : memref<10240x128xf32, #tpu.memory_space<vmem_shared>> -> memref<64x128xf32, #tpu.memory_space<vmem_shared>>
      %dma_wait3A_51 = arith.constant 0 : i32
      %dma_wait3A_52 = tpu.memref_slice %arg6[%add3A_22, %dma_wait3A_51] : memref<10240x128xf32, #tpu.memory_space<vmem_shared>> -> memref<64x128xf32, #tpu.memory_space<vmem_shared>>
      tpu.wait_dma2 semaphore(%run_scoped3A : memref<!tpu.dma_semaphore, #tpu.memory_space<semaphore_mem>>) src(%arg10 : memref<64x128xf32, #tpu.memory_space<vmem>>) dst(%dma_wait3A_52 : memref<64x128xf32, #tpu.memory_space<vmem_shared>>)
      tpu.yield
    }) : () -> ()
    %add3A_23 = arith.constant 512 : i32
    %add3A_24 = arith.addi %mul3A_7, %add3A_23 : i32
    "tpu.region"() ({
      %run_scoped3A = tpu.sem_alloc : memref<!tpu.dma_semaphore, #tpu.memory_space<semaphore_mem>>
      %dma_start3A = arith.constant 0 : i32
      %dma_start3A_47 = tpu.memref_slice %arg6[%add3A_24, %dma_start3A] : memref<10240x128xf32, #tpu.memory_space<vmem_shared>> -> memref<64x128xf32, #tpu.memory_space<vmem_shared>>
      %dma_start3A_48 = arith.constant 0 : i32
      %dma_start3A_49 = tpu.memref_slice %arg6[%add3A_24, %dma_start3A_48] : memref<10240x128xf32, #tpu.memory_space<vmem_shared>> -> memref<64x128xf32, #tpu.memory_space<vmem_shared>>
      tpu.enqueue_dma source(%arg10 : memref<64x128xf32, #tpu.memory_space<vmem>>) target(%dma_start3A_49 : memref<64x128xf32, #tpu.memory_space<vmem_shared>>) target_semaphore(%run_scoped3A : memref<!tpu.dma_semaphore, #tpu.memory_space<semaphore_mem>>)
      %dma_wait3A = arith.constant 0 : i32
      %dma_wait3A_50 = tpu.memref_slice %arg6[%add3A_24, %dma_wait3A] : memref<10240x128xf32, #tpu.memory_space<vmem_shared>> -> memref<64x128xf32, #tpu.memory_space<vmem_shared>>
      %dma_wait3A_51 = arith.constant 0 : i32
      %dma_wait3A_52 = tpu.memref_slice %arg6[%add3A_24, %dma_wait3A_51] : memref<10240x128xf32, #tpu.memory_space<vmem_shared>> -> memref<64x128xf32, #tpu.memory_space<vmem_shared>>
      tpu.wait_dma2 semaphore(%run_scoped3A : memref<!tpu.dma_semaphore, #tpu.memory_space<semaphore_mem>>) src(%arg10 : memref<64x128xf32, #tpu.memory_space<vmem>>) dst(%dma_wait3A_52 : memref<64x128xf32, #tpu.memory_space<vmem_shared>>)
      tpu.yield
    }) : () -> ()
    %add3A_25 = arith.constant 576 : i32
    %add3A_26 = arith.addi %mul3A_7, %add3A_25 : i32
    "tpu.region"() ({
      %run_scoped3A = tpu.sem_alloc : memref<!tpu.dma_semaphore, #tpu.memory_space<semaphore_mem>>
      %dma_start3A = arith.constant 0 : i32
      %dma_start3A_47 = tpu.memref_slice %arg6[%add3A_26, %dma_start3A] : memref<10240x128xf32, #tpu.memory_space<vmem_shared>> -> memref<64x128xf32, #tpu.memory_space<vmem_shared>>
      %dma_start3A_48 = arith.constant 0 : i32
      %dma_start3A_49 = tpu.memref_slice %arg6[%add3A_26, %dma_start3A_48] : memref<10240x128xf32, #tpu.memory_space<vmem_shared>> -> memref<64x128xf32, #tpu.memory_space<vmem_shared>>
      tpu.enqueue_dma source(%arg10 : memref<64x128xf32, #tpu.memory_space<vmem>>) target(%dma_start3A_49 : memref<64x128xf32, #tpu.memory_space<vmem_shared>>) target_semaphore(%run_scoped3A : memref<!tpu.dma_semaphore, #tpu.memory_space<semaphore_mem>>)
      %dma_wait3A = arith.constant 0 : i32
      %dma_wait3A_50 = tpu.memref_slice %arg6[%add3A_26, %dma_wait3A] : memref<10240x128xf32, #tpu.memory_space<vmem_shared>> -> memref<64x128xf32, #tpu.memory_space<vmem_shared>>
      %dma_wait3A_51 = arith.constant 0 : i32
      %dma_wait3A_52 = tpu.memref_slice %arg6[%add3A_26, %dma_wait3A_51] : memref<10240x128xf32, #tpu.memory_space<vmem_shared>> -> memref<64x128xf32, #tpu.memory_space<vmem_shared>>
      tpu.wait_dma2 semaphore(%run_scoped3A : memref<!tpu.dma_semaphore, #tpu.memory_space<semaphore_mem>>) src(%arg10 : memref<64x128xf32, #tpu.memory_space<vmem>>) dst(%dma_wait3A_52 : memref<64x128xf32, #tpu.memory_space<vmem_shared>>)
      tpu.yield
    }) : () -> ()
    %mul3A_27 = arith.constant 2 : i32
    %mul3A_28 = arith.muli %arg1, %mul3A_27 : i32
    %add3A_29 = arith.addi %mul3A_28, %arg0 : i32
    %mul3A_30 = arith.constant 79 : i32
    %mul3A_31 = arith.muli %add3A_29, %mul3A_30 : i32
    %mul3A_32 = arith.constant 128 : i32
    %mul3A_33 = arith.muli %mul3A_31, %mul3A_32 : i32
    %barrier3A = arith.constant 0 : index
    tpu.barrier barrier_id(%barrier3A)
    %scan3A_34 = arith.constant 0 : i32
    %scan3A_35 = arith.constant 0 : i32
    %scan3A_36 = arith.constant 79 : i32
    %scan3A_37 = arith.addi %scan3A_35, %scan3A_36 : i32
    %scan3A_38 = arith.constant 1 : i32
    %scan3A_39 = scf.for %scan3A_47 = %scan3A_35 to %scan3A_37 step %scan3A_38 iter_args(%scan3A_48 = %scan3A_34) -> (i32)  : i32 {
      %mul3A_49 = arith.constant 128 : i32
      %mul3A_50 = arith.muli %scan3A_47, %mul3A_49 : i32
      %add3A_51 = arith.addi %mul3A_33, %mul3A_50 : i32
      "tpu.region"() ({
        %run_scoped3A = tpu.sem_alloc : memref<!tpu.dma_semaphore, #tpu.memory_space<semaphore_mem>>
        %dma_start3A_57 = tpu.memref_slice %arg3[%add3A_51] : memref<323584xi32, #tpu.memory_space<hbm>> -> memref<128xi32, #tpu.memory_space<hbm>>
        %dma_start3A_58 = tpu.memref_slice %arg3[%add3A_51] : memref<323584xi32, #tpu.memory_space<hbm>> -> memref<128xi32, #tpu.memory_space<hbm>>
        tpu.enqueue_dma source(%dma_start3A_58 : memref<128xi32, #tpu.memory_space<hbm>>) target(%arg7 : memref<128xi32, #tpu.memory_space<vmem>>) target_semaphore(%run_scoped3A : memref<!tpu.dma_semaphore, #tpu.memory_space<semaphore_mem>>)
        %dma_wait3A_59 = tpu.memref_slice %arg3[%add3A_51] : memref<323584xi32, #tpu.memory_space<hbm>> -> memref<128xi32, #tpu.memory_space<hbm>>
        %dma_wait3A_60 = tpu.memref_slice %arg3[%add3A_51] : memref<323584xi32, #tpu.memory_space<hbm>> -> memref<128xi32, #tpu.memory_space<hbm>>
        tpu.wait_dma2 semaphore(%run_scoped3A : memref<!tpu.dma_semaphore, #tpu.memory_space<semaphore_mem>>) src(%dma_wait3A_60 : memref<128xi32, #tpu.memory_space<hbm>>) dst(%arg7 : memref<128xi32, #tpu.memory_space<vmem>>)
        tpu.yield
      }) : () -> ()
      "tpu.region"() ({
        %run_scoped3A = tpu.sem_alloc : memref<!tpu.dma_semaphore, #tpu.memory_space<semaphore_mem>>
        %dma_start3A_57 = tpu.memref_slice %arg4[%add3A_51] : memref<323584xi32, #tpu.memory_space<hbm>> -> memref<128xi32, #tpu.memory_space<hbm>>
        %dma_start3A_58 = tpu.memref_slice %arg4[%add3A_51] : memref<323584xi32, #tpu.memory_space<hbm>> -> memref<128xi32, #tpu.memory_space<hbm>>
        tpu.enqueue_dma source(%dma_start3A_58 : memref<128xi32, #tpu.memory_space<hbm>>) target(%arg8 : memref<128xi32, #tpu.memory_space<vmem>>) target_semaphore(%run_scoped3A : memref<!tpu.dma_semaphore, #tpu.memory_space<semaphore_mem>>)
        %dma_wait3A_59 = tpu.memref_slice %arg4[%add3A_51] : memref<323584xi32, #tpu.memory_space<hbm>> -> memref<128xi32, #tpu.memory_space<hbm>>
        %dma_wait3A_60 = tpu.memref_slice %arg4[%add3A_51] : memref<323584xi32, #tpu.memory_space<hbm>> -> memref<128xi32, #tpu.memory_space<hbm>>
        tpu.wait_dma2 semaphore(%run_scoped3A : memref<!tpu.dma_semaphore, #tpu.memory_space<semaphore_mem>>) src(%dma_wait3A_60 : memref<128xi32, #tpu.memory_space<hbm>>) dst(%arg8 : memref<128xi32, #tpu.memory_space<vmem>>)
        tpu.yield
      }) : () -> ()
      %dma_start3A = arith.constant 0 : i32
      %dma_start3A_52 = arith.constant 0 : i32
      %dma_start3A_53 = tpu.memref_slice %arg2[%dma_start3A, %dma_start3A_52] : memref<10240x128xf32, #tpu.memory_space<hbm>> -> memref<10240x128xf32, #tpu.memory_space<hbm>>
      tpu.enqueue_indirect_dma source(%dma_start3A_53 : memref<10240x128xf32, #tpu.memory_space<hbm>>) target(%arg9 : memref<128x128xf32, #tpu.memory_space<vmem>>) offsets(%arg7 : memref<128xi32, #tpu.memory_space<vmem>>) semaphore(%arg11 : memref<!tpu.dma_semaphore, #tpu.memory_space<semaphore_mem>>)
      %dma_wait3A = arith.constant 0 : i32
      %dma_wait3A_54 = arith.constant 0 : i32
      %dma_wait3A_55 = tpu.memref_slice %arg2[%dma_wait3A, %dma_wait3A_54] : memref<10240x128xf32, #tpu.memory_space<hbm>> -> memref<10240x128xf32, #tpu.memory_space<hbm>>
      tpu.wait_indirect_dma semaphore(%arg11 : memref<!tpu.dma_semaphore, #tpu.memory_space<semaphore_mem>>) src(%dma_wait3A_55 : memref<10240x128xf32, #tpu.memory_space<hbm>>) dst(%arg9 : memref<128x128xf32, #tpu.memory_space<vmem>>)
      "tpu.region"() ({
        %run_scoped3A = tpu.sem_alloc : memref<!tpu.dma_semaphore, #tpu.memory_space<semaphore_mem>>
        %dma_start3A_57 = arith.constant 0 : i32
        %dma_start3A_58 = arith.constant 0 : i32
        %dma_start3A_59 = tpu.memref_slice %arg6[%dma_start3A_57, %dma_start3A_58] : memref<10240x128xf32, #tpu.memory_space<vmem_shared>> -> memref<10240x128xf32, #tpu.memory_space<vmem_shared>>
        tpu.enqueue_indirect_dma source(%arg9 : memref<128x128xf32, #tpu.memory_space<vmem>>) target(%dma_start3A_59 : memref<10240x128xf32, #tpu.memory_space<vmem_shared>>) offsets(%arg8 : memref<128xi32, #tpu.memory_space<vmem>>) semaphore(%run_scoped3A : memref<!tpu.dma_semaphore, #tpu.memory_space<semaphore_mem>>) {add = true}
        %dma_wait3A_60 = arith.constant 0 : i32
        %dma_wait3A_61 = arith.constant 0 : i32
        %dma_wait3A_62 = tpu.memref_slice %arg6[%dma_wait3A_60, %dma_wait3A_61] : memref<10240x128xf32, #tpu.memory_space<vmem_shared>> -> memref<10240x128xf32, #tpu.memory_space<vmem_shared>>
        tpu.wait_indirect_dma semaphore(%run_scoped3A : memref<!tpu.dma_semaphore, #tpu.memory_space<semaphore_mem>>) src(%arg9 : memref<128x128xf32, #tpu.memory_space<vmem>>) dst(%dma_wait3A_62 : memref<10240x128xf32, #tpu.memory_space<vmem_shared>>)
        tpu.yield
      }) : () -> ()
      %scan3A_56 = arith.constant 0 : i32
      scf.yield %scan3A_56 : i32
    }
    %scan3A_40 = arith.constant 79 : i32
    %barrier3A_41 = arith.constant 0 : index
    tpu.barrier barrier_id(%barrier3A_41)
    %mul3A_42 = arith.constant 640 : i32
    %mul3A_43 = arith.muli %arg1, %mul3A_42 : i32
    %mul3A_44 = arith.constant 10240 : i32
    %mul3A_45 = arith.muli %arg0, %mul3A_44 : i32
    %add3A_46 = arith.addi %mul3A_45, %mul3A_43 : i32
    "tpu.region"() ({
      %run_scoped3A = tpu.sem_alloc : memref<!tpu.dma_semaphore, #tpu.memory_space<semaphore_mem>>
      %dma_start3A = arith.constant 0 : i32
      %dma_start3A_47 = tpu.memref_slice %arg5[%add3A_46, %dma_start3A] : memref<20480x128xf32, #tpu.memory_space<hbm>> -> memref<640x128xf32, #tpu.memory_space<hbm>>
      %dma_start3A_48 = arith.constant 0 : i32
      %dma_start3A_49 = tpu.memref_slice %arg6[%mul3A_43, %dma_start3A_48] : memref<10240x128xf32, #tpu.memory_space<vmem_shared>> -> memref<640x128xf32, #tpu.memory_space<vmem_shared>>
      tpu.enqueue_dma source(%dma_start3A_49 : memref<640x128xf32, #tpu.memory_space<vmem_shared>>) target(%dma_start3A_47 : memref<640x128xf32, #tpu.memory_space<hbm>>) target_semaphore(%run_scoped3A : memref<!tpu.dma_semaphore, #tpu.memory_space<semaphore_mem>>)
      %dma_wait3A = arith.constant 0 : i32
      %dma_wait3A_50 = tpu.memref_slice %arg5[%add3A_46, %dma_wait3A] : memref<20480x128xf32, #tpu.memory_space<hbm>> -> memref<640x128xf32, #tpu.memory_space<hbm>>
      %dma_wait3A_51 = arith.constant 0 : i32
      %dma_wait3A_52 = tpu.memref_slice %arg6[%mul3A_43, %dma_wait3A_51] : memref<10240x128xf32, #tpu.memory_space<vmem_shared>> -> memref<640x128xf32, #tpu.memory_space<vmem_shared>>
      tpu.wait_dma2 semaphore(%run_scoped3A : memref<!tpu.dma_semaphore, #tpu.memory_space<semaphore_mem>>) src(%dma_wait3A_52 : memref<640x128xf32, #tpu.memory_space<vmem_shared>>) dst(%dma_wait3A_50 : memref<640x128xf32, #tpu.memory_space<hbm>>)
      tpu.yield
    }) : () -> ()
    return
  }
}

#map = affine_map<(d0, d1) -> (0, 0)>
#map1 = affine_map<(d0, d1) -> (0)>
module attributes {stable_mosaic.version = 14 : i64} {
  func.func @k(%arg0: i32, %arg1: i32, %arg2: memref<10240x128xf32, #tpu.memory_space<hbm>>, %arg3: memref<323584xi32, #tpu.memory_space<hbm>>, %arg4: memref<323584xi32, #tpu.memory_space<hbm>>, %arg5: memref<20480x128xf32, #tpu.memory_space<hbm>>, %arg6: memref<10240x128xf32, #tpu.memory_space<vmem_shared>>, %arg7: memref<128xi32, #tpu.memory_space<vmem>>, %arg8: memref<128xi32, #tpu.memory_space<vmem>>, %arg9: memref<128x128xf32, #tpu.memory_space<vmem>>, %arg10: memref<64x128xf32, #tpu.memory_space<vmem>>, %arg11: memref<!tpu.dma_semaphore, #tpu.memory_space<semaphore_mem>>) attributes {dimension_semantics = [#tpu.dimension_semantics<core_parallel>, #tpu.dimension_semantics<subcore_parallel>], iteration_bounds = array<i64: 2, 16>, scalar_prefetch = 0 : i64, scratch_operands = 6 : i64, tpu.core_type = #tpu.core_type<sc_vector_subcore>, window_params = [{transform_indices = #map}, {transform_indices = #map1}, {transform_indices = #map1}, {transform_indices = #map}]} {
    %broadcast_in_dim3A = arith.constant 0.000000e+00 : f32
    %broadcast_in_dim3A_0 = vector.broadcast %broadcast_in_dim3A : f32 to vector<16xf32>
    %scan3A = arith.constant 0 : i32
    %scan3A_1 = arith.constant 0 : i32
    %scan3A_2 = arith.constant 64 : i32
    %scan3A_3 = arith.addi %scan3A_1, %scan3A_2 : i32
    %scan3A_4 = arith.constant 1 : i32
    %scan3A_5 = scf.for %scan3A_47 = %scan3A_1 to %scan3A_3 step %scan3A_4 iter_args(%scan3A_48 = %scan3A) -> (i32)  : i32 {
      %swap3A = arith.index_cast %scan3A_47 : i32 to index
      %swap3A_49 = arith.constant 0 : index
      %swap3A_50 = tpu.vector_load %arg10[%swap3A, %swap3A_49] {strides = array<i32>} : memref<64x128xf32, #tpu.memory_space<vmem>>, vector<1x16xf32>,
      %swap3A_51 = vector.shape_cast %swap3A_50 : vector<1x16xf32> to vector<16xf32>
      %swap3A_52 = vector.shape_cast %broadcast_in_dim3A_0 : vector<16xf32> to vector<1x16xf32>
      tpu.vector_store %arg10[%swap3A, %swap3A_49], %swap3A_52 {strides = array<i32>} : memref<64x128xf32, #tpu.memory_space<vmem>>, vector<1x16xf32>,
      %swap3A_53 = arith.index_cast %scan3A_47 : i32 to index
      %swap3A_54 = arith.constant 16 : index
      %swap3A_55 = tpu.vector_load %arg10[%swap3A_53, %swap3A_54] {strides = array<i32>} : memref<64x128xf32, #tpu.memory_space<vmem>>, vector<1x16xf32>,
      %swap3A_56 = vector.shape_cast %swap3A_55 : vector<1x16xf32> to vector<16xf32>
      %swap3A_57 = vector.shape_cast %broadcast_in_dim3A_0 : vector<16xf32> to vector<1x16xf32>
      tpu.vector_store %arg10[%swap3A_53, %swap3A_54], %swap3A_57 {strides = array<i32>} : memref<64x128xf32, #tpu.memory_space<vmem>>, vector<1x16xf32>,
      %swap3A_58 = arith.index_cast %scan3A_47 : i32 to index
      %swap3A_59 = arith.constant 32 : index
      %swap3A_60 = tpu.vector_load %arg10[%swap3A_58, %swap3A_59] {strides = array<i32>} : memref<64x128xf32, #tpu.memory_space<vmem>>, vector<1x16xf32>,
      %swap3A_61 = vector.shape_cast %swap3A_60 : vector<1x16xf32> to vector<16xf32>
      %swap3A_62 = vector.shape_cast %broadcast_in_dim3A_0 : vector<16xf32> to vector<1x16xf32>
      tpu.vector_store %arg10[%swap3A_58, %swap3A_59], %swap3A_62 {strides = array<i32>} : memref<64x128xf32, #tpu.memory_space<vmem>>, vector<1x16xf32>,
      %swap3A_63 = arith.index_cast %scan3A_47 : i32 to index
      %swap3A_64 = arith.constant 48 : index
      %swap3A_65 = tpu.vector_load %arg10[%swap3A_63, %swap3A_64] {strides = array<i32>} : memref<64x128xf32, #tpu.memory_space<vmem>>, vector<1x16xf32>,
      %swap3A_66 = vector.shape_cast %swap3A_65 : vector<1x16xf32> to vector<16xf32>
      %swap3A_67 = vector.shape_cast %broadcast_in_dim3A_0 : vector<16xf32> to vector<1x16xf32>
      tpu.vector_store %arg10[%swap3A_63, %swap3A_64], %swap3A_67 {strides = array<i32>} : memref<64x128xf32, #tpu.memory_space<vmem>>, vector<1x16xf32>,
      %swap3A_68 = arith.index_cast %scan3A_47 : i32 to index
      %swap3A_69 = arith.constant 64 : index
      %swap3A_70 = tpu.vector_load %arg10[%swap3A_68, %swap3A_69] {strides = array<i32>} : memref<64x128xf32, #tpu.memory_space<vmem>>, vector<1x16xf32>,
      %swap3A_71 = vector.shape_cast %swap3A_70 : vector<1x16xf32> to vector<16xf32>
      %swap3A_72 = vector.shape_cast %broadcast_in_dim3A_0 : vector<16xf32> to vector<1x16xf32>
      tpu.vector_store %arg10[%swap3A_68, %swap3A_69], %swap3A_72 {strides = array<i32>} : memref<64x128xf32, #tpu.memory_space<vmem>>, vector<1x16xf32>,
      %swap3A_73 = arith.index_cast %scan3A_47 : i32 to index
      %swap3A_74 = arith.constant 80 : index
      %swap3A_75 = tpu.vector_load %arg10[%swap3A_73, %swap3A_74] {strides = array<i32>} : memref<64x128xf32, #tpu.memory_space<vmem>>, vector<1x16xf32>,
      %swap3A_76 = vector.shape_cast %swap3A_75 : vector<1x16xf32> to vector<16xf32>
      %swap3A_77 = vector.shape_cast %broadcast_in_dim3A_0 : vector<16xf32> to vector<1x16xf32>
      tpu.vector_store %arg10[%swap3A_73, %swap3A_74], %swap3A_77 {strides = array<i32>} : memref<64x128xf32, #tpu.memory_space<vmem>>, vector<1x16xf32>,
      %swap3A_78 = arith.index_cast %scan3A_47 : i32 to index
      %swap3A_79 = arith.constant 96 : index
      %swap3A_80 = tpu.vector_load %arg10[%swap3A_78, %swap3A_79] {strides = array<i32>} : memref<64x128xf32, #tpu.memory_space<vmem>>, vector<1x16xf32>,
      %swap3A_81 = vector.shape_cast %swap3A_80 : vector<1x16xf32> to vector<16xf32>
      %swap3A_82 = vector.shape_cast %broadcast_in_dim3A_0 : vector<16xf32> to vector<1x16xf32>
      tpu.vector_store %arg10[%swap3A_78, %swap3A_79], %swap3A_82 {strides = array<i32>} : memref<64x128xf32, #tpu.memory_space<vmem>>, vector<1x16xf32>,
      %swap3A_83 = arith.index_cast %scan3A_47 : i32 to index
      %swap3A_84 = arith.constant 112 : index
      %swap3A_85 = tpu.vector_load %arg10[%swap3A_83, %swap3A_84] {strides = array<i32>} : memref<64x128xf32, #tpu.memory_space<vmem>>, vector<1x16xf32>,
      %swap3A_86 = vector.shape_cast %swap3A_85 : vector<1x16xf32> to vector<16xf32>
      %swap3A_87 = vector.shape_cast %broadcast_in_dim3A_0 : vector<16xf32> to vector<1x16xf32>
      tpu.vector_store %arg10[%swap3A_83, %swap3A_84], %swap3A_87 {strides = array<i32>} : memref<64x128xf32, #tpu.memory_space<vmem>>, vector<1x16xf32>,
      %scan3A_88 = arith.constant 0 : i32
      scf.yield %scan3A_88 : i32
    }
    %scan3A_6 = arith.constant 64 : i32
    %mul3A = arith.constant 640 : i32
    %mul3A_7 = arith.muli %arg1, %mul3A : i32
    %add3A = arith.constant 0 : i32
    %add3A_8 = arith.addi %mul3A_7, %add3A : i32
    "tpu.region"() ({
      %run_scoped3A = tpu.sem_alloc : memref<!tpu.dma_semaphore, #tpu.memory_space<semaphore_mem>>
      %dma_start3A = arith.constant 0 : i32
      %dma_start3A_47 = tpu.memref_slice %arg6[%add3A_8, %dma_start3A] : memref<10240x128xf32, #tpu.memory_space<vmem_shared>> -> memref<64x128xf32, #tpu.memory_space<vmem_shared>>
      %dma_start3A_48 = arith.constant 0 : i32
      %dma_start3A_49 = tpu.memref_slice %arg6[%add3A_8, %dma_start3A_48] : memref<10240x128xf32, #tpu.memory_space<vmem_shared>> -> memref<64x128xf32, #tpu.memory_space<vmem_shared>>
      tpu.enqueue_dma source(%arg10 : memref<64x128xf32, #tpu.memory_space<vmem>>) target(%dma_start3A_49 : memref<64x128xf32, #tpu.memory_space<vmem_shared>>) target_semaphore(%run_scoped3A : memref<!tpu.dma_semaphore, #tpu.memory_space<semaphore_mem>>)
      %dma_wait3A = arith.constant 0 : i32
      %dma_wait3A_50 = tpu.memref_slice %arg6[%add3A_8, %dma_wait3A] : memref<10240x128xf32, #tpu.memory_space<vmem_shared>> -> memref<64x128xf32, #tpu.memory_space<vmem_shared>>
      %dma_wait3A_51 = arith.constant 0 : i32
      %dma_wait3A_52 = tpu.memref_slice %arg6[%add3A_8, %dma_wait3A_51] : memref<10240x128xf32, #tpu.memory_space<vmem_shared>> -> memref<64x128xf32, #tpu.memory_space<vmem_shared>>
      tpu.wait_dma2 semaphore(%run_scoped3A : memref<!tpu.dma_semaphore, #tpu.memory_space<semaphore_mem>>) src(%arg10 : memref<64x128xf32, #tpu.memory_space<vmem>>) dst(%dma_wait3A_52 : memref<64x128xf32, #tpu.memory_space<vmem_shared>>)
      tpu.yield
    }) : () -> ()
    %add3A_9 = arith.constant 64 : i32
    %add3A_10 = arith.addi %mul3A_7, %add3A_9 : i32
    "tpu.region"() ({
      %run_scoped3A = tpu.sem_alloc : memref<!tpu.dma_semaphore, #tpu.memory_space<semaphore_mem>>
      %dma_start3A = arith.constant 0 : i32
      %dma_start3A_47 = tpu.memref_slice %arg6[%add3A_10, %dma_start3A] : memref<10240x128xf32, #tpu.memory_space<vmem_shared>> -> memref<64x128xf32, #tpu.memory_space<vmem_shared>>
      %dma_start3A_48 = arith.constant 0 : i32
      %dma_start3A_49 = tpu.memref_slice %arg6[%add3A_10, %dma_start3A_48] : memref<10240x128xf32, #tpu.memory_space<vmem_shared>> -> memref<64x128xf32, #tpu.memory_space<vmem_shared>>
      tpu.enqueue_dma source(%arg10 : memref<64x128xf32, #tpu.memory_space<vmem>>) target(%dma_start3A_49 : memref<64x128xf32, #tpu.memory_space<vmem_shared>>) target_semaphore(%run_scoped3A : memref<!tpu.dma_semaphore, #tpu.memory_space<semaphore_mem>>)
      %dma_wait3A = arith.constant 0 : i32
      %dma_wait3A_50 = tpu.memref_slice %arg6[%add3A_10, %dma_wait3A] : memref<10240x128xf32, #tpu.memory_space<vmem_shared>> -> memref<64x128xf32, #tpu.memory_space<vmem_shared>>
      %dma_wait3A_51 = arith.constant 0 : i32
      %dma_wait3A_52 = tpu.memref_slice %arg6[%add3A_10, %dma_wait3A_51] : memref<10240x128xf32, #tpu.memory_space<vmem_shared>> -> memref<64x128xf32, #tpu.memory_space<vmem_shared>>
      tpu.wait_dma2 semaphore(%run_scoped3A : memref<!tpu.dma_semaphore, #tpu.memory_space<semaphore_mem>>) src(%arg10 : memref<64x128xf32, #tpu.memory_space<vmem>>) dst(%dma_wait3A_52 : memref<64x128xf32, #tpu.memory_space<vmem_shared>>)
      tpu.yield
    }) : () -> ()
    %add3A_11 = arith.constant 128 : i32
    %add3A_12 = arith.addi %mul3A_7, %add3A_11 : i32
    "tpu.region"() ({
      %run_scoped3A = tpu.sem_alloc : memref<!tpu.dma_semaphore, #tpu.memory_space<semaphore_mem>>
      %dma_start3A = arith.constant 0 : i32
      %dma_start3A_47 = tpu.memref_slice %arg6[%add3A_12, %dma_start3A] : memref<10240x128xf32, #tpu.memory_space<vmem_shared>> -> memref<64x128xf32, #tpu.memory_space<vmem_shared>>
      %dma_start3A_48 = arith.constant 0 : i32
      %dma_start3A_49 = tpu.memref_slice %arg6[%add3A_12, %dma_start3A_48] : memref<10240x128xf32, #tpu.memory_space<vmem_shared>> -> memref<64x128xf32, #tpu.memory_space<vmem_shared>>
      tpu.enqueue_dma source(%arg10 : memref<64x128xf32, #tpu.memory_space<vmem>>) target(%dma_start3A_49 : memref<64x128xf32, #tpu.memory_space<vmem_shared>>) target_semaphore(%run_scoped3A : memref<!tpu.dma_semaphore, #tpu.memory_space<semaphore_mem>>)
      %dma_wait3A = arith.constant 0 : i32
      %dma_wait3A_50 = tpu.memref_slice %arg6[%add3A_12, %dma_wait3A] : memref<10240x128xf32, #tpu.memory_space<vmem_shared>> -> memref<64x128xf32, #tpu.memory_space<vmem_shared>>
      %dma_wait3A_51 = arith.constant 0 : i32
      %dma_wait3A_52 = tpu.memref_slice %arg6[%add3A_12, %dma_wait3A_51] : memref<10240x128xf32, #tpu.memory_space<vmem_shared>> -> memref<64x128xf32, #tpu.memory_space<vmem_shared>>
      tpu.wait_dma2 semaphore(%run_scoped3A : memref<!tpu.dma_semaphore, #tpu.memory_space<semaphore_mem>>) src(%arg10 : memref<64x128xf32, #tpu.memory_space<vmem>>) dst(%dma_wait3A_52 : memref<64x128xf32, #tpu.memory_space<vmem_shared>>)
      tpu.yield
    }) : () -> ()
    %add3A_13 = arith.constant 192 : i32
    %add3A_14 = arith.addi %mul3A_7, %add3A_13 : i32
    "tpu.region"() ({
      %run_scoped3A = tpu.sem_alloc : memref<!tpu.dma_semaphore, #tpu.memory_space<semaphore_mem>>
      %dma_start3A = arith.constant 0 : i32
      %dma_start3A_47 = tpu.memref_slice %arg6[%add3A_14, %dma_start3A] : memref<10240x128xf32, #tpu.memory_space<vmem_shared>> -> memref<64x128xf32, #tpu.memory_space<vmem_shared>>
      %dma_start3A_48 = arith.constant 0 : i32
      %dma_start3A_49 = tpu.memref_slice %arg6[%add3A_14, %dma_start3A_48] : memref<10240x128xf32, #tpu.memory_space<vmem_shared>> -> memref<64x128xf32, #tpu.memory_space<vmem_shared>>
      tpu.enqueue_dma source(%arg10 : memref<64x128xf32, #tpu.memory_space<vmem>>) target(%dma_start3A_49 : memref<64x128xf32, #tpu.memory_space<vmem_shared>>) target_semaphore(%run_scoped3A : memref<!tpu.dma_semaphore, #tpu.memory_space<semaphore_mem>>)
      %dma_wait3A = arith.constant 0 : i32
      %dma_wait3A_50 = tpu.memref_slice %arg6[%add3A_14, %dma_wait3A] : memref<10240x128xf32, #tpu.memory_space<vmem_shared>> -> memref<64x128xf32, #tpu.memory_space<vmem_shared>>
      %dma_wait3A_51 = arith.constant 0 : i32
      %dma_wait3A_52 = tpu.memref_slice %arg6[%add3A_14, %dma_wait3A_51] : memref<10240x128xf32, #tpu.memory_space<vmem_shared>> -> memref<64x128xf32, #tpu.memory_space<vmem_shared>>
      tpu.wait_dma2 semaphore(%run_scoped3A : memref<!tpu.dma_semaphore, #tpu.memory_space<semaphore_mem>>) src(%arg10 : memref<64x128xf32, #tpu.memory_space<vmem>>) dst(%dma_wait3A_52 : memref<64x128xf32, #tpu.memory_space<vmem_shared>>)
      tpu.yield
    }) : () -> ()
    %add3A_15 = arith.constant 256 : i32
    %add3A_16 = arith.addi %mul3A_7, %add3A_15 : i32
    "tpu.region"() ({
      %run_scoped3A = tpu.sem_alloc : memref<!tpu.dma_semaphore, #tpu.memory_space<semaphore_mem>>
      %dma_start3A = arith.constant 0 : i32
      %dma_start3A_47 = tpu.memref_slice %arg6[%add3A_16, %dma_start3A] : memref<10240x128xf32, #tpu.memory_space<vmem_shared>> -> memref<64x128xf32, #tpu.memory_space<vmem_shared>>
      %dma_start3A_48 = arith.constant 0 : i32
      %dma_start3A_49 = tpu.memref_slice %arg6[%add3A_16, %dma_start3A_48] : memref<10240x128xf32, #tpu.memory_space<vmem_shared>> -> memref<64x128xf32, #tpu.memory_space<vmem_shared>>
      tpu.enqueue_dma source(%arg10 : memref<64x128xf32, #tpu.memory_space<vmem>>) target(%dma_start3A_49 : memref<64x128xf32, #tpu.memory_space<vmem_shared>>) target_semaphore(%run_scoped3A : memref<!tpu.dma_semaphore, #tpu.memory_space<semaphore_mem>>)
      %dma_wait3A = arith.constant 0 : i32
      %dma_wait3A_50 = tpu.memref_slice %arg6[%add3A_16, %dma_wait3A] : memref<10240x128xf32, #tpu.memory_space<vmem_shared>> -> memref<64x128xf32, #tpu.memory_space<vmem_shared>>
      %dma_wait3A_51 = arith.constant 0 : i32
      %dma_wait3A_52 = tpu.memref_slice %arg6[%add3A_16, %dma_wait3A_51] : memref<10240x128xf32, #tpu.memory_space<vmem_shared>> -> memref<64x128xf32, #tpu.memory_space<vmem_shared>>
      tpu.wait_dma2 semaphore(%run_scoped3A : memref<!tpu.dma_semaphore, #tpu.memory_space<semaphore_mem>>) src(%arg10 : memref<64x128xf32, #tpu.memory_space<vmem>>) dst(%dma_wait3A_52 : memref<64x128xf32, #tpu.memory_space<vmem_shared>>)
      tpu.yield
    }) : () -> ()
    %add3A_17 = arith.constant 320 : i32
    %add3A_18 = arith.addi %mul3A_7, %add3A_17 : i32
    "tpu.region"() ({
      %run_scoped3A = tpu.sem_alloc : memref<!tpu.dma_semaphore, #tpu.memory_space<semaphore_mem>>
      %dma_start3A = arith.constant 0 : i32
      %dma_start3A_47 = tpu.memref_slice %arg6[%add3A_18, %dma_start3A] : memref<10240x128xf32, #tpu.memory_space<vmem_shared>> -> memref<64x128xf32, #tpu.memory_space<vmem_shared>>
      %dma_start3A_48 = arith.constant 0 : i32
      %dma_start3A_49 = tpu.memref_slice %arg6[%add3A_18, %dma_start3A_48] : memref<10240x128xf32, #tpu.memory_space<vmem_shared>> -> memref<64x128xf32, #tpu.memory_space<vmem_shared>>
      tpu.enqueue_dma source(%arg10 : memref<64x128xf32, #tpu.memory_space<vmem>>) target(%dma_start3A_49 : memref<64x128xf32, #tpu.memory_space<vmem_shared>>) target_semaphore(%run_scoped3A : memref<!tpu.dma_semaphore, #tpu.memory_space<semaphore_mem>>)
      %dma_wait3A = arith.constant 0 : i32
      %dma_wait3A_50 = tpu.memref_slice %arg6[%add3A_18, %dma_wait3A] : memref<10240x128xf32, #tpu.memory_space<vmem_shared>> -> memref<64x128xf32, #tpu.memory_space<vmem_shared>>
      %dma_wait3A_51 = arith.constant 0 : i32
      %dma_wait3A_52 = tpu.memref_slice %arg6[%add3A_18, %dma_wait3A_51] : memref<10240x128xf32, #tpu.memory_space<vmem_shared>> -> memref<64x128xf32, #tpu.memory_space<vmem_shared>>
      tpu.wait_dma2 semaphore(%run_scoped3A : memref<!tpu.dma_semaphore, #tpu.memory_space<semaphore_mem>>) src(%arg10 : memref<64x128xf32, #tpu.memory_space<vmem>>) dst(%dma_wait3A_52 : memref<64x128xf32, #tpu.memory_space<vmem_shared>>)
      tpu.yield
    }) : () -> ()
    %add3A_19 = arith.constant 384 : i32
    %add3A_20 = arith.addi %mul3A_7, %add3A_19 : i32
    "tpu.region"() ({
      %run_scoped3A = tpu.sem_alloc : memref<!tpu.dma_semaphore, #tpu.memory_space<semaphore_mem>>
      %dma_start3A = arith.constant 0 : i32
      %dma_start3A_47 = tpu.memref_slice %arg6[%add3A_20, %dma_start3A] : memref<10240x128xf32, #tpu.memory_space<vmem_shared>> -> memref<64x128xf32, #tpu.memory_space<vmem_shared>>
      %dma_start3A_48 = arith.constant 0 : i32
      %dma_start3A_49 = tpu.memref_slice %arg6[%add3A_20, %dma_start3A_48] : memref<10240x128xf32, #tpu.memory_space<vmem_shared>> -> memref<64x128xf32, #tpu.memory_space<vmem_shared>>
      tpu.enqueue_dma source(%arg10 : memref<64x128xf32, #tpu.memory_space<vmem>>) target(%dma_start3A_49 : memref<64x128xf32, #tpu.memory_space<vmem_shared>>) target_semaphore(%run_scoped3A : memref<!tpu.dma_semaphore, #tpu.memory_space<semaphore_mem>>)
      %dma_wait3A = arith.constant 0 : i32
      %dma_wait3A_50 = tpu.memref_slice %arg6[%add3A_20, %dma_wait3A] : memref<10240x128xf32, #tpu.memory_space<vmem_shared>> -> memref<64x128xf32, #tpu.memory_space<vmem_shared>>
      %dma_wait3A_51 = arith.constant 0 : i32
      %dma_wait3A_52 = tpu.memref_slice %arg6[%add3A_20, %dma_wait3A_51] : memref<10240x128xf32, #tpu.memory_space<vmem_shared>> -> memref<64x128xf32, #tpu.memory_space<vmem_shared>>
      tpu.wait_dma2 semaphore(%run_scoped3A : memref<!tpu.dma_semaphore, #tpu.memory_space<semaphore_mem>>) src(%arg10 : memref<64x128xf32, #tpu.memory_space<vmem>>) dst(%dma_wait3A_52 : memref<64x128xf32, #tpu.memory_space<vmem_shared>>)
      tpu.yield
    }) : () -> ()
    %add3A_21 = arith.constant 448 : i32
    %add3A_22 = arith.addi %mul3A_7, %add3A_21 : i32
    "tpu.region"() ({
      %run_scoped3A = tpu.sem_alloc : memref<!tpu.dma_semaphore, #tpu.memory_space<semaphore_mem>>
      %dma_start3A = arith.constant 0 : i32
      %dma_start3A_47 = tpu.memref_slice %arg6[%add3A_22, %dma_start3A] : memref<10240x128xf32, #tpu.memory_space<vmem_shared>> -> memref<64x128xf32, #tpu.memory_space<vmem_shared>>
      %dma_start3A_48 = arith.constant 0 : i32
      %dma_start3A_49 = tpu.memref_slice %arg6[%add3A_22, %dma_start3A_48] : memref<10240x128xf32, #tpu.memory_space<vmem_shared>> -> memref<64x128xf32, #tpu.memory_space<vmem_shared>>
      tpu.enqueue_dma source(%arg10 : memref<64x128xf32, #tpu.memory_space<vmem>>) target(%dma_start3A_49 : memref<64x128xf32, #tpu.memory_space<vmem_shared>>) target_semaphore(%run_scoped3A : memref<!tpu.dma_semaphore, #tpu.memory_space<semaphore_mem>>)
      %dma_wait3A = arith.constant 0 : i32
      %dma_wait3A_50 = tpu.memref_slice %arg6[%add3A_22, %dma_wait3A] : memref<10240x128xf32, #tpu.memory_space<vmem_shared>> -> memref<64x128xf32, #tpu.memory_space<vmem_shared>>
      %dma_wait3A_51 = arith.constant 0 : i32
      %dma_wait3A_52 = tpu.memref_slice %arg6[%add3A_22, %dma_wait3A_51] : memref<10240x128xf32, #tpu.memory_space<vmem_shared>> -> memref<64x128xf32, #tpu.memory_space<vmem_shared>>
      tpu.wait_dma2 semaphore(%run_scoped3A : memref<!tpu.dma_semaphore, #tpu.memory_space<semaphore_mem>>) src(%arg10 : memref<64x128xf32, #tpu.memory_space<vmem>>) dst(%dma_wait3A_52 : memref<64x128xf32, #tpu.memory_space<vmem_shared>>)
      tpu.yield
    }) : () -> ()
    %add3A_23 = arith.constant 512 : i32
    %add3A_24 = arith.addi %mul3A_7, %add3A_23 : i32
    "tpu.region"() ({
      %run_scoped3A = tpu.sem_alloc : memref<!tpu.dma_semaphore, #tpu.memory_space<semaphore_mem>>
      %dma_start3A = arith.constant 0 : i32
      %dma_start3A_47 = tpu.memref_slice %arg6[%add3A_24, %dma_start3A] : memref<10240x128xf32, #tpu.memory_space<vmem_shared>> -> memref<64x128xf32, #tpu.memory_space<vmem_shared>>
      %dma_start3A_48 = arith.constant 0 : i32
      %dma_start3A_49 = tpu.memref_slice %arg6[%add3A_24, %dma_start3A_48] : memref<10240x128xf32, #tpu.memory_space<vmem_shared>> -> memref<64x128xf32, #tpu.memory_space<vmem_shared>>
      tpu.enqueue_dma source(%arg10 : memref<64x128xf32, #tpu.memory_space<vmem>>) target(%dma_start3A_49 : memref<64x128xf32, #tpu.memory_space<vmem_shared>>) target_semaphore(%run_scoped3A : memref<!tpu.dma_semaphore, #tpu.memory_space<semaphore_mem>>)
      %dma_wait3A = arith.constant 0 : i32
      %dma_wait3A_50 = tpu.memref_slice %arg6[%add3A_24, %dma_wait3A] : memref<10240x128xf32, #tpu.memory_space<vmem_shared>> -> memref<64x128xf32, #tpu.memory_space<vmem_shared>>
      %dma_wait3A_51 = arith.constant 0 : i32
      %dma_wait3A_52 = tpu.memref_slice %arg6[%add3A_24, %dma_wait3A_51] : memref<10240x128xf32, #tpu.memory_space<vmem_shared>> -> memref<64x128xf32, #tpu.memory_space<vmem_shared>>
      tpu.wait_dma2 semaphore(%run_scoped3A : memref<!tpu.dma_semaphore, #tpu.memory_space<semaphore_mem>>) src(%arg10 : memref<64x128xf32, #tpu.memory_space<vmem>>) dst(%dma_wait3A_52 : memref<64x128xf32, #tpu.memory_space<vmem_shared>>)
      tpu.yield
    }) : () -> ()
    %add3A_25 = arith.constant 576 : i32
    %add3A_26 = arith.addi %mul3A_7, %add3A_25 : i32
    "tpu.region"() ({
      %run_scoped3A = tpu.sem_alloc : memref<!tpu.dma_semaphore, #tpu.memory_space<semaphore_mem>>
      %dma_start3A = arith.constant 0 : i32
      %dma_start3A_47 = tpu.memref_slice %arg6[%add3A_26, %dma_start3A] : memref<10240x128xf32, #tpu.memory_space<vmem_shared>> -> memref<64x128xf32, #tpu.memory_space<vmem_shared>>
      %dma_start3A_48 = arith.constant 0 : i32
      %dma_start3A_49 = tpu.memref_slice %arg6[%add3A_26, %dma_start3A_48] : memref<10240x128xf32, #tpu.memory_space<vmem_shared>> -> memref<64x128xf32, #tpu.memory_space<vmem_shared>>
      tpu.enqueue_dma source(%arg10 : memref<64x128xf32, #tpu.memory_space<vmem>>) target(%dma_start3A_49 : memref<64x128xf32, #tpu.memory_space<vmem_shared>>) target_semaphore(%run_scoped3A : memref<!tpu.dma_semaphore, #tpu.memory_space<semaphore_mem>>)
      %dma_wait3A = arith.constant 0 : i32
      %dma_wait3A_50 = tpu.memref_slice %arg6[%add3A_26, %dma_wait3A] : memref<10240x128xf32, #tpu.memory_space<vmem_shared>> -> memref<64x128xf32, #tpu.memory_space<vmem_shared>>
      %dma_wait3A_51 = arith.constant 0 : i32
      %dma_wait3A_52 = tpu.memref_slice %arg6[%add3A_26, %dma_wait3A_51] : memref<10240x128xf32, #tpu.memory_space<vmem_shared>> -> memref<64x128xf32, #tpu.memory_space<vmem_shared>>
      tpu.wait_dma2 semaphore(%run_scoped3A : memref<!tpu.dma_semaphore, #tpu.memory_space<semaphore_mem>>) src(%arg10 : memref<64x128xf32, #tpu.memory_space<vmem>>) dst(%dma_wait3A_52 : memref<64x128xf32, #tpu.memory_space<vmem_shared>>)
      tpu.yield
    }) : () -> ()
    %mul3A_27 = arith.constant 2 : i32
    %mul3A_28 = arith.muli %arg1, %mul3A_27 : i32
    %add3A_29 = arith.addi %mul3A_28, %arg0 : i32
    %mul3A_30 = arith.constant 79 : i32
    %mul3A_31 = arith.muli %add3A_29, %mul3A_30 : i32
    %mul3A_32 = arith.constant 128 : i32
    %mul3A_33 = arith.muli %mul3A_31, %mul3A_32 : i32
    %barrier3A = arith.constant 0 : index
    tpu.barrier barrier_id(%barrier3A)
    %scan3A_34 = arith.constant 0 : i32
    %scan3A_35 = arith.constant 0 : i32
    %scan3A_36 = arith.constant 79 : i32
    %scan3A_37 = arith.addi %scan3A_35, %scan3A_36 : i32
    %scan3A_38 = arith.constant 1 : i32
    %scan3A_39 = scf.for %scan3A_47 = %scan3A_35 to %scan3A_37 step %scan3A_38 iter_args(%scan3A_48 = %scan3A_34) -> (i32)  : i32 {
      %mul3A_49 = arith.constant 128 : i32
      %mul3A_50 = arith.muli %scan3A_47, %mul3A_49 : i32
      %add3A_51 = arith.addi %mul3A_33, %mul3A_50 : i32
      "tpu.region"() ({
        %run_scoped3A = tpu.sem_alloc : memref<!tpu.dma_semaphore, #tpu.memory_space<semaphore_mem>>
        %dma_start3A_57 = tpu.memref_slice %arg3[%add3A_51] : memref<323584xi32, #tpu.memory_space<hbm>> -> memref<128xi32, #tpu.memory_space<hbm>>
        %dma_start3A_58 = tpu.memref_slice %arg3[%add3A_51] : memref<323584xi32, #tpu.memory_space<hbm>> -> memref<128xi32, #tpu.memory_space<hbm>>
        tpu.enqueue_dma source(%dma_start3A_58 : memref<128xi32, #tpu.memory_space<hbm>>) target(%arg7 : memref<128xi32, #tpu.memory_space<vmem>>) target_semaphore(%run_scoped3A : memref<!tpu.dma_semaphore, #tpu.memory_space<semaphore_mem>>)
        %dma_wait3A_59 = tpu.memref_slice %arg3[%add3A_51] : memref<323584xi32, #tpu.memory_space<hbm>> -> memref<128xi32, #tpu.memory_space<hbm>>
        %dma_wait3A_60 = tpu.memref_slice %arg3[%add3A_51] : memref<323584xi32, #tpu.memory_space<hbm>> -> memref<128xi32, #tpu.memory_space<hbm>>
        tpu.wait_dma2 semaphore(%run_scoped3A : memref<!tpu.dma_semaphore, #tpu.memory_space<semaphore_mem>>) src(%dma_wait3A_60 : memref<128xi32, #tpu.memory_space<hbm>>) dst(%arg7 : memref<128xi32, #tpu.memory_space<vmem>>)
        tpu.yield
      }) : () -> ()
      "tpu.region"() ({
        %run_scoped3A = tpu.sem_alloc : memref<!tpu.dma_semaphore, #tpu.memory_space<semaphore_mem>>
        %dma_start3A_57 = tpu.memref_slice %arg4[%add3A_51] : memref<323584xi32, #tpu.memory_space<hbm>> -> memref<128xi32, #tpu.memory_space<hbm>>
        %dma_start3A_58 = tpu.memref_slice %arg4[%add3A_51] : memref<323584xi32, #tpu.memory_space<hbm>> -> memref<128xi32, #tpu.memory_space<hbm>>
        tpu.enqueue_dma source(%dma_start3A_58 : memref<128xi32, #tpu.memory_space<hbm>>) target(%arg8 : memref<128xi32, #tpu.memory_space<vmem>>) target_semaphore(%run_scoped3A : memref<!tpu.dma_semaphore, #tpu.memory_space<semaphore_mem>>)
        %dma_wait3A_59 = tpu.memref_slice %arg4[%add3A_51] : memref<323584xi32, #tpu.memory_space<hbm>> -> memref<128xi32, #tpu.memory_space<hbm>>
        %dma_wait3A_60 = tpu.memref_slice %arg4[%add3A_51] : memref<323584xi32, #tpu.memory_space<hbm>> -> memref<128xi32, #tpu.memory_space<hbm>>
        tpu.wait_dma2 semaphore(%run_scoped3A : memref<!tpu.dma_semaphore, #tpu.memory_space<semaphore_mem>>) src(%dma_wait3A_60 : memref<128xi32, #tpu.memory_space<hbm>>) dst(%arg8 : memref<128xi32, #tpu.memory_space<vmem>>)
        tpu.yield
      }) : () -> ()
      %dma_start3A = arith.constant 0 : i32
      %dma_start3A_52 = arith.constant 0 : i32
      %dma_start3A_53 = tpu.memref_slice %arg2[%dma_start3A, %dma_start3A_52] : memref<10240x128xf32, #tpu.memory_space<hbm>> -> memref<10240x128xf32, #tpu.memory_space<hbm>>
      tpu.enqueue_indirect_dma source(%dma_start3A_53 : memref<10240x128xf32, #tpu.memory_space<hbm>>) target(%arg9 : memref<128x128xf32, #tpu.memory_space<vmem>>) offsets(%arg7 : memref<128xi32, #tpu.memory_space<vmem>>) semaphore(%arg11 : memref<!tpu.dma_semaphore, #tpu.memory_space<semaphore_mem>>)
      %dma_wait3A = arith.constant 0 : i32
      %dma_wait3A_54 = arith.constant 0 : i32
      %dma_wait3A_55 = tpu.memref_slice %arg2[%dma_wait3A, %dma_wait3A_54] : memref<10240x128xf32, #tpu.memory_space<hbm>> -> memref<10240x128xf32, #tpu.memory_space<hbm>>
      tpu.wait_indirect_dma semaphore(%arg11 : memref<!tpu.dma_semaphore, #tpu.memory_space<semaphore_mem>>) src(%dma_wait3A_55 : memref<10240x128xf32, #tpu.memory_space<hbm>>) dst(%arg9 : memref<128x128xf32, #tpu.memory_space<vmem>>)
      "tpu.region"() ({
        %run_scoped3A = tpu.sem_alloc : memref<!tpu.dma_semaphore, #tpu.memory_space<semaphore_mem>>
        %dma_start3A_57 = arith.constant 0 : i32
        %dma_start3A_58 = arith.constant 0 : i32
        %dma_start3A_59 = tpu.memref_slice %arg6[%dma_start3A_57, %dma_start3A_58] : memref<10240x128xf32, #tpu.memory_space<vmem_shared>> -> memref<10240x128xf32, #tpu.memory_space<vmem_shared>>
        tpu.enqueue_indirect_dma source(%arg9 : memref<128x128xf32, #tpu.memory_space<vmem>>) target(%dma_start3A_59 : memref<10240x128xf32, #tpu.memory_space<vmem_shared>>) offsets(%arg8 : memref<128xi32, #tpu.memory_space<vmem>>) semaphore(%run_scoped3A : memref<!tpu.dma_semaphore, #tpu.memory_space<semaphore_mem>>) {add = true}
        %dma_wait3A_60 = arith.constant 0 : i32
        %dma_wait3A_61 = arith.constant 0 : i32
        %dma_wait3A_62 = tpu.memref_slice %arg6[%dma_wait3A_60, %dma_wait3A_61] : memref<10240x128xf32, #tpu.memory_space<vmem_shared>> -> memref<10240x128xf32, #tpu.memory_space<vmem_shared>>
        tpu.wait_indirect_dma semaphore(%run_scoped3A : memref<!tpu.dma_semaphore, #tpu.memory_space<semaphore_mem>>) src(%arg9 : memref<128x128xf32, #tpu.memory_space<vmem>>) dst(%dma_wait3A_62 : memref<10240x128xf32, #tpu.memory_space<vmem_shared>>)
        tpu.yield
      }) : () -> ()
      %scan3A_56 = arith.constant 0 : i32
      scf.yield %scan3A_56 : i32
    }
    %scan3A_40 = arith.constant 79 : i32
    %barrier3A_41 = arith.constant 0 : index
    tpu.barrier barrier_id(%barrier3A_41)
    %mul3A_42 = arith.constant 640 : i32
    %mul3A_43 = arith.muli %arg1, %mul3A_42 : i32
    %mul3A_44 = arith.constant 10240 : i32
    %mul3A_45 = arith.muli %arg0, %mul3A_44 : i32
    %add3A_46 = arith.addi %mul3A_45, %mul3A_43 : i32
    "tpu.region"() ({
      %run_scoped3A = tpu.sem_alloc : memref<!tpu.dma_semaphore, #tpu.memory_space<semaphore_mem>>
      %dma_start3A = arith.constant 0 : i32
      %dma_start3A_47 = tpu.memref_slice %arg5[%add3A_46, %dma_start3A] : memref<20480x128xf32, #tpu.memory_space<hbm>> -> memref<640x128xf32, #tpu.memory_space<hbm>>
      %dma_start3A_48 = arith.constant 0 : i32
      %dma_start3A_49 = tpu.memref_slice %arg6[%mul3A_43, %dma_start3A_48] : memref<10240x128xf32, #tpu.memory_space<vmem_shared>> -> memref<640x128xf32, #tpu.memory_space<vmem_shared>>
      tpu.enqueue_dma source(%dma_start3A_49 : memref<640x128xf32, #tpu.memory_space<vmem_shared>>) target(%dma_start3A_47 : memref<640x128xf32, #tpu.memory_space<hbm>>) target_semaphore(%run_scoped3A : memref<!tpu.dma_semaphore, #tpu.memory_space<semaphore_mem>>)
      %dma_wait3A = arith.constant 0 : i32
      %dma_wait3A_50 = tpu.memref_slice %arg5[%add3A_46, %dma_wait3A] : memref<20480x128xf32, #tpu.memory_space<hbm>> -> memref<640x128xf32, #tpu.memory_space<hbm>>
      %dma_wait3A_51 = arith.constant 0 : i32
      %dma_wait3A_52 = tpu.memref_slice %arg6[%mul3A_43, %dma_wait3A_51] : memref<10240x128xf32, #tpu.memory_space<vmem_shared>> -> memref<640x128xf32, #tpu.memory_space<vmem_shared>>
      tpu.wait_dma2 semaphore(%run_scoped3A : memref<!tpu.dma_semaphore, #tpu.memory_space<semaphore_mem>>) src(%dma_wait3A_52 : memref<640x128xf32, #tpu.memory_space<vmem_shared>>) dst(%dma_wait3A_50 : memref<640x128xf32, #tpu.memory_space<hbm>>)
      tpu.yield
    }) : () -> ()
    return
  }
}

#map = affine_map<(d0, d1) -> (0, 0)>
#map1 = affine_map<(d0, d1) -> (0)>
module attributes {stable_mosaic.version = 14 : i64} {
  func.func @k(%arg0: i32, %arg1: i32, %arg2: memref<10240x128xf32, #tpu.memory_space<hbm>>, %arg3: memref<323584xi32, #tpu.memory_space<hbm>>, %arg4: memref<323584xi32, #tpu.memory_space<hbm>>, %arg5: memref<20480x128xf32, #tpu.memory_space<hbm>>, %arg6: memref<10240x128xf32, #tpu.memory_space<vmem_shared>>, %arg7: memref<128xi32, #tpu.memory_space<vmem>>, %arg8: memref<128xi32, #tpu.memory_space<vmem>>, %arg9: memref<128x128xf32, #tpu.memory_space<vmem>>, %arg10: memref<64x128xf32, #tpu.memory_space<vmem>>, %arg11: memref<!tpu.dma_semaphore, #tpu.memory_space<semaphore_mem>>) attributes {dimension_semantics = [#tpu.dimension_semantics<core_parallel>, #tpu.dimension_semantics<subcore_parallel>], iteration_bounds = array<i64: 2, 16>, scalar_prefetch = 0 : i64, scratch_operands = 6 : i64, tpu.core_type = #tpu.core_type<sc_vector_subcore>, window_params = [{transform_indices = #map}, {transform_indices = #map1}, {transform_indices = #map1}, {transform_indices = #map}]} {
    %broadcast_in_dim3A = arith.constant 0.000000e+00 : f32
    %broadcast_in_dim3A_0 = vector.broadcast %broadcast_in_dim3A : f32 to vector<16xf32>
    %scan3A = arith.constant 0 : i32
    %scan3A_1 = arith.constant 0 : i32
    %scan3A_2 = arith.constant 64 : i32
    %scan3A_3 = arith.addi %scan3A_1, %scan3A_2 : i32
    %scan3A_4 = arith.constant 1 : i32
    %scan3A_5 = scf.for %scan3A_47 = %scan3A_1 to %scan3A_3 step %scan3A_4 iter_args(%scan3A_48 = %scan3A) -> (i32)  : i32 {
      %swap3A = arith.index_cast %scan3A_47 : i32 to index
      %swap3A_49 = arith.constant 0 : index
      %swap3A_50 = tpu.vector_load %arg10[%swap3A, %swap3A_49] {strides = array<i32>} : memref<64x128xf32, #tpu.memory_space<vmem>>, vector<1x16xf32>,
      %swap3A_51 = vector.shape_cast %swap3A_50 : vector<1x16xf32> to vector<16xf32>
      %swap3A_52 = vector.shape_cast %broadcast_in_dim3A_0 : vector<16xf32> to vector<1x16xf32>
      tpu.vector_store %arg10[%swap3A, %swap3A_49], %swap3A_52 {strides = array<i32>} : memref<64x128xf32, #tpu.memory_space<vmem>>, vector<1x16xf32>,
      %swap3A_53 = arith.index_cast %scan3A_47 : i32 to index
      %swap3A_54 = arith.constant 16 : index
      %swap3A_55 = tpu.vector_load %arg10[%swap3A_53, %swap3A_54] {strides = array<i32>} : memref<64x128xf32, #tpu.memory_space<vmem>>, vector<1x16xf32>,
      %swap3A_56 = vector.shape_cast %swap3A_55 : vector<1x16xf32> to vector<16xf32>
      %swap3A_57 = vector.shape_cast %broadcast_in_dim3A_0 : vector<16xf32> to vector<1x16xf32>
      tpu.vector_store %arg10[%swap3A_53, %swap3A_54], %swap3A_57 {strides = array<i32>} : memref<64x128xf32, #tpu.memory_space<vmem>>, vector<1x16xf32>,
      %swap3A_58 = arith.index_cast %scan3A_47 : i32 to index
      %swap3A_59 = arith.constant 32 : index
      %swap3A_60 = tpu.vector_load %arg10[%swap3A_58, %swap3A_59] {strides = array<i32>} : memref<64x128xf32, #tpu.memory_space<vmem>>, vector<1x16xf32>,
      %swap3A_61 = vector.shape_cast %swap3A_60 : vector<1x16xf32> to vector<16xf32>
      %swap3A_62 = vector.shape_cast %broadcast_in_dim3A_0 : vector<16xf32> to vector<1x16xf32>
      tpu.vector_store %arg10[%swap3A_58, %swap3A_59], %swap3A_62 {strides = array<i32>} : memref<64x128xf32, #tpu.memory_space<vmem>>, vector<1x16xf32>,
      %swap3A_63 = arith.index_cast %scan3A_47 : i32 to index
      %swap3A_64 = arith.constant 48 : index
      %swap3A_65 = tpu.vector_load %arg10[%swap3A_63, %swap3A_64] {strides = array<i32>} : memref<64x128xf32, #tpu.memory_space<vmem>>, vector<1x16xf32>,
      %swap3A_66 = vector.shape_cast %swap3A_65 : vector<1x16xf32> to vector<16xf32>
      %swap3A_67 = vector.shape_cast %broadcast_in_dim3A_0 : vector<16xf32> to vector<1x16xf32>
      tpu.vector_store %arg10[%swap3A_63, %swap3A_64], %swap3A_67 {strides = array<i32>} : memref<64x128xf32, #tpu.memory_space<vmem>>, vector<1x16xf32>,
      %swap3A_68 = arith.index_cast %scan3A_47 : i32 to index
      %swap3A_69 = arith.constant 64 : index
      %swap3A_70 = tpu.vector_load %arg10[%swap3A_68, %swap3A_69] {strides = array<i32>} : memref<64x128xf32, #tpu.memory_space<vmem>>, vector<1x16xf32>,
      %swap3A_71 = vector.shape_cast %swap3A_70 : vector<1x16xf32> to vector<16xf32>
      %swap3A_72 = vector.shape_cast %broadcast_in_dim3A_0 : vector<16xf32> to vector<1x16xf32>
      tpu.vector_store %arg10[%swap3A_68, %swap3A_69], %swap3A_72 {strides = array<i32>} : memref<64x128xf32, #tpu.memory_space<vmem>>, vector<1x16xf32>,
      %swap3A_73 = arith.index_cast %scan3A_47 : i32 to index
      %swap3A_74 = arith.constant 80 : index
      %swap3A_75 = tpu.vector_load %arg10[%swap3A_73, %swap3A_74] {strides = array<i32>} : memref<64x128xf32, #tpu.memory_space<vmem>>, vector<1x16xf32>,
      %swap3A_76 = vector.shape_cast %swap3A_75 : vector<1x16xf32> to vector<16xf32>
      %swap3A_77 = vector.shape_cast %broadcast_in_dim3A_0 : vector<16xf32> to vector<1x16xf32>
      tpu.vector_store %arg10[%swap3A_73, %swap3A_74], %swap3A_77 {strides = array<i32>} : memref<64x128xf32, #tpu.memory_space<vmem>>, vector<1x16xf32>,
      %swap3A_78 = arith.index_cast %scan3A_47 : i32 to index
      %swap3A_79 = arith.constant 96 : index
      %swap3A_80 = tpu.vector_load %arg10[%swap3A_78, %swap3A_79] {strides = array<i32>} : memref<64x128xf32, #tpu.memory_space<vmem>>, vector<1x16xf32>,
      %swap3A_81 = vector.shape_cast %swap3A_80 : vector<1x16xf32> to vector<16xf32>
      %swap3A_82 = vector.shape_cast %broadcast_in_dim3A_0 : vector<16xf32> to vector<1x16xf32>
      tpu.vector_store %arg10[%swap3A_78, %swap3A_79], %swap3A_82 {strides = array<i32>} : memref<64x128xf32, #tpu.memory_space<vmem>>, vector<1x16xf32>,
      %swap3A_83 = arith.index_cast %scan3A_47 : i32 to index
      %swap3A_84 = arith.constant 112 : index
      %swap3A_85 = tpu.vector_load %arg10[%swap3A_83, %swap3A_84] {strides = array<i32>} : memref<64x128xf32, #tpu.memory_space<vmem>>, vector<1x16xf32>,
      %swap3A_86 = vector.shape_cast %swap3A_85 : vector<1x16xf32> to vector<16xf32>
      %swap3A_87 = vector.shape_cast %broadcast_in_dim3A_0 : vector<16xf32> to vector<1x16xf32>
      tpu.vector_store %arg10[%swap3A_83, %swap3A_84], %swap3A_87 {strides = array<i32>} : memref<64x128xf32, #tpu.memory_space<vmem>>, vector<1x16xf32>,
      %scan3A_88 = arith.constant 0 : i32
      scf.yield %scan3A_88 : i32
    }
    %scan3A_6 = arith.constant 64 : i32
    %mul3A = arith.constant 640 : i32
    %mul3A_7 = arith.muli %arg1, %mul3A : i32
    %add3A = arith.constant 0 : i32
    %add3A_8 = arith.addi %mul3A_7, %add3A : i32
    "tpu.region"() ({
      %run_scoped3A = tpu.sem_alloc : memref<!tpu.dma_semaphore, #tpu.memory_space<semaphore_mem>>
      %dma_start3A = arith.constant 0 : i32
      %dma_start3A_47 = tpu.memref_slice %arg6[%add3A_8, %dma_start3A] : memref<10240x128xf32, #tpu.memory_space<vmem_shared>> -> memref<64x128xf32, #tpu.memory_space<vmem_shared>>
      %dma_start3A_48 = arith.constant 0 : i32
      %dma_start3A_49 = tpu.memref_slice %arg6[%add3A_8, %dma_start3A_48] : memref<10240x128xf32, #tpu.memory_space<vmem_shared>> -> memref<64x128xf32, #tpu.memory_space<vmem_shared>>
      tpu.enqueue_dma source(%arg10 : memref<64x128xf32, #tpu.memory_space<vmem>>) target(%dma_start3A_49 : memref<64x128xf32, #tpu.memory_space<vmem_shared>>) target_semaphore(%run_scoped3A : memref<!tpu.dma_semaphore, #tpu.memory_space<semaphore_mem>>)
      %dma_wait3A = arith.constant 0 : i32
      %dma_wait3A_50 = tpu.memref_slice %arg6[%add3A_8, %dma_wait3A] : memref<10240x128xf32, #tpu.memory_space<vmem_shared>> -> memref<64x128xf32, #tpu.memory_space<vmem_shared>>
      %dma_wait3A_51 = arith.constant 0 : i32
      %dma_wait3A_52 = tpu.memref_slice %arg6[%add3A_8, %dma_wait3A_51] : memref<10240x128xf32, #tpu.memory_space<vmem_shared>> -> memref<64x128xf32, #tpu.memory_space<vmem_shared>>
      tpu.wait_dma2 semaphore(%run_scoped3A : memref<!tpu.dma_semaphore, #tpu.memory_space<semaphore_mem>>) src(%arg10 : memref<64x128xf32, #tpu.memory_space<vmem>>) dst(%dma_wait3A_52 : memref<64x128xf32, #tpu.memory_space<vmem_shared>>)
      tpu.yield
    }) : () -> ()
    %add3A_9 = arith.constant 64 : i32
    %add3A_10 = arith.addi %mul3A_7, %add3A_9 : i32
    "tpu.region"() ({
      %run_scoped3A = tpu.sem_alloc : memref<!tpu.dma_semaphore, #tpu.memory_space<semaphore_mem>>
      %dma_start3A = arith.constant 0 : i32
      %dma_start3A_47 = tpu.memref_slice %arg6[%add3A_10, %dma_start3A] : memref<10240x128xf32, #tpu.memory_space<vmem_shared>> -> memref<64x128xf32, #tpu.memory_space<vmem_shared>>
      %dma_start3A_48 = arith.constant 0 : i32
      %dma_start3A_49 = tpu.memref_slice %arg6[%add3A_10, %dma_start3A_48] : memref<10240x128xf32, #tpu.memory_space<vmem_shared>> -> memref<64x128xf32, #tpu.memory_space<vmem_shared>>
      tpu.enqueue_dma source(%arg10 : memref<64x128xf32, #tpu.memory_space<vmem>>) target(%dma_start3A_49 : memref<64x128xf32, #tpu.memory_space<vmem_shared>>) target_semaphore(%run_scoped3A : memref<!tpu.dma_semaphore, #tpu.memory_space<semaphore_mem>>)
      %dma_wait3A = arith.constant 0 : i32
      %dma_wait3A_50 = tpu.memref_slice %arg6[%add3A_10, %dma_wait3A] : memref<10240x128xf32, #tpu.memory_space<vmem_shared>> -> memref<64x128xf32, #tpu.memory_space<vmem_shared>>
      %dma_wait3A_51 = arith.constant 0 : i32
      %dma_wait3A_52 = tpu.memref_slice %arg6[%add3A_10, %dma_wait3A_51] : memref<10240x128xf32, #tpu.memory_space<vmem_shared>> -> memref<64x128xf32, #tpu.memory_space<vmem_shared>>
      tpu.wait_dma2 semaphore(%run_scoped3A : memref<!tpu.dma_semaphore, #tpu.memory_space<semaphore_mem>>) src(%arg10 : memref<64x128xf32, #tpu.memory_space<vmem>>) dst(%dma_wait3A_52 : memref<64x128xf32, #tpu.memory_space<vmem_shared>>)
      tpu.yield
    }) : () -> ()
    %add3A_11 = arith.constant 128 : i32
    %add3A_12 = arith.addi %mul3A_7, %add3A_11 : i32
    "tpu.region"() ({
      %run_scoped3A = tpu.sem_alloc : memref<!tpu.dma_semaphore, #tpu.memory_space<semaphore_mem>>
      %dma_start3A = arith.constant 0 : i32
      %dma_start3A_47 = tpu.memref_slice %arg6[%add3A_12, %dma_start3A] : memref<10240x128xf32, #tpu.memory_space<vmem_shared>> -> memref<64x128xf32, #tpu.memory_space<vmem_shared>>
      %dma_start3A_48 = arith.constant 0 : i32
      %dma_start3A_49 = tpu.memref_slice %arg6[%add3A_12, %dma_start3A_48] : memref<10240x128xf32, #tpu.memory_space<vmem_shared>> -> memref<64x128xf32, #tpu.memory_space<vmem_shared>>
      tpu.enqueue_dma source(%arg10 : memref<64x128xf32, #tpu.memory_space<vmem>>) target(%dma_start3A_49 : memref<64x128xf32, #tpu.memory_space<vmem_shared>>) target_semaphore(%run_scoped3A : memref<!tpu.dma_semaphore, #tpu.memory_space<semaphore_mem>>)
      %dma_wait3A = arith.constant 0 : i32
      %dma_wait3A_50 = tpu.memref_slice %arg6[%add3A_12, %dma_wait3A] : memref<10240x128xf32, #tpu.memory_space<vmem_shared>> -> memref<64x128xf32, #tpu.memory_space<vmem_shared>>
      %dma_wait3A_51 = arith.constant 0 : i32
      %dma_wait3A_52 = tpu.memref_slice %arg6[%add3A_12, %dma_wait3A_51] : memref<10240x128xf32, #tpu.memory_space<vmem_shared>> -> memref<64x128xf32, #tpu.memory_space<vmem_shared>>
      tpu.wait_dma2 semaphore(%run_scoped3A : memref<!tpu.dma_semaphore, #tpu.memory_space<semaphore_mem>>) src(%arg10 : memref<64x128xf32, #tpu.memory_space<vmem>>) dst(%dma_wait3A_52 : memref<64x128xf32, #tpu.memory_space<vmem_shared>>)
      tpu.yield
    }) : () -> ()
    %add3A_13 = arith.constant 192 : i32
    %add3A_14 = arith.addi %mul3A_7, %add3A_13 : i32
    "tpu.region"() ({
      %run_scoped3A = tpu.sem_alloc : memref<!tpu.dma_semaphore, #tpu.memory_space<semaphore_mem>>
      %dma_start3A = arith.constant 0 : i32
      %dma_start3A_47 = tpu.memref_slice %arg6[%add3A_14, %dma_start3A] : memref<10240x128xf32, #tpu.memory_space<vmem_shared>> -> memref<64x128xf32, #tpu.memory_space<vmem_shared>>
      %dma_start3A_48 = arith.constant 0 : i32
      %dma_start3A_49 = tpu.memref_slice %arg6[%add3A_14, %dma_start3A_48] : memref<10240x128xf32, #tpu.memory_space<vmem_shared>> -> memref<64x128xf32, #tpu.memory_space<vmem_shared>>
      tpu.enqueue_dma source(%arg10 : memref<64x128xf32, #tpu.memory_space<vmem>>) target(%dma_start3A_49 : memref<64x128xf32, #tpu.memory_space<vmem_shared>>) target_semaphore(%run_scoped3A : memref<!tpu.dma_semaphore, #tpu.memory_space<semaphore_mem>>)
      %dma_wait3A = arith.constant 0 : i32
      %dma_wait3A_50 = tpu.memref_slice %arg6[%add3A_14, %dma_wait3A] : memref<10240x128xf32, #tpu.memory_space<vmem_shared>> -> memref<64x128xf32, #tpu.memory_space<vmem_shared>>
      %dma_wait3A_51 = arith.constant 0 : i32
      %dma_wait3A_52 = tpu.memref_slice %arg6[%add3A_14, %dma_wait3A_51] : memref<10240x128xf32, #tpu.memory_space<vmem_shared>> -> memref<64x128xf32, #tpu.memory_space<vmem_shared>>
      tpu.wait_dma2 semaphore(%run_scoped3A : memref<!tpu.dma_semaphore, #tpu.memory_space<semaphore_mem>>) src(%arg10 : memref<64x128xf32, #tpu.memory_space<vmem>>) dst(%dma_wait3A_52 : memref<64x128xf32, #tpu.memory_space<vmem_shared>>)
      tpu.yield
    }) : () -> ()
    %add3A_15 = arith.constant 256 : i32
    %add3A_16 = arith.addi %mul3A_7, %add3A_15 : i32
    "tpu.region"() ({
      %run_scoped3A = tpu.sem_alloc : memref<!tpu.dma_semaphore, #tpu.memory_space<semaphore_mem>>
      %dma_start3A = arith.constant 0 : i32
      %dma_start3A_47 = tpu.memref_slice %arg6[%add3A_16, %dma_start3A] : memref<10240x128xf32, #tpu.memory_space<vmem_shared>> -> memref<64x128xf32, #tpu.memory_space<vmem_shared>>
      %dma_start3A_48 = arith.constant 0 : i32
      %dma_start3A_49 = tpu.memref_slice %arg6[%add3A_16, %dma_start3A_48] : memref<10240x128xf32, #tpu.memory_space<vmem_shared>> -> memref<64x128xf32, #tpu.memory_space<vmem_shared>>
      tpu.enqueue_dma source(%arg10 : memref<64x128xf32, #tpu.memory_space<vmem>>) target(%dma_start3A_49 : memref<64x128xf32, #tpu.memory_space<vmem_shared>>) target_semaphore(%run_scoped3A : memref<!tpu.dma_semaphore, #tpu.memory_space<semaphore_mem>>)
      %dma_wait3A = arith.constant 0 : i32
      %dma_wait3A_50 = tpu.memref_slice %arg6[%add3A_16, %dma_wait3A] : memref<10240x128xf32, #tpu.memory_space<vmem_shared>> -> memref<64x128xf32, #tpu.memory_space<vmem_shared>>
      %dma_wait3A_51 = arith.constant 0 : i32
      %dma_wait3A_52 = tpu.memref_slice %arg6[%add3A_16, %dma_wait3A_51] : memref<10240x128xf32, #tpu.memory_space<vmem_shared>> -> memref<64x128xf32, #tpu.memory_space<vmem_shared>>
      tpu.wait_dma2 semaphore(%run_scoped3A : memref<!tpu.dma_semaphore, #tpu.memory_space<semaphore_mem>>) src(%arg10 : memref<64x128xf32, #tpu.memory_space<vmem>>) dst(%dma_wait3A_52 : memref<64x128xf32, #tpu.memory_space<vmem_shared>>)
      tpu.yield
    }) : () -> ()
    %add3A_17 = arith.constant 320 : i32
    %add3A_18 = arith.addi %mul3A_7, %add3A_17 : i32
    "tpu.region"() ({
      %run_scoped3A = tpu.sem_alloc : memref<!tpu.dma_semaphore, #tpu.memory_space<semaphore_mem>>
      %dma_start3A = arith.constant 0 : i32
      %dma_start3A_47 = tpu.memref_slice %arg6[%add3A_18, %dma_start3A] : memref<10240x128xf32, #tpu.memory_space<vmem_shared>> -> memref<64x128xf32, #tpu.memory_space<vmem_shared>>
      %dma_start3A_48 = arith.constant 0 : i32
      %dma_start3A_49 = tpu.memref_slice %arg6[%add3A_18, %dma_start3A_48] : memref<10240x128xf32, #tpu.memory_space<vmem_shared>> -> memref<64x128xf32, #tpu.memory_space<vmem_shared>>
      tpu.enqueue_dma source(%arg10 : memref<64x128xf32, #tpu.memory_space<vmem>>) target(%dma_start3A_49 : memref<64x128xf32, #tpu.memory_space<vmem_shared>>) target_semaphore(%run_scoped3A : memref<!tpu.dma_semaphore, #tpu.memory_space<semaphore_mem>>)
      %dma_wait3A = arith.constant 0 : i32
      %dma_wait3A_50 = tpu.memref_slice %arg6[%add3A_18, %dma_wait3A] : memref<10240x128xf32, #tpu.memory_space<vmem_shared>> -> memref<64x128xf32, #tpu.memory_space<vmem_shared>>
      %dma_wait3A_51 = arith.constant 0 : i32
      %dma_wait3A_52 = tpu.memref_slice %arg6[%add3A_18, %dma_wait3A_51] : memref<10240x128xf32, #tpu.memory_space<vmem_shared>> -> memref<64x128xf32, #tpu.memory_space<vmem_shared>>
      tpu.wait_dma2 semaphore(%run_scoped3A : memref<!tpu.dma_semaphore, #tpu.memory_space<semaphore_mem>>) src(%arg10 : memref<64x128xf32, #tpu.memory_space<vmem>>) dst(%dma_wait3A_52 : memref<64x128xf32, #tpu.memory_space<vmem_shared>>)
      tpu.yield
    }) : () -> ()
    %add3A_19 = arith.constant 384 : i32
    %add3A_20 = arith.addi %mul3A_7, %add3A_19 : i32
    "tpu.region"() ({
      %run_scoped3A = tpu.sem_alloc : memref<!tpu.dma_semaphore, #tpu.memory_space<semaphore_mem>>
      %dma_start3A = arith.constant 0 : i32
      %dma_start3A_47 = tpu.memref_slice %arg6[%add3A_20, %dma_start3A] : memref<10240x128xf32, #tpu.memory_space<vmem_shared>> -> memref<64x128xf32, #tpu.memory_space<vmem_shared>>
      %dma_start3A_48 = arith.constant 0 : i32
      %dma_start3A_49 = tpu.memref_slice %arg6[%add3A_20, %dma_start3A_48] : memref<10240x128xf32, #tpu.memory_space<vmem_shared>> -> memref<64x128xf32, #tpu.memory_space<vmem_shared>>
      tpu.enqueue_dma source(%arg10 : memref<64x128xf32, #tpu.memory_space<vmem>>) target(%dma_start3A_49 : memref<64x128xf32, #tpu.memory_space<vmem_shared>>) target_semaphore(%run_scoped3A : memref<!tpu.dma_semaphore, #tpu.memory_space<semaphore_mem>>)
      %dma_wait3A = arith.constant 0 : i32
      %dma_wait3A_50 = tpu.memref_slice %arg6[%add3A_20, %dma_wait3A] : memref<10240x128xf32, #tpu.memory_space<vmem_shared>> -> memref<64x128xf32, #tpu.memory_space<vmem_shared>>
      %dma_wait3A_51 = arith.constant 0 : i32
      %dma_wait3A_52 = tpu.memref_slice %arg6[%add3A_20, %dma_wait3A_51] : memref<10240x128xf32, #tpu.memory_space<vmem_shared>> -> memref<64x128xf32, #tpu.memory_space<vmem_shared>>
      tpu.wait_dma2 semaphore(%run_scoped3A : memref<!tpu.dma_semaphore, #tpu.memory_space<semaphore_mem>>) src(%arg10 : memref<64x128xf32, #tpu.memory_space<vmem>>) dst(%dma_wait3A_52 : memref<64x128xf32, #tpu.memory_space<vmem_shared>>)
      tpu.yield
    }) : () -> ()
    %add3A_21 = arith.constant 448 : i32
    %add3A_22 = arith.addi %mul3A_7, %add3A_21 : i32
    "tpu.region"() ({
      %run_scoped3A = tpu.sem_alloc : memref<!tpu.dma_semaphore, #tpu.memory_space<semaphore_mem>>
      %dma_start3A = arith.constant 0 : i32
      %dma_start3A_47 = tpu.memref_slice %arg6[%add3A_22, %dma_start3A] : memref<10240x128xf32, #tpu.memory_space<vmem_shared>> -> memref<64x128xf32, #tpu.memory_space<vmem_shared>>
      %dma_start3A_48 = arith.constant 0 : i32
      %dma_start3A_49 = tpu.memref_slice %arg6[%add3A_22, %dma_start3A_48] : memref<10240x128xf32, #tpu.memory_space<vmem_shared>> -> memref<64x128xf32, #tpu.memory_space<vmem_shared>>
      tpu.enqueue_dma source(%arg10 : memref<64x128xf32, #tpu.memory_space<vmem>>) target(%dma_start3A_49 : memref<64x128xf32, #tpu.memory_space<vmem_shared>>) target_semaphore(%run_scoped3A : memref<!tpu.dma_semaphore, #tpu.memory_space<semaphore_mem>>)
      %dma_wait3A = arith.constant 0 : i32
      %dma_wait3A_50 = tpu.memref_slice %arg6[%add3A_22, %dma_wait3A] : memref<10240x128xf32, #tpu.memory_space<vmem_shared>> -> memref<64x128xf32, #tpu.memory_space<vmem_shared>>
      %dma_wait3A_51 = arith.constant 0 : i32
      %dma_wait3A_52 = tpu.memref_slice %arg6[%add3A_22, %dma_wait3A_51] : memref<10240x128xf32, #tpu.memory_space<vmem_shared>> -> memref<64x128xf32, #tpu.memory_space<vmem_shared>>
      tpu.wait_dma2 semaphore(%run_scoped3A : memref<!tpu.dma_semaphore, #tpu.memory_space<semaphore_mem>>) src(%arg10 : memref<64x128xf32, #tpu.memory_space<vmem>>) dst(%dma_wait3A_52 : memref<64x128xf32, #tpu.memory_space<vmem_shared>>)
      tpu.yield
    }) : () -> ()
    %add3A_23 = arith.constant 512 : i32
    %add3A_24 = arith.addi %mul3A_7, %add3A_23 : i32
    "tpu.region"() ({
      %run_scoped3A = tpu.sem_alloc : memref<!tpu.dma_semaphore, #tpu.memory_space<semaphore_mem>>
      %dma_start3A = arith.constant 0 : i32
      %dma_start3A_47 = tpu.memref_slice %arg6[%add3A_24, %dma_start3A] : memref<10240x128xf32, #tpu.memory_space<vmem_shared>> -> memref<64x128xf32, #tpu.memory_space<vmem_shared>>
      %dma_start3A_48 = arith.constant 0 : i32
      %dma_start3A_49 = tpu.memref_slice %arg6[%add3A_24, %dma_start3A_48] : memref<10240x128xf32, #tpu.memory_space<vmem_shared>> -> memref<64x128xf32, #tpu.memory_space<vmem_shared>>
      tpu.enqueue_dma source(%arg10 : memref<64x128xf32, #tpu.memory_space<vmem>>) target(%dma_start3A_49 : memref<64x128xf32, #tpu.memory_space<vmem_shared>>) target_semaphore(%run_scoped3A : memref<!tpu.dma_semaphore, #tpu.memory_space<semaphore_mem>>)
      %dma_wait3A = arith.constant 0 : i32
      %dma_wait3A_50 = tpu.memref_slice %arg6[%add3A_24, %dma_wait3A] : memref<10240x128xf32, #tpu.memory_space<vmem_shared>> -> memref<64x128xf32, #tpu.memory_space<vmem_shared>>
      %dma_wait3A_51 = arith.constant 0 : i32
      %dma_wait3A_52 = tpu.memref_slice %arg6[%add3A_24, %dma_wait3A_51] : memref<10240x128xf32, #tpu.memory_space<vmem_shared>> -> memref<64x128xf32, #tpu.memory_space<vmem_shared>>
      tpu.wait_dma2 semaphore(%run_scoped3A : memref<!tpu.dma_semaphore, #tpu.memory_space<semaphore_mem>>) src(%arg10 : memref<64x128xf32, #tpu.memory_space<vmem>>) dst(%dma_wait3A_52 : memref<64x128xf32, #tpu.memory_space<vmem_shared>>)
      tpu.yield
    }) : () -> ()
    %add3A_25 = arith.constant 576 : i32
    %add3A_26 = arith.addi %mul3A_7, %add3A_25 : i32
    "tpu.region"() ({
      %run_scoped3A = tpu.sem_alloc : memref<!tpu.dma_semaphore, #tpu.memory_space<semaphore_mem>>
      %dma_start3A = arith.constant 0 : i32
      %dma_start3A_47 = tpu.memref_slice %arg6[%add3A_26, %dma_start3A] : memref<10240x128xf32, #tpu.memory_space<vmem_shared>> -> memref<64x128xf32, #tpu.memory_space<vmem_shared>>
      %dma_start3A_48 = arith.constant 0 : i32
      %dma_start3A_49 = tpu.memref_slice %arg6[%add3A_26, %dma_start3A_48] : memref<10240x128xf32, #tpu.memory_space<vmem_shared>> -> memref<64x128xf32, #tpu.memory_space<vmem_shared>>
      tpu.enqueue_dma source(%arg10 : memref<64x128xf32, #tpu.memory_space<vmem>>) target(%dma_start3A_49 : memref<64x128xf32, #tpu.memory_space<vmem_shared>>) target_semaphore(%run_scoped3A : memref<!tpu.dma_semaphore, #tpu.memory_space<semaphore_mem>>)
      %dma_wait3A = arith.constant 0 : i32
      %dma_wait3A_50 = tpu.memref_slice %arg6[%add3A_26, %dma_wait3A] : memref<10240x128xf32, #tpu.memory_space<vmem_shared>> -> memref<64x128xf32, #tpu.memory_space<vmem_shared>>
      %dma_wait3A_51 = arith.constant 0 : i32
      %dma_wait3A_52 = tpu.memref_slice %arg6[%add3A_26, %dma_wait3A_51] : memref<10240x128xf32, #tpu.memory_space<vmem_shared>> -> memref<64x128xf32, #tpu.memory_space<vmem_shared>>
      tpu.wait_dma2 semaphore(%run_scoped3A : memref<!tpu.dma_semaphore, #tpu.memory_space<semaphore_mem>>) src(%arg10 : memref<64x128xf32, #tpu.memory_space<vmem>>) dst(%dma_wait3A_52 : memref<64x128xf32, #tpu.memory_space<vmem_shared>>)
      tpu.yield
    }) : () -> ()
    %mul3A_27 = arith.constant 2 : i32
    %mul3A_28 = arith.muli %arg1, %mul3A_27 : i32
    %add3A_29 = arith.addi %mul3A_28, %arg0 : i32
    %mul3A_30 = arith.constant 79 : i32
    %mul3A_31 = arith.muli %add3A_29, %mul3A_30 : i32
    %mul3A_32 = arith.constant 128 : i32
    %mul3A_33 = arith.muli %mul3A_31, %mul3A_32 : i32
    %barrier3A = arith.constant 0 : index
    tpu.barrier barrier_id(%barrier3A)
    %scan3A_34 = arith.constant 0 : i32
    %scan3A_35 = arith.constant 0 : i32
    %scan3A_36 = arith.constant 79 : i32
    %scan3A_37 = arith.addi %scan3A_35, %scan3A_36 : i32
    %scan3A_38 = arith.constant 1 : i32
    %scan3A_39 = scf.for %scan3A_47 = %scan3A_35 to %scan3A_37 step %scan3A_38 iter_args(%scan3A_48 = %scan3A_34) -> (i32)  : i32 {
      %mul3A_49 = arith.constant 128 : i32
      %mul3A_50 = arith.muli %scan3A_47, %mul3A_49 : i32
      %add3A_51 = arith.addi %mul3A_33, %mul3A_50 : i32
      "tpu.region"() ({
        %run_scoped3A = tpu.sem_alloc : memref<!tpu.dma_semaphore, #tpu.memory_space<semaphore_mem>>
        %dma_start3A_57 = tpu.memref_slice %arg3[%add3A_51] : memref<323584xi32, #tpu.memory_space<hbm>> -> memref<128xi32, #tpu.memory_space<hbm>>
        %dma_start3A_58 = tpu.memref_slice %arg3[%add3A_51] : memref<323584xi32, #tpu.memory_space<hbm>> -> memref<128xi32, #tpu.memory_space<hbm>>
        tpu.enqueue_dma source(%dma_start3A_58 : memref<128xi32, #tpu.memory_space<hbm>>) target(%arg7 : memref<128xi32, #tpu.memory_space<vmem>>) target_semaphore(%run_scoped3A : memref<!tpu.dma_semaphore, #tpu.memory_space<semaphore_mem>>)
        %dma_wait3A_59 = tpu.memref_slice %arg3[%add3A_51] : memref<323584xi32, #tpu.memory_space<hbm>> -> memref<128xi32, #tpu.memory_space<hbm>>
        %dma_wait3A_60 = tpu.memref_slice %arg3[%add3A_51] : memref<323584xi32, #tpu.memory_space<hbm>> -> memref<128xi32, #tpu.memory_space<hbm>>
        tpu.wait_dma2 semaphore(%run_scoped3A : memref<!tpu.dma_semaphore, #tpu.memory_space<semaphore_mem>>) src(%dma_wait3A_60 : memref<128xi32, #tpu.memory_space<hbm>>) dst(%arg7 : memref<128xi32, #tpu.memory_space<vmem>>)
        tpu.yield
      }) : () -> ()
      "tpu.region"() ({
        %run_scoped3A = tpu.sem_alloc : memref<!tpu.dma_semaphore, #tpu.memory_space<semaphore_mem>>
        %dma_start3A_57 = tpu.memref_slice %arg4[%add3A_51] : memref<323584xi32, #tpu.memory_space<hbm>> -> memref<128xi32, #tpu.memory_space<hbm>>
        %dma_start3A_58 = tpu.memref_slice %arg4[%add3A_51] : memref<323584xi32, #tpu.memory_space<hbm>> -> memref<128xi32, #tpu.memory_space<hbm>>
        tpu.enqueue_dma source(%dma_start3A_58 : memref<128xi32, #tpu.memory_space<hbm>>) target(%arg8 : memref<128xi32, #tpu.memory_space<vmem>>) target_semaphore(%run_scoped3A : memref<!tpu.dma_semaphore, #tpu.memory_space<semaphore_mem>>)
        %dma_wait3A_59 = tpu.memref_slice %arg4[%add3A_51] : memref<323584xi32, #tpu.memory_space<hbm>> -> memref<128xi32, #tpu.memory_space<hbm>>
        %dma_wait3A_60 = tpu.memref_slice %arg4[%add3A_51] : memref<323584xi32, #tpu.memory_space<hbm>> -> memref<128xi32, #tpu.memory_space<hbm>>
        tpu.wait_dma2 semaphore(%run_scoped3A : memref<!tpu.dma_semaphore, #tpu.memory_space<semaphore_mem>>) src(%dma_wait3A_60 : memref<128xi32, #tpu.memory_space<hbm>>) dst(%arg8 : memref<128xi32, #tpu.memory_space<vmem>>)
        tpu.yield
      }) : () -> ()
      %dma_start3A = arith.constant 0 : i32
      %dma_start3A_52 = arith.constant 0 : i32
      %dma_start3A_53 = tpu.memref_slice %arg2[%dma_start3A, %dma_start3A_52] : memref<10240x128xf32, #tpu.memory_space<hbm>> -> memref<10240x128xf32, #tpu.memory_space<hbm>>
      tpu.enqueue_indirect_dma source(%dma_start3A_53 : memref<10240x128xf32, #tpu.memory_space<hbm>>) target(%arg9 : memref<128x128xf32, #tpu.memory_space<vmem>>) offsets(%arg7 : memref<128xi32, #tpu.memory_space<vmem>>) semaphore(%arg11 : memref<!tpu.dma_semaphore, #tpu.memory_space<semaphore_mem>>)
      %dma_wait3A = arith.constant 0 : i32
      %dma_wait3A_54 = arith.constant 0 : i32
      %dma_wait3A_55 = tpu.memref_slice %arg2[%dma_wait3A, %dma_wait3A_54] : memref<10240x128xf32, #tpu.memory_space<hbm>> -> memref<10240x128xf32, #tpu.memory_space<hbm>>
      tpu.wait_indirect_dma semaphore(%arg11 : memref<!tpu.dma_semaphore, #tpu.memory_space<semaphore_mem>>) src(%dma_wait3A_55 : memref<10240x128xf32, #tpu.memory_space<hbm>>) dst(%arg9 : memref<128x128xf32, #tpu.memory_space<vmem>>)
      "tpu.region"() ({
        %run_scoped3A = tpu.sem_alloc : memref<!tpu.dma_semaphore, #tpu.memory_space<semaphore_mem>>
        %dma_start3A_57 = arith.constant 0 : i32
        %dma_start3A_58 = arith.constant 0 : i32
        %dma_start3A_59 = tpu.memref_slice %arg6[%dma_start3A_57, %dma_start3A_58] : memref<10240x128xf32, #tpu.memory_space<vmem_shared>> -> memref<10240x128xf32, #tpu.memory_space<vmem_shared>>
        tpu.enqueue_indirect_dma source(%arg9 : memref<128x128xf32, #tpu.memory_space<vmem>>) target(%dma_start3A_59 : memref<10240x128xf32, #tpu.memory_space<vmem_shared>>) offsets(%arg8 : memref<128xi32, #tpu.memory_space<vmem>>) semaphore(%run_scoped3A : memref<!tpu.dma_semaphore, #tpu.memory_space<semaphore_mem>>) {add = true}
        %dma_wait3A_60 = arith.constant 0 : i32
        %dma_wait3A_61 = arith.constant 0 : i32
        %dma_wait3A_62 = tpu.memref_slice %arg6[%dma_wait3A_60, %dma_wait3A_61] : memref<10240x128xf32, #tpu.memory_space<vmem_shared>> -> memref<10240x128xf32, #tpu.memory_space<vmem_shared>>
        tpu.wait_indirect_dma semaphore(%run_scoped3A : memref<!tpu.dma_semaphore, #tpu.memory_space<semaphore_mem>>) src(%arg9 : memref<128x128xf32, #tpu.memory_space<vmem>>) dst(%dma_wait3A_62 : memref<10240x128xf32, #tpu.memory_space<vmem_shared>>)
        tpu.yield
      }) : () -> ()
      %scan3A_56 = arith.constant 0 : i32
      scf.yield %scan3A_56 : i32
    }
    %scan3A_40 = arith.constant 79 : i32
    %barrier3A_41 = arith.constant 0 : index
    tpu.barrier barrier_id(%barrier3A_41)
    %mul3A_42 = arith.constant 640 : i32
    %mul3A_43 = arith.muli %arg1, %mul3A_42 : i32
    %mul3A_44 = arith.constant 10240 : i32
    %mul3A_45 = arith.muli %arg0, %mul3A_44 : i32
    %add3A_46 = arith.addi %mul3A_45, %mul3A_43 : i32
    "tpu.region"() ({
      %run_scoped3A = tpu.sem_alloc : memref<!tpu.dma_semaphore, #tpu.memory_space<semaphore_mem>>
      %dma_start3A = arith.constant 0 : i32
      %dma_start3A_47 = tpu.memref_slice %arg5[%add3A_46, %dma_start3A] : memref<20480x128xf32, #tpu.memory_space<hbm>> -> memref<640x128xf32, #tpu.memory_space<hbm>>
      %dma_start3A_48 = arith.constant 0 : i32
      %dma_start3A_49 = tpu.memref_slice %arg6[%mul3A_43, %dma_start3A_48] : memref<10240x128xf32, #tpu.memory_space<vmem_shared>> -> memref<640x128xf32, #tpu.memory_space<vmem_shared>>
      tpu.enqueue_dma source(%dma_start3A_49 : memref<640x128xf32, #tpu.memory_space<vmem_shared>>) target(%dma_start3A_47 : memref<640x128xf32, #tpu.memory_space<hbm>>) target_semaphore(%run_scoped3A : memref<!tpu.dma_semaphore, #tpu.memory_space<semaphore_mem>>)
      %dma_wait3A = arith.constant 0 : i32
      %dma_wait3A_50 = tpu.memref_slice %arg5[%add3A_46, %dma_wait3A] : memref<20480x128xf32, #tpu.memory_space<hbm>> -> memref<640x128xf32, #tpu.memory_space<hbm>>
      %dma_wait3A_51 = arith.constant 0 : i32
      %dma_wait3A_52 = tpu.memref_slice %arg6[%mul3A_43, %dma_wait3A_51] : memref<10240x128xf32, #tpu.memory_space<vmem_shared>> -> memref<640x128xf32, #tpu.memory_space<vmem_shared>>
      tpu.wait_dma2 semaphore(%run_scoped3A : memref<!tpu.dma_semaphore, #tpu.memory_space<semaphore_mem>>) src(%dma_wait3A_52 : memref<640x128xf32, #tpu.memory_space<vmem_shared>>) dst(%dma_wait3A_50 : memref<640x128xf32, #tpu.memory_space<hbm>>)
      tpu.yield
    }) : () -> ()
    return
  }
}

module attributes {stable_mosaic.version = 14 : i64} {
  func.func @_tc_scale(%arg0: i32, %arg1: memref<256x128xf32, #tpu.memory_space<vmem>>, %arg2: memref<256x128xf32, #tpu.memory_space<vmem>>, %arg3: memref<256x128xf32, #tpu.memory_space<vmem>>, %arg4: memref<256x128xf32, #tpu.memory_space<vmem>>) attributes {dimension_semantics = [#tpu.dimension_semantics<arbitrary>], iteration_bounds = array<i64: 40>, scalar_prefetch = 0 : i64, scratch_operands = 0 : i64, tpu.core_type = #tpu.core_type<tc>, window_params = [{transform_indices = @transform_0, window_bounds = array<i64: 256, 128>}, {transform_indices = @transform_1, window_bounds = array<i64: 256, 128>}, {transform_indices = @transform_2, window_bounds = array<i64: 256, 128>}, {transform_indices = @transform_3, window_bounds = array<i64: 256, 128>}]} {
    %get3A = arith.constant 0 : index
    %get3A_0 = arith.constant 0 : index
    %get3A_1 = vector.load %arg3[%get3A, %get3A_0] : memref<256x128xf32, #tpu.memory_space<vmem>>, vector<256x128xf32>
    %get3A_2 = arith.constant 0 : index
    %get3A_3 = arith.constant 0 : index
    %get3A_4 = vector.load %arg1[%get3A_2, %get3A_3] : memref<256x128xf32, #tpu.memory_space<vmem>>, vector<256x128xf32>
    %get3A_5 = arith.constant 0 : index
    %get3A_6 = arith.constant 0 : index
    %get3A_7 = vector.load %arg2[%get3A_5, %get3A_6] : memref<256x128xf32, #tpu.memory_space<vmem>>, vector<256x128xf32>
    %slice3A = vector.extract_strided_slice %get3A_4 {offsets = [0, 0], sizes = [256, 1], strides = [1, 1]} : vector<256x128xf32> to vector<256x1xf32>
    %slice3A_8 = vector.extract_strided_slice %get3A_7 {offsets = [0, 0], sizes = [256, 1], strides = [1, 1]} : vector<256x128xf32> to vector<256x1xf32>
    %add3A = arith.addf %slice3A, %slice3A_8 : vector<256x1xf32>
    %add3A_9 = arith.constant 1.000000e+00 : f32
    %add3A_10 = vector.broadcast %add3A_9 : f32 to vector<256x1xf32>
    %add3A_11 = arith.addf %add3A, %add3A_10 : vector<256x1xf32>
    %rsqrt3A = math.rsqrt %add3A_11 : vector<256x1xf32>
    %mul3A = vector.broadcast %rsqrt3A : vector<256x1xf32> to vector<256x128xf32>
    %mul3A_12 = arith.mulf %get3A_1, %mul3A : vector<256x128xf32>
    %swap3A = arith.constant 0 : index
    %swap3A_13 = arith.constant 0 : index
    %swap3A_14 = vector.load %arg4[%swap3A, %swap3A_13] : memref<256x128xf32, #tpu.memory_space<vmem>>, vector<256x128xf32>
    tpu.vector_store %arg4[%swap3A, %swap3A_13], %mul3A_12 {strides = array<i32>} : memref<256x128xf32, #tpu.memory_space<vmem>>, vector<256x128xf32>,
    return
  }
  func.func @transform_0(%arg0: i32) -> (i32, i32) {
    %c0_i32 = arith.constant 0 : i32
    %c0_i32_0 = arith.constant 0 : i32
    return %arg0, %c0_i32 : i32, i32
  }
  func.func @transform_1(%arg0: i32) -> (i32, i32) {
    %c0_i32 = arith.constant 0 : i32
    %c0_i32_0 = arith.constant 0 : i32
    return %arg0, %c0_i32 : i32, i32
  }
  func.func @transform_2(%arg0: i32) -> (i32, i32) {
    %c0_i32 = arith.constant 0 : i32
    %c0_i32_0 = arith.constant 0 : i32
    return %arg0, %c0_i32 : i32, i32
  }
  func.func @transform_3(%arg0: i32) -> (i32, i32) {
    %c0_i32 = arith.constant 0 : i32
    %c0_i32_0 = arith.constant 0 : i32
    return %arg0, %c0_i32 : i32, i32
  }
}

module attributes {stable_mosaic.version = 14 : i64} {
  func.func @_tc_mlp(%arg0: i32, %arg1: memref<256x128xf32, #tpu.memory_space<vmem>>, %arg2: memref<256x128xf32, #tpu.memory_space<vmem>>, %arg3: memref<256x128xf32, #tpu.memory_space<vmem>>, %arg4: memref<256x128xf32, #tpu.memory_space<vmem>>, %arg5: memref<256x128xf32, #tpu.memory_space<vmem>>, %arg6: memref<128x128xf32, #tpu.memory_space<vmem>>, %arg7: memref<1x128xf32, #tpu.memory_space<vmem>>, %arg8: memref<128x128xf32, #tpu.memory_space<vmem>>, %arg9: memref<256x128xf32, #tpu.memory_space<vmem>>) attributes {dimension_semantics = [#tpu.dimension_semantics<arbitrary>], iteration_bounds = array<i64: 40>, scalar_prefetch = 0 : i64, scratch_operands = 0 : i64, tpu.core_type = #tpu.core_type<tc>, window_params = [{transform_indices = @transform_0, window_bounds = array<i64: 256, 128>}, {transform_indices = @transform_1, window_bounds = array<i64: 256, 128>}, {transform_indices = @transform_2, window_bounds = array<i64: 256, 128>}, {transform_indices = @transform_3, window_bounds = array<i64: 256, 128>}, {transform_indices = @transform_4, window_bounds = array<i64: 256, 128>}, {pipeline_mode = #tpu.pipeline_mode<synchronous>, transform_indices = @transform_5, window_bounds = array<i64: 128, 128>}, {pipeline_mode = #tpu.pipeline_mode<synchronous>, transform_indices = @transform_6, window_bounds = array<i64: 1, 128>}, {pipeline_mode = #tpu.pipeline_mode<synchronous>, transform_indices = @transform_7, window_bounds = array<i64: 128, 128>}, {transform_indices = @transform_8, window_bounds = array<i64: 256, 128>}]} {
    %get3A = arith.constant 0 : index
    %get3A_0 = arith.constant 0 : index
    %get3A_1 = vector.load %arg1[%get3A, %get3A_0] : memref<256x128xf32, #tpu.memory_space<vmem>>, vector<256x128xf32>
    %get3A_2 = arith.constant 0 : index
    %get3A_3 = arith.constant 0 : index
    %get3A_4 = vector.load %arg2[%get3A_2, %get3A_3] : memref<256x128xf32, #tpu.memory_space<vmem>>, vector<256x128xf32>
    %slice3A = vector.extract_strided_slice %get3A_1 {offsets = [0, 0], sizes = [256, 1], strides = [1, 1]} : vector<256x128xf32> to vector<256x1xf32>
    %slice3A_5 = vector.extract_strided_slice %get3A_4 {offsets = [0, 0], sizes = [256, 1], strides = [1, 1]} : vector<256x128xf32> to vector<256x1xf32>
    %add3A = arith.addf %slice3A, %slice3A_5 : vector<256x1xf32>
    %add3A_6 = arith.constant 1.000000e+00 : f32
    %add3A_7 = vector.broadcast %add3A_6 : f32 to vector<256x1xf32>
    %add3A_8 = arith.addf %add3A, %add3A_7 : vector<256x1xf32>
    %rsqrt3A = math.rsqrt %add3A_8 : vector<256x1xf32>
    %get3A_9 = arith.constant 0 : index
    %get3A_10 = arith.constant 0 : index
    %get3A_11 = vector.load %arg3[%get3A_9, %get3A_10] : memref<256x128xf32, #tpu.memory_space<vmem>>, vector<256x128xf32>
    %get3A_12 = arith.constant 0 : index
    %get3A_13 = arith.constant 0 : index
    %get3A_14 = vector.load %arg4[%get3A_12, %get3A_13] : memref<256x128xf32, #tpu.memory_space<vmem>>, vector<256x128xf32>
    %add3A_15 = arith.addf %get3A_11, %get3A_14 : vector<256x128xf32>
    %get3A_16 = arith.constant 0 : index
    %get3A_17 = arith.constant 0 : index
    %get3A_18 = vector.load %arg5[%get3A_16, %get3A_17] : memref<256x128xf32, #tpu.memory_space<vmem>>, vector<256x128xf32>
    %add3A_19 = arith.addf %add3A_15, %get3A_18 : vector<256x128xf32>
    %mul3A = vector.broadcast %rsqrt3A : vector<256x1xf32> to vector<256x128xf32>
    %mul3A_20 = arith.mulf %mul3A, %add3A_19 : vector<256x128xf32>
    %get3A_21 = arith.constant 0 : index
    %get3A_22 = arith.constant 0 : index
    %get3A_23 = vector.load %arg6[%get3A_21, %get3A_22] : memref<128x128xf32, #tpu.memory_space<vmem>>, vector<128x128xf32>
    %dot_general3A = arith.constant dense<0.000000e+00> : vector<256x128xf32>
    %dot_general3A_24 = tpu.matmul %mul3A_20, %get3A_23, %dot_general3A {dimension_numbers = #tpu.dot_dimension_numbers<[1], [0], [0], [1], [0, 0, 1, 1], [], []>, transpose_lhs_hint = false} : vector<256x128xf32>, vector<128x128xf32>, vector<256x128xf32> -> vector<256x128xf32>
    %get3A_25 = arith.constant 0 : index
    %get3A_26 = arith.constant 0 : index
    %get3A_27 = vector.load %arg7[%get3A_25, %get3A_26] : memref<1x128xf32, #tpu.memory_space<vmem>>, vector<1x128xf32>
    %add3A_28 = vector.broadcast %get3A_27 : vector<1x128xf32> to vector<256x128xf32>
    %add3A_29 = arith.addf %dot_general3A_24, %add3A_28 : vector<256x128xf32>
    %max3A = arith.constant 0.000000e+00 : f32
    %max3A_30 = vector.broadcast %max3A : f32 to vector<256x128xf32>
    %max3A_31 = arith.maximumf %add3A_29, %max3A_30 : vector<256x128xf32>
    %get3A_32 = arith.constant 0 : index
    %get3A_33 = arith.constant 0 : index
    %get3A_34 = vector.load %arg8[%get3A_32, %get3A_33] : memref<128x128xf32, #tpu.memory_space<vmem>>, vector<128x128xf32>
    %dot_general3A_35 = arith.constant dense<0.000000e+00> : vector<256x128xf32>
    %dot_general3A_36 = tpu.matmul %max3A_31, %get3A_34, %dot_general3A_35 {dimension_numbers = #tpu.dot_dimension_numbers<[1], [0], [0], [1], [0, 0, 1, 1], [], []>, transpose_lhs_hint = false} : vector<256x128xf32>, vector<128x128xf32>, vector<256x128xf32> -> vector<256x128xf32>
    %mul3A_37 = vector.broadcast %rsqrt3A : vector<256x1xf32> to vector<256x128xf32>
    %mul3A_38 = arith.mulf %mul3A_37, %dot_general3A_36 : vector<256x128xf32>
    %swap3A = arith.constant 0 : index
    %swap3A_39 = arith.constant 0 : index
    %swap3A_40 = vector.load %arg9[%swap3A, %swap3A_39] : memref<256x128xf32, #tpu.memory_space<vmem>>, vector<256x128xf32>
    tpu.vector_store %arg9[%swap3A, %swap3A_39], %mul3A_38 {strides = array<i32>} : memref<256x128xf32, #tpu.memory_space<vmem>>, vector<256x128xf32>,
    return
  }
  func.func @transform_0(%arg0: i32) -> (i32, i32) {
    %c0_i32 = arith.constant 0 : i32
    %c0_i32_0 = arith.constant 0 : i32
    return %arg0, %c0_i32 : i32, i32
  }
  func.func @transform_1(%arg0: i32) -> (i32, i32) {
    %c0_i32 = arith.constant 0 : i32
    %c0_i32_0 = arith.constant 0 : i32
    return %arg0, %c0_i32 : i32, i32
  }
  func.func @transform_2(%arg0: i32) -> (i32, i32) {
    %c0_i32 = arith.constant 0 : i32
    %c0_i32_0 = arith.constant 0 : i32
    return %arg0, %c0_i32 : i32, i32
  }
  func.func @transform_3(%arg0: i32) -> (i32, i32) {
    %c0_i32 = arith.constant 0 : i32
    %c0_i32_0 = arith.constant 0 : i32
    return %arg0, %c0_i32 : i32, i32
  }
  func.func @transform_4(%arg0: i32) -> (i32, i32) {
    %c0_i32 = arith.constant 0 : i32
    %c0_i32_0 = arith.constant 0 : i32
    return %arg0, %c0_i32 : i32, i32
  }
  func.func @transform_5(%arg0: i32) -> (i32, i32) {
    %c0_i32 = arith.constant 0 : i32
    %c0_i32_0 = arith.constant 0 : i32
    %c0_i32_1 = arith.constant 0 : i32
    return %c0_i32, %c0_i32_0 : i32, i32
  }
  func.func @transform_6(%arg0: i32) -> (i32, i32) {
    %c0_i32 = arith.constant 0 : i32
    %c0_i32_0 = arith.constant 0 : i32
    %c0_i32_1 = arith.constant 0 : i32
    return %c0_i32, %c0_i32_0 : i32, i32
  }
  func.func @transform_7(%arg0: i32) -> (i32, i32) {
    %c0_i32 = arith.constant 0 : i32
    %c0_i32_0 = arith.constant 0 : i32
    %c0_i32_1 = arith.constant 0 : i32
    return %c0_i32, %c0_i32_0 : i32, i32
  }
  func.func @transform_8(%arg0: i32) -> (i32, i32) {
    %c0_i32 = arith.constant 0 : i32
    %c0_i32_0 = arith.constant 0 : i32
    return %arg0, %c0_i32 : i32, i32
  }
}

module attributes {stable_mosaic.version = 14 : i64} {
  func.func @_tc_final(%arg0: i32, %arg1: memref<256x128xf32, #tpu.memory_space<vmem>>, %arg2: memref<256x128xf32, #tpu.memory_space<vmem>>, %arg3: memref<256x128xf32, #tpu.memory_space<vmem>>, %arg4: memref<256x128xf32, #tpu.memory_space<vmem>>, %arg5: memref<256x128xf32, #tpu.memory_space<vmem>>, %arg6: memref<1x64xf32, #tpu.memory_space<vmem>>, %arg7: memref<256x64xf32, #tpu.memory_space<vmem>>) attributes {dimension_semantics = [#tpu.dimension_semantics<arbitrary>], iteration_bounds = array<i64: 40>, scalar_prefetch = 0 : i64, scratch_operands = 0 : i64, tpu.core_type = #tpu.core_type<tc>, window_params = [{transform_indices = @transform_0, window_bounds = array<i64: 256, 128>}, {transform_indices = @transform_1, window_bounds = array<i64: 256, 128>}, {transform_indices = @transform_2, window_bounds = array<i64: 256, 128>}, {transform_indices = @transform_3, window_bounds = array<i64: 256, 128>}, {transform_indices = @transform_4, window_bounds = array<i64: 256, 128>}, {pipeline_mode = #tpu.pipeline_mode<synchronous>, transform_indices = @transform_5, window_bounds = array<i64: 1, 64>}, {transform_indices = @transform_6, window_bounds = array<i64: 256, 64>}]} {
    %get3A = arith.constant 0 : index
    %get3A_0 = arith.constant 0 : index
    %get3A_1 = vector.load %arg1[%get3A, %get3A_0] : memref<256x128xf32, #tpu.memory_space<vmem>>, vector<256x128xf32>
    %get3A_2 = arith.constant 0 : index
    %get3A_3 = arith.constant 0 : index
    %get3A_4 = vector.load %arg2[%get3A_2, %get3A_3] : memref<256x128xf32, #tpu.memory_space<vmem>>, vector<256x128xf32>
    %slice3A = vector.extract_strided_slice %get3A_1 {offsets = [0, 0], sizes = [256, 1], strides = [1, 1]} : vector<256x128xf32> to vector<256x1xf32>
    %slice3A_5 = vector.extract_strided_slice %get3A_4 {offsets = [0, 0], sizes = [256, 1], strides = [1, 1]} : vector<256x128xf32> to vector<256x1xf32>
    %add3A = arith.addf %slice3A, %slice3A_5 : vector<256x1xf32>
    %add3A_6 = arith.constant 1.000000e+00 : f32
    %add3A_7 = vector.broadcast %add3A_6 : f32 to vector<256x1xf32>
    %add3A_8 = arith.addf %add3A, %add3A_7 : vector<256x1xf32>
    %rsqrt3A = math.rsqrt %add3A_8 : vector<256x1xf32>
    %get3A_9 = arith.constant 0 : index
    %get3A_10 = arith.constant 0 : index
    %get3A_11 = vector.load %arg3[%get3A_9, %get3A_10] : memref<256x128xf32, #tpu.memory_space<vmem>>, vector<256x128xf32>
    %get3A_12 = arith.constant 0 : index
    %get3A_13 = arith.constant 0 : index
    %get3A_14 = vector.load %arg4[%get3A_12, %get3A_13] : memref<256x128xf32, #tpu.memory_space<vmem>>, vector<256x128xf32>
    %add3A_15 = arith.addf %get3A_11, %get3A_14 : vector<256x128xf32>
    %get3A_16 = arith.constant 0 : index
    %get3A_17 = arith.constant 0 : index
    %get3A_18 = vector.load %arg5[%get3A_16, %get3A_17] : memref<256x128xf32, #tpu.memory_space<vmem>>, vector<256x128xf32>
    %add3A_19 = arith.addf %add3A_15, %get3A_18 : vector<256x128xf32>
    %mul3A = vector.broadcast %rsqrt3A : vector<256x1xf32> to vector<256x128xf32>
    %mul3A_20 = arith.mulf %mul3A, %add3A_19 : vector<256x128xf32>
    %slice3A_21 = vector.extract_strided_slice %mul3A_20 {offsets = [0, 0], sizes = [256, 64], strides = [1, 1]} : vector<256x128xf32> to vector<256x64xf32>
    %get3A_22 = arith.constant 0 : index
    %get3A_23 = arith.constant 0 : index
    %get3A_24 = vector.load %arg6[%get3A_22, %get3A_23] : memref<1x64xf32, #tpu.memory_space<vmem>>, vector<1x64xf32>
    %add3A_25 = vector.broadcast %get3A_24 : vector<1x64xf32> to vector<256x64xf32>
    %add3A_26 = arith.addf %slice3A_21, %add3A_25 : vector<256x64xf32>
    %reduce_max3A = arith.constant dense<0xFF800000> : vector<256xf32>
    %reduce_max3A_27 = vector.multi_reduction <maximumf>, %add3A_26, %reduce_max3A [1] : vector<256x64xf32> to vector<256xf32>
    %broadcast_in_dim3A = vector.shape_cast %reduce_max3A_27 : vector<256xf32> to vector<256x1xf32>
    %sub3A = vector.broadcast %broadcast_in_dim3A : vector<256x1xf32> to vector<256x64xf32>
    %sub3A_28 = arith.subf %add3A_26, %sub3A : vector<256x64xf32>
    %exp3A = math.exp %sub3A_28 : vector<256x64xf32>
    %reduce_sum3A = arith.constant dense<0.000000e+00> : vector<256xf32>
    %reduce_sum3A_29 = vector.multi_reduction <add>, %exp3A, %reduce_sum3A [1] : vector<256x64xf32> to vector<256xf32>
    %broadcast_in_dim3A_30 = vector.shape_cast %reduce_sum3A_29 : vector<256xf32> to vector<256x1xf32>
    %log3A = math.log %broadcast_in_dim3A_30 : vector<256x1xf32>
    %sub3A_31 = vector.broadcast %broadcast_in_dim3A : vector<256x1xf32> to vector<256x64xf32>
    %sub3A_32 = arith.subf %add3A_26, %sub3A_31 : vector<256x64xf32>
    %sub3A_33 = vector.broadcast %log3A : vector<256x1xf32> to vector<256x64xf32>
    %sub3A_34 = arith.subf %sub3A_32, %sub3A_33 : vector<256x64xf32>
    %swap3A = arith.constant 0 : index
    %swap3A_35 = arith.constant 0 : index
    %swap3A_36 = vector.load %arg7[%swap3A, %swap3A_35] : memref<256x64xf32, #tpu.memory_space<vmem>>, vector<256x64xf32>
    tpu.vector_store %arg7[%swap3A, %swap3A_35], %sub3A_34 {strides = array<i32>} : memref<256x64xf32, #tpu.memory_space<vmem>>, vector<256x64xf32>,
    return
  }
  func.func @transform_0(%arg0: i32) -> (i32, i32) {
    %c0_i32 = arith.constant 0 : i32
    %c0_i32_0 = arith.constant 0 : i32
    return %arg0, %c0_i32 : i32, i32
  }
  func.func @transform_1(%arg0: i32) -> (i32, i32) {
    %c0_i32 = arith.constant 0 : i32
    %c0_i32_0 = arith.constant 0 : i32
    return %arg0, %c0_i32 : i32, i32
  }
  func.func @transform_2(%arg0: i32) -> (i32, i32) {
    %c0_i32 = arith.constant 0 : i32
    %c0_i32_0 = arith.constant 0 : i32
    return %arg0, %c0_i32 : i32, i32
  }
  func.func @transform_3(%arg0: i32) -> (i32, i32) {
    %c0_i32 = arith.constant 0 : i32
    %c0_i32_0 = arith.constant 0 : i32
    return %arg0, %c0_i32 : i32, i32
  }
  func.func @transform_4(%arg0: i32) -> (i32, i32) {
    %c0_i32 = arith.constant 0 : i32
    %c0_i32_0 = arith.constant 0 : i32
    return %arg0, %c0_i32 : i32, i32
  }
  func.func @transform_5(%arg0: i32) -> (i32, i32) {
    %c0_i32 = arith.constant 0 : i32
    %c0_i32_0 = arith.constant 0 : i32
    %c0_i32_1 = arith.constant 0 : i32
    return %c0_i32, %c0_i32_0 : i32, i32
  }
  func.func @transform_6(%arg0: i32) -> (i32, i32) {
    %c0_i32 = arith.constant 0 : i32
    %c0_i32_0 = arith.constant 0 : i32
    return %arg0, %c0_i32 : i32, i32
  }
}

module attributes {stable_mosaic.version = 14 : i64} {
  func.func @_tc_mid(%arg0: i32, %arg1: memref<256x128xf32, #tpu.memory_space<vmem>>, %arg2: memref<256x128xf32, #tpu.memory_space<vmem>>, %arg3: memref<256x128xf32, #tpu.memory_space<vmem>>, %arg4: memref<256x128xf32, #tpu.memory_space<vmem>>, %arg5: memref<256x128xf32, #tpu.memory_space<vmem>>, %arg6: memref<256x128xf32, #tpu.memory_space<vmem>>) attributes {dimension_semantics = [#tpu.dimension_semantics<arbitrary>], iteration_bounds = array<i64: 40>, scalar_prefetch = 0 : i64, scratch_operands = 0 : i64, tpu.core_type = #tpu.core_type<tc>, window_params = [{transform_indices = @transform_0, window_bounds = array<i64: 256, 128>}, {transform_indices = @transform_1, window_bounds = array<i64: 256, 128>}, {transform_indices = @transform_2, window_bounds = array<i64: 256, 128>}, {transform_indices = @transform_3, window_bounds = array<i64: 256, 128>}, {transform_indices = @transform_4, window_bounds = array<i64: 256, 128>}, {transform_indices = @transform_5, window_bounds = array<i64: 256, 128>}]} {
    %get3A = arith.constant 0 : index
    %get3A_0 = arith.constant 0 : index
    %get3A_1 = vector.load %arg1[%get3A, %get3A_0] : memref<256x128xf32, #tpu.memory_space<vmem>>, vector<256x128xf32>
    %get3A_2 = arith.constant 0 : index
    %get3A_3 = arith.constant 0 : index
    %get3A_4 = vector.load %arg2[%get3A_2, %get3A_3] : memref<256x128xf32, #tpu.memory_space<vmem>>, vector<256x128xf32>
    %slice3A = vector.extract_strided_slice %get3A_1 {offsets = [0, 0], sizes = [256, 1], strides = [1, 1]} : vector<256x128xf32> to vector<256x1xf32>
    %slice3A_5 = vector.extract_strided_slice %get3A_4 {offsets = [0, 0], sizes = [256, 1], strides = [1, 1]} : vector<256x128xf32> to vector<256x1xf32>
    %add3A = arith.addf %slice3A, %slice3A_5 : vector<256x1xf32>
    %add3A_6 = arith.constant 1.000000e+00 : f32
    %add3A_7 = vector.broadcast %add3A_6 : f32 to vector<256x1xf32>
    %add3A_8 = arith.addf %add3A, %add3A_7 : vector<256x1xf32>
    %rsqrt3A = math.rsqrt %add3A_8 : vector<256x1xf32>
    %mul3A = arith.mulf %rsqrt3A, %rsqrt3A : vector<256x1xf32>
    %get3A_9 = arith.constant 0 : index
    %get3A_10 = arith.constant 0 : index
    %get3A_11 = vector.load %arg3[%get3A_9, %get3A_10] : memref<256x128xf32, #tpu.memory_space<vmem>>, vector<256x128xf32>
    %get3A_12 = arith.constant 0 : index
    %get3A_13 = arith.constant 0 : index
    %get3A_14 = vector.load %arg4[%get3A_12, %get3A_13] : memref<256x128xf32, #tpu.memory_space<vmem>>, vector<256x128xf32>
    %add3A_15 = arith.addf %get3A_11, %get3A_14 : vector<256x128xf32>
    %get3A_16 = arith.constant 0 : index
    %get3A_17 = arith.constant 0 : index
    %get3A_18 = vector.load %arg5[%get3A_16, %get3A_17] : memref<256x128xf32, #tpu.memory_space<vmem>>, vector<256x128xf32>
    %add3A_19 = arith.addf %add3A_15, %get3A_18 : vector<256x128xf32>
    %mul3A_20 = vector.broadcast %mul3A : vector<256x1xf32> to vector<256x128xf32>
    %mul3A_21 = arith.mulf %mul3A_20, %add3A_19 : vector<256x128xf32>
    %swap3A = arith.constant 0 : index
    %swap3A_22 = arith.constant 0 : index
    %swap3A_23 = vector.load %arg6[%swap3A, %swap3A_22] : memref<256x128xf32, #tpu.memory_space<vmem>>, vector<256x128xf32>
    tpu.vector_store %arg6[%swap3A, %swap3A_22], %mul3A_21 {strides = array<i32>} : memref<256x128xf32, #tpu.memory_space<vmem>>, vector<256x128xf32>,
    return
  }
  func.func @transform_0(%arg0: i32) -> (i32, i32) {
    %c0_i32 = arith.constant 0 : i32
    %c0_i32_0 = arith.constant 0 : i32
    return %arg0, %c0_i32 : i32, i32
  }
  func.func @transform_1(%arg0: i32) -> (i32, i32) {
    %c0_i32 = arith.constant 0 : i32
    %c0_i32_0 = arith.constant 0 : i32
    return %arg0, %c0_i32 : i32, i32
  }
  func.func @transform_2(%arg0: i32) -> (i32, i32) {
    %c0_i32 = arith.constant 0 : i32
    %c0_i32_0 = arith.constant 0 : i32
    return %arg0, %c0_i32 : i32, i32
  }
  func.func @transform_3(%arg0: i32) -> (i32, i32) {
    %c0_i32 = arith.constant 0 : i32
    %c0_i32_0 = arith.constant 0 : i32
    return %arg0, %c0_i32 : i32, i32
  }
  func.func @transform_4(%arg0: i32) -> (i32, i32) {
    %c0_i32 = arith.constant 0 : i32
    %c0_i32_0 = arith.constant 0 : i32
    return %arg0, %c0_i32 : i32, i32
  }
  func.func @transform_5(%arg0: i32) -> (i32, i32) {
    %c0_i32 = arith.constant 0 : i32
    %c0_i32_0 = arith.constant 0 : i32
    return %arg0, %c0_i32 : i32, i32
  }
}

</mosaic_0001>

<sc_bundles>
// kernel: kernel.12.cloned.1.call-start
scs
__scs_entry_jumppad:
0x0: {  	(pc) =	sbr.rel $0x88, $3  }
0x1: {  	(tag) =	ssettag $0x0;
	lr =	simm.s32 $0x1  }
0x2: {  	[smem:$0x3F9B] =	sst lr;
	_ =	strace $0xD0000000  }
0x3: {  	_ = 	snop  }
0x4: {  	_ = 	snop  }
0x5: {  	_ = 	snop  }
0x6: {  	_ = 	snop  }
0x7: {  	_ = 	snop  }
__scs_overlays_trampoline_lowered:
0x8: {  	[smem:$0x3FAA] =	sst s0  }
0x9: {  	[smem:$0x3FAB] =	sst s1  }
0xa: {  	[smem:$0x3FAC] =	sst s2  }
0xb: {  	[smem:$0x3FAD] =	sst s3  }
0xc: {  	[smem:$0x3FAE] =	sst s4  }
0xd: {  	[smem:$0x3FAF] =	sst s5  }
0xe: {  	[smem:$0x3FB0] =	sst s6  }
0xf: {  	[smem:$0x3FB1] =	sst s7  }
0x10: {  	[smem:$0x3FB2] =	sst s8  }
0x11: {  	[smem:$0x3FB3] =	sst s9;
	s0 =	simm.s32 @!p0 $0x0  }
0x12: {  	s1 =	sld [smem:$0x3F99];
	s0 =	simm.s32 @p0 $0x1  }
0x13: {  	[smem:$0x3FB4] =	sst s0;
	s0 =	simm.s32 @!p1 $0x0  }
0x14: {  	s2 =	sld [smem:$0x3F98];
	s0 =	simm.s32 @p1 $0x1  }
0x15: {  	[smem:$0x3FB5] =	sst s0;
	s0 =	simm.s32 @!p2 $0x0  }
0x16: {  	s3 =	sld [smem:$0x3FDB];
	s0 =	simm.s32 @p2 $0x1  }
0x17: {  	s4 =	simm.s32 $0x1BF5;
	[smem:$0x3FB7] =	sst s0  }
0x18: {  	s0 =	sld [smem:$0x3F9A];
	_ =	swait.ge [sflag:s4], $0x0  }
0x19: {  	s7 =	sld [smem:$0x3F9B]  }
0x1a: {  	s8 =	sadd.s32 $0xFFFFE003, lr  }
0x1b: {  	s9 =	sadd.s32 $0xFFFFFEF7, lr;
	s5 =	simm.s32 $0xFFFFFFFF;
	p2 =	slt.u32 s8, $0xFFFFF086  }
0x1c: {  	p1 =	slt.u32 s9, $0xF7A;
	s5 =	simm.s32 @!p2 $0x0  }
0x1d: {  	s5 =	simm.s32 @p1 $0x1;
	p0 =	seq.s32 s7, s2  }
0x1e: {  	s7 =	smul.u32 @!p0 $0xF7A, s2;
	p2 =	seq.s32 @!p0 s5, $0x0  }
0x1f: {  	s9 =	smul.u32 $0xF7A, s1;
	s8 =	simm.s32 @!p0 $0x1BF5;
	p2 =	por !p2, p0  }
0x20: {  	[sflag:s8] =	ssyncset.s32 @!p0 $0xFFFFF086;
	s6 =	sadd.s32 @!p0 s3, s7;
	s7 =	simm.s32 @!p0 $0x108  }
0x21: {  	s3 =	sadd.s32 s3, s9;
	s6 =	sadd.s32 @!p0 $0x88, s6;
	s7 =	simm.s32 @p2 $0x1082  }
0x22: {  	[simem:s7], [sflag:s8] =	dma.local @!p0 [hbm:s6], $0xF7A  }
0x23: {  	s9 =	sor.u32 $0xD0000000, s2;
	s6 =	simm.s32 $0x108;
	_ =	swait.ge @!p0 [sflag:s8], $0x0  }
0x24: {  	s3 =	sadd.s32 $0x88, s3;
	s6 =	simm.s32 @!p1 $0x1082;
	[sflag:s4] =	ssyncset.s32 $0xFFFFF086  }
0x25: {  	[simem:s6], [sflag:s4] =	dma.local [hbm:s3], $0xF7A  }
0x26: {  	[smem:$0x3F9B] =	sst s1;
	(tag) =	ssettag s2;
	_ =	strace s9  }
0x27: {  	s1 =	sld [smem:$0x3FAB]  }
0x28: {  	s2 =	sld [smem:$0x3FAC]  }
0x29: {  	s4 =	sld [smem:$0x3FAE]  }
0x2a: {  	p0 =	seq.s32 s5, $0x0;
	s5 =	sld [smem:$0x3FAF]  }
0x2b: {  	s6 =	sld [smem:$0x3FB0]  }
0x2c: {  	s7 =	sld [smem:$0x3FB1]  }
0x2d: {  	s3 =	simm.s32 $0x108;
	s8 =	sld [smem:$0x3FB2]  }
0x2e: {  	s3 =	simm.s32 @!p0 $0x1082;
	s9 =	sld [smem:$0x3FB3]  }
0x2f: {  	lr =	sadd.s32 s0, s3;
	s0 =	sld [smem:$0x3FAA]  }
0x30: {  	s3 =	sld [smem:$0x3FAD]  }
0x31: {  	[smem:$0x3FB6] =	sst s10  }
0x32: {  	s10 =	sld [smem:$0x3FB4];
	_ =	sdelay $0x3  }
0x33: {  	p0 =	seq.s32 s10, $0x1;
	s10 =	sld [smem:$0x3FB6];
	_ =	sdelay $0x3  }
0x34: {  	[smem:$0x3FB6] =	sst s10  }
0x35: {  	s10 =	sld [smem:$0x3FB5];
	_ =	sdelay $0x3  }
0x36: {  	p1 =	seq.s32 s10, $0x1;
	s10 =	sld [smem:$0x3FB6];
	_ =	sdelay $0x3  }
0x37: {  	[smem:$0x3FB6] =	sst s10  }
0x38: {  	s10 =	sld [smem:$0x3FB7]  }
0x39: {  	_ = 	snop;
	(pc) =	sbr.ind lr, $3  }
0x3a: {  	_ = 	snop  }
0x3b: {  	_ = 	snop  }
0x3c: {  	p2 =	seq.s32 s10, $0x1;
	s10 =	sld [smem:$0x3FB6]  }
0x3d: {  	_ =	shalt  }
0x3e: {  	_ =	shalt  }
0x3f: {  	_ =	shalt  }
0x40: {  	_ =	shalt  }
0x41: {  	_ =	shalt  }
0x42: {  	_ =	shalt  }
0x43: {  	_ =	shalt  }
0x44: {  	_ =	shalt  }
0x45: {  	_ =	shalt  }
0x46: {  	_ =	shalt  }
0x47: {  	_ =	shalt  }
0x48: {  	_ =	shalt  }
0x49: {  	_ =	shalt  }
0x4a: {  	_ =	shalt  }
0x4b: {  	_ =	shalt  }
0x4c: {  	_ =	shalt  }
0x4d: {  	_ =	shalt  }
0x4e: {  	_ =	shalt  }
0x4f: {  	_ =	shalt  }
0x50: {  	_ =	shalt  }
0x51: {  	_ =	shalt  }
0x52: {  	_ =	shalt  }
0x53: {  	_ =	shalt  }
0x54: {  	_ =	shalt  }
0x55: {  	_ =	shalt  }
0x56: {  	_ =	shalt  }
0x57: {  	_ =	shalt  }
0x58: {  	_ =	shalt  }
0x59: {  	_ =	shalt  }
0x5a: {  	_ =	shalt  }
0x5b: {  	_ =	shalt  }
0x5c: {  	_ =	shalt  }
0x5d: {  	_ =	shalt  }
0x5e: {  	_ =	shalt  }
0x5f: {  	_ =	shalt  }
0x60: {  	_ =	shalt  }
0x61: {  	_ =	shalt  }
0x62: {  	_ =	shalt  }
0x63: {  	_ =	shalt  }
0x64: {  	_ =	shalt  }
0x65: {  	_ =	shalt  }
0x66: {  	_ =	shalt  }
0x67: {  	_ =	shalt  }
0x68: {  	_ =	shalt  }
0x69: {  	_ =	shalt  }
0x6a: {  	_ =	shalt  }
0x6b: {  	_ =	shalt  }
0x6c: {  	_ =	shalt  }
0x6d: {  	_ =	shalt  }
0x6e: {  	_ =	shalt  }
0x6f: {  	_ =	shalt  }
0x70: {  	_ =	shalt  }
0x71: {  	_ =	shalt  }
0x72: {  	_ =	shalt  }
0x73: {  	_ =	shalt  }
0x74: {  	_ =	shalt  }
0x75: {  	_ =	shalt  }
0x76: {  	_ =	shalt  }
0x77: {  	_ =	shalt  }
0x78: {  	_ =	shalt  }
0x79: {  	_ =	shalt  }
0x7a: {  	_ =	shalt  }
0x7b: {  	_ =	shalt  }
0x7c: {  	_ =	shalt  }
0x7d: {  	_ =	shalt  }
0x7e: {  	_ =	shalt  }
0x7f: {  	_ =	shalt  }
0x80: {  	_ =	shalt  }
0x81: {  	_ =	shalt  }
0x82: {  	_ =	shalt  }
0x83: {  	_ =	shalt  }
0x84: {  	_ =	shalt  }
0x85: {  	_ =	shalt  }
0x86: {  	_ =	shalt  }
0x87: {  	_ =	shalt  }
.Lfunc_end0:
.L_simem_size_0:
called_computation_lowered:
.L_overlay_start_0:
0x88: {  	s2 =	sld [smem:$0x3FD9]  }
0x89: {  	s3 =	sld [smem:$0x3FFE];
	_ =	sdelay $0x1  }
0x8a: {  	s1 =	srdreg.scid  }
0x8b: {  	s0 =	sand.u32 $0x1, s1  }
0x8c: {  	s17 =	sshll.u32 s0, $0xA;
	s2 =	sadd.s32 s3, s2  }
0x8d: {  	s2 =	sadd.s32 s2, s17  }
0x8e: {  	[smem:$0x3FC2] =	sst s2  }
0x8f: {  	_ = 	snop  }
0x90: {  	s2 =	sld [smem:$0x3FD0];
	(tm) =	ssettm $0x1  }
0x91: {  	s18 =	sld [smem:$0x3FFB];
	_ =	sdelay $0x3  }
0x92: {  	_ =	strace s18  }
0x93: {  	s3 =	sld [smem:$0x3FFC];
	_ =	sdelay $0x3  }
0x94: {  	_ =	strace s3  }
0x95: {  	s3 =	sld [smem:$0x3FFD];
	_ =	sdelay $0x3  }
0x96: {  	_ =	strace s3  }
0x97: {  	_ =	strace $0x8FFFFFFF  }
0x98: {  	s19 =	sld [smem:$0x3FDB];
	_ =	sdelay $0x1  }
0x99: {  	s4 =	simm.s32 $_scs_section_size  }
0x9a: {  	s5 =	simm.s32 $_size__tile_overlayer_lowered;
	s6 =	simm.s32 $_tile_overlayer_lowered  }
0x9b: {  	s22 =	simm.s32 $0x1BFF;
	s21 =	sshll.u32 s6, $0x1;
	s3 =	sadd.s32 s4, s19  }
0x9c: {  	s7 =	simm.s32 $0x0;
	s20 =	sshll.u32 s5, $0x1;
	s5 =	sadd.s32 s21, s3  }
0x9d: {  	[timem:s7], [sflag:s22] =	dma.local [hbm:s5], s20  }
0x9e: {  	_ =	swait.ge [sflag:s22], s20  }
0x9f: {  	s4 =	ssub.s32 $0x0, s20;
	[sflag:s22] =	ssyncset.done $0x0  }
0xa0: {  	[sflag:s22] =	ssyncadd.s32 s4;
	_ =	sdelay $0x1  }
0xa1: {  	s23 =	simm.s32 $0x1B8B  }
0xa2: {  	_ =	swait.ge [sflag:s23], $0x1  }
0xa3: {  	[sflag:s23] =	ssyncset.done $0x0  }
0xa4: {  	s25 =	simm.s32 $0x1B8E;
	s24 =	sld [smem:$0x3FFE];
	[sflag:s23] =	ssyncadd.s32 $0xFFFFFFFF  }
0xa5: {  	s26 =	simm.s32 $execute0_lowered;
	[smem:$0x3FD2] =	sst s25  }
0xa6: {  	s5 =	sshll.u32 s26, $0x1;
	_ =	strace $0x80000046;
	[dreg:$0x1] =	wrdreg $0xFFFFFFFF  }
0xa7: {  	s28 =	simm.s32 $_size_execute0_lowered;
	s3 =	sadd.s32 s3, s5;
	[dreg:$0x0] =	wrdreg $0x0  }
0xa8: {  	s5 =	sshll.u32 s28, $0x1;
	[dreg:$0x2] =	wrdreg s3  }
0xa9: {  	[dreg:$0x3] =	wrdreg s5  }
0xaa: {  	[dreg:$0x4] =	wrdreg $0xC0  }
0xab: {  	_ =	task [dreg:s7], $0x5FFFF  }
0xac: {  	[dreg:$0x1] =	wrdreg $0xFFFFFFFF  }
0xad: {  	[dreg:$0x0] =	wrdreg $0x60  }
0xae: {  	[dreg:$0x2] =	wrdreg s2  }
0xaf: {  	[dreg:$0x3] =	wrdreg s24  }
0xb0: {  	[dreg:$0x4] =	wrdreg $0x0  }
0xb1: {  	[dreg:$0x5] =	wrdreg $0x9  }
0xb2: {  	_ =	task.clear_ibuf [dreg:s7], $0x6FFFF;
	_ =	strace $0x90000046  }
0xb3: {  	s29 =	simm.s32 $0x9;
	_ =	strace $0x80000048  }
0xb4: {  	_ =	swait.ge [sflag:s29], $0x1  }
0xb5: {  	[sflag:s29] =	ssyncadd.s32 $0xFFFFFFFF  }
0xb6: {  	_ =	strace $0x90000048  }
0xb7: {  	_ =	sfence  }
0xb8: {  	s30 =	sld [smem:$0x0];
	_ =	sdelay $0x2  }
0xb9: {  	s31 =	sshll.u32 s1, $0xD;
	s1 =	sshrl.u32 s1, $0x2  }
0xba: {  	s3 =	sand.u32 $0x4000, s31;
	s1 =	sadd.s32 s1, s30  }
0xbb: {  	s0 =	sor.u32 s3, s0;
	s1 =	sshll.u32 s1, $0x11  }
0xbc: {  	s0 =	sor.u32 s1, s0  }
0xbd: {  	s0 =	sadd.s32 $0x8F2B, s0  }
0xbe: {  	[sflag:s0] =	ssyncadd.remote.s32 $0x1  }
0xbf: {  	_ =	sfence.sel $0xFFFF  }
0xc0: {  	[dreg:$0x0] =	wrdreg $0xFFFFFFFF;
	(pc) =	sbr.abs _section_cstart, $3  }
0xc1: {  	[dreg:$0x1] =	wrdreg $0xFFFFFFFF  }
0xc2: {  	_ =	task.clear_ibuf [dreg:s7], $0x2FFFF;
	_ =	strace $0x9FFFFFFF  }
0xc3: {  	(tm) =	ssettm $0x7FFFFFFF  }
tec
execute0_lowered:
.L_overlay_start_1:
0x0: {  	(tag) =	ssettag $0x1  }
0x1: {  	s15 =	rddreg [dreg:$0x0]  }
0x2: {  	s5 =	rddreg [dreg:$0x1];
	s1 =	srdreg.scid  }
0x3: {  	s0 =	stileid.u32;
	s2 =	rddreg [dreg:$0x2];
	s3 =	simm.s32 $0x0  }
0x4: {  	s20 =	simm.s32 $0x14080;
	s21 =	simm.s32 $0x14000;
	s6 =	smul.u32 $0x2800, s0  }
0x5: {  	s22 =	simm.s32 $0x80;
	s23 =	simm.s32 $0x0;
	s8 =	smul.u32 $0x50000, s0  }
0x6: {  	s13 =	sand.u32 $0x1, s1;
	s1 =	rddreg [dreg:$0x3];
	s18 =	smul.u32 $0x9E0, s0  }
0x7: {  	[smem:$0x7FF] =	sst s3;
	s4 =	sadd.s32 $0x2200, s5;
	s7 =	smul.u32 $0x28000, s13  }
0x8: {  	_ =	strace $0x80000047;
	s9 =	ssub.s32 $0x2, s13;
	s19 =	smul.u32 $0x4F0, s13  }
0x9: {  	s31 =	sshrl.u32 s9, $0x1;
	s8 =	sshrl.u32 s8, $0x2;
	s6 =	sadd.s32 s6, s7  }
0xa: {  	s18 =	sadd.s32 s18, s15;
	s16 =	sadd.s32 s6, s5;
	s5 =	sadd.s32 s8, s2  }
0xb: {  	s17 =	ssub.s32 s9, s31;
	s6 =	sadd.s32 $0x2000, s5;
	s7 =	sadd.s32 $0x4000, s5  }
0xc: {  	s8 =	sadd.s32 $0x6000, s5;
	s9 =	sadd.s32 $0x8000, s5;
	s10 =	sadd.s32 $0xA000, s5  }
0xd: {  	s11 =	sadd.s32 $0xC000, s5;
	s12 =	sadd.s32 $0xE000, s5;
	s13 =	sadd.s32 $0x10000, s5  }
0xe: {  	s14 =	sadd.s32 $0x12000, s5;
	s15 =	sadd.s32 $0x2A00, s16;
	s16 =	smax.u32 s17, $0x1  }
0xf: {  	v0 =	vimm.f32 $0.0e+00;
	s17 =	sadd.s32 s19, s18;
	s18 =	simm.s32 $0x18080;
	s19 =	simm.s32 $0x1  }
.LBB2_1:
0x10: {  	s24 =	simm.s32 $0x0;
	s25 =	simm.s32 $0x200  }
.LBB2_2:
0x11: {  	p0 =	sne.s32 s25, $0x7E00;
	[tilespmem:s24+$0x180F0] =	vst v0  }
0x12: {  	[tilespmem:s24+$0x18080] =	vst v0  }
0x13: {  	[tilespmem:s24+$0x18090] =	vst v0  }
.Ltmp0:
0x14: {  	[tilespmem:s24+$0x180A0] =	vst v0;
	(pc) =	sbr.rel @p0 .LBB2_2-.Ltmp0, $4  }
0x15: {  	[tilespmem:s24+$0x180B0] =	vst v0  }
0x16: {  	[tilespmem:s24+$0x180C0] =	vst v0  }
0x17: {  	[tilespmem:s24+$0x180D0] =	vst v0  }
0x18: {  	[tilespmem:s24+$0x180E0] =	vst v0;
	s24 =	sshra.s32 s25, $0x2;
	s25 =	sadd.s32 $0x200, s25  }
0x19: {  	[tilespmem:s24+$0x180F0] =	vst v0  }
0x1a: {  	[tilespmem:s24+$0x18080] =	vst v0  }
0x1b: {  	[tilespmem:s24+$0x18090] =	vst v0  }
0x1c: {  	[tilespmem:s24+$0x180A0] =	vst v0  }
0x1d: {  	[tilespmem:s24+$0x180B0] =	vst v0  }
0x1e: {  	[tilespmem:s24+$0x180C0] =	vst v0  }
0x1f: {  	[tilespmem:s24+$0x180D0] =	vst v0  }
0x20: {  	[tilespmem:s24+$0x180E0] =	vst v0  }
0x21: {  	[spmem:s5] =	stream.linear.scatter [tilespmem:s18], [sflag:$0x1], $0x2000, $0x38;
	[tilespmem:$0x1A080] =	vst v63  }
0x22: {  	_ =	swait.ge [sflag:s19], $0x2000  }
0x23: {  	[sflag:s19] =	ssyncset.done $0x0  }
0x24: {  	[sflag:s19] =	ssyncadd.s32 $0xFFFFE000  }
0x25: {  	[spmem:s6] =	stream.linear.scatter [tilespmem:s18], [sflag:$0x1], $0x2000, $0x38;
	[tilespmem:$0x1A080] =	vst v63  }
0x26: {  	_ =	swait.ge [sflag:s19], $0x2000  }
0x27: {  	[sflag:s19] =	ssyncset.done $0x0  }
0x28: {  	[sflag:s19] =	ssyncadd.s32 $0xFFFFE000  }
0x29: {  	[spmem:s7] =	stream.linear.scatter [tilespmem:s18], [sflag:$0x1], $0x2000, $0x38;
	[tilespmem:$0x1A080] =	vst v63  }
0x2a: {  	_ =	swait.ge [sflag:s19], $0x2000  }
0x2b: {  	[sflag:s19] =	ssyncset.done $0x0  }
0x2c: {  	[sflag:s19] =	ssyncadd.s32 $0xFFFFE000  }
0x2d: {  	[spmem:s8] =	stream.linear.scatter [tilespmem:s18], [sflag:$0x1], $0x2000, $0x38;
	[tilespmem:$0x1A080] =	vst v63  }
0x2e: {  	_ =	swait.ge [sflag:s19], $0x2000  }
0x2f: {  	[sflag:s19] =	ssyncset.done $0x0  }
0x30: {  	[sflag:s19] =	ssyncadd.s32 $0xFFFFE000  }
0x31: {  	[spmem:s9] =	stream.linear.scatter [tilespmem:s18], [sflag:$0x1], $0x2000, $0x38;
	[tilespmem:$0x1A080] =	vst v63  }
0x32: {  	_ =	swait.ge [sflag:s19], $0x2000  }
0x33: {  	[sflag:s19] =	ssyncset.done $0x0  }
0x34: {  	[sflag:s19] =	ssyncadd.s32 $0xFFFFE000  }
0x35: {  	[spmem:s10] =	stream.linear.scatter [tilespmem:s18], [sflag:$0x1], $0x2000, $0x38;
	[tilespmem:$0x1A080] =	vst v63  }
0x36: {  	_ =	swait.ge [sflag:s19], $0x2000  }
0x37: {  	[sflag:s19] =	ssyncset.done $0x0  }
0x38: {  	[sflag:s19] =	ssyncadd.s32 $0xFFFFE000  }
0x39: {  	[spmem:s11] =	stream.linear.scatter [tilespmem:s18], [sflag:$0x1], $0x2000, $0x38;
	[tilespmem:$0x1A080] =	vst v63  }
0x3a: {  	_ =	swait.ge [sflag:s19], $0x2000  }
0x3b: {  	[sflag:s19] =	ssyncset.done $0x0  }
0x3c: {  	[sflag:s19] =	ssyncadd.s32 $0xFFFFE000  }
0x3d: {  	[spmem:s12] =	stream.linear.scatter [tilespmem:s18], [sflag:$0x1], $0x2000, $0x38;
	[tilespmem:$0x1A080] =	vst v63  }
0x3e: {  	_ =	swait.ge [sflag:s19], $0x2000  }
0x3f: {  	[sflag:s19] =	ssyncset.done $0x0  }
0x40: {  	[sflag:s19] =	ssyncadd.s32 $0xFFFFE000  }
0x41: {  	[spmem:s13] =	stream.linear.scatter [tilespmem:s18], [sflag:$0x1], $0x2000, $0x38;
	[tilespmem:$0x1A080] =	vst v63  }
0x42: {  	_ =	swait.ge [sflag:s19], $0x2000  }
0x43: {  	[sflag:s19] =	ssyncset.done $0x0  }
0x44: {  	[sflag:s19] =	ssyncadd.s32 $0xFFFFE000  }
0x45: {  	[spmem:s14] =	stream.linear.scatter [tilespmem:s18], [sflag:$0x1], $0x2000, $0x38;
	[tilespmem:$0x1A080] =	vst v63  }
0x46: {  	_ =	swait.ge [sflag:s19], $0x2000  }
0x47: {  	[sflag:s19] =	ssyncset.done $0x0  }
0x48: {  	s30 =	simm.s32 $0x0;
	[sflag:s19] =	ssyncadd.s32 $0xFFFFE000  }
0x49: {  	[tilespmem:s20], [sflag:$0x1] =	stream.linear.gather [hbm4b:s4+s30], $0x4000, $0x38;
	[tilespmem:$0x1A080] =	vst v63  }
0x4a: {  	_ =	swait.ge [sflag:s19], $0x4000  }
0x4b: {  	[sflag:s19] =	ssyncset.done $0x0  }
0x4c: {  	[sflag:s19] =	ssyncadd.s32 $0xFFFFC000  }
0x4d: {  	s31 =	sadd.s32 $0x0, s17;
	[bflag:$0x0] =	sbarrier.arrive $0xFFFF  }
0x4e: {  	[tilespmem:s21], [sflag:$0x1] =	stream.linear.gather [hbm4b:s31+s3], $0x80, $0x38;
	[tilespmem:$0x1A080] =	vst v63  }
0x4f: {  	_ =	swait.ge [sflag:s19], $0x80  }
0x50: {  	[sflag:s19] =	ssyncset.done $0x0  }
0x51: {  	[sflag:s19] =	ssyncadd.s32 $0xFFFFFF80  }
0x52: {  	[spmem:s2] =	stream.indirect.scatter.add.f32 [tilespmem:s20], [sflag:$0x1], $0x80, s21, s22, $0xb8;
	[tilespmem:$0x1A080] =	vst v63  }
0x53: {  	_ =	swait.ge [sflag:s19], $0x4000  }
0x54: {  	s24 =	simm.s32 $0x10;
	s25 =	simm.s32 $0x20;
	[sflag:s19] =	ssyncset.done $0x0  }
.LBB2_4:
0x55: {  	s26 =	sadd.s32 s24, s17  }
0x56: {  	[sflag:s19] =	ssyncadd.s32 $0xFFFFC000;
	s24 =	smov.u32 s25;
	s28 =	sadd.s32 $0x10, s25  }
0x57: {  	[tilespmem:s21], [sflag:$0x1] =	stream.linear.gather [hbm4b:s26+s3], $0x80, $0x38;
	[tilespmem:$0x1A080] =	vst v63  }
0x58: {  	p0 =	sne.s32 s25, $0x4E0;
	_ =	swait.ge [sflag:s19], $0x80  }
.Ltmp1:
0x59: {  	[sflag:s19] =	ssyncset.done $0x0;
	(pc) =	sbr.rel @p0 .LBB2_4-.Ltmp1, $4  }
0x5a: {  	[sflag:s19] =	ssyncadd.s32 $0xFFFFFF80  }
0x5b: {  	[spmem:s2] =	stream.indirect.scatter.add.f32 [tilespmem:s20], [sflag:$0x1], $0x80, s21, s22, $0xb8;
	[tilespmem:$0x1A080] =	vst v63  }
0x5c: {  	_ =	swait.ge [sflag:s19], $0x4000  }
0x5d: {  	s25 =	smov.u32 s28;
	[sflag:s19] =	ssyncset.done $0x0  }
0x5e: {  	s24 =	sadd.s32 s24, s17;
	[sflag:s19] =	ssyncadd.s32 $0xFFFFC000  }
0x5f: {  	[tilespmem:s21], [sflag:$0x1] =	stream.linear.gather [hbm4b:s24+s3], $0x80, $0x38;
	[tilespmem:$0x1A080] =	vst v63  }
0x60: {  	_ =	swait.ge [sflag:s19], $0x80  }
0x61: {  	[sflag:s19] =	ssyncset.done $0x0  }
0x62: {  	[sflag:s19] =	ssyncadd.s32 $0xFFFFFF80  }
0x63: {  	[spmem:s2] =	stream.indirect.scatter.add.f32 [tilespmem:s20], [sflag:$0x1], $0x80, s21, s22, $0xb8;
	[tilespmem:$0x1A080] =	vst v63  }
0x64: {  	_ =	swait.ge [sflag:s19], $0x4000  }
0x65: {  	s31 =	sshll.u32 s0, $0x6;
	s23 =	sadd.s32 $0x1, s23;
	[sflag:s19] =	ssyncset.done $0x0  }
0x66: {  	s25 =	sshrl.u32 s5, $0x3;
	p0 =	sne.s32 s23, s16;
	[sflag:s19] =	ssyncadd.s32 $0xFFFFC000  }
.Ltmp2:
0x67: {  	s24 =	sor.u32 $0x1C01, s31;
	[bflag:$0x0] =	sbarrier.arrive $0xFFFF;
	(pc) =	sbr.rel @p0 .LBB2_1-.Ltmp2, $4  }
0x68: {  	[hbm:s15], [sflag:s24] =	dma.local [spmem:s25], $0x2800  }
0x69: {  	_ =	swait.ge [sflag:s19], $0x2800  }
0x6a: {  	[sflag:s19] =	ssyncset.done $0x0  }
0x6b: {  	[sflag:s19] =	ssyncadd.s32 $0xFFFFD800  }
0x6c: {  	_ =	sfence.sel $0x180000  }
0x6d: {  	[bflag:$0x0] =	sbarrier.arrive $0xFFFF  }
0x6e: {  	p0 =	sne.s32 s0, $0x0;
	_ =	strace $0x90000047  }
0x6f: {  	s0 =	sadd.s32 @!p0 $0x100000, s1;
	[bflag:$0x2] =	sbarrier.arrive $0xFFFF  }
0x70: {  	[sflag:s0] =	ssyncadd.tile.s32 @!p0 $0x1;
	_ =	shalt  }
.Lfunc_end2:
_tile_overlayer_lowered:
.L_overlay_start_2:
0x71: {  	(tag) =	ssettag $0x2  }
0x72: {  	s0 =	rddreg [dreg:$0x0];
	s2 =	stileid.u32  }
0x73: {  	s1 =	rddreg [dreg:$0x1];
	p0 =	sne.s32 s2, $0x0  }
0x74: {  	s3 =	rddreg [dreg:$0x2];
	[bflag:$0x3] =	sbarrier.arrive $0xFFFF;
	s2 =	simm.s32 @!p0 $0x1C01  }
0x75: {  	[timem:s3], [sflag:s2] =	dma.local @!p0 [hbm:s0], s1  }
0x76: {  	s0 =	simm.s32 @!p0 $0x1  }
0x77: {  	_ =	swait.ge @!p0 [sflag:s0], s1  }
0x78: {  	s1 =	ssub.s32 @!p0 $0x0, s1;
	[sflag:s0] =	ssyncset.done @!p0 $0x0  }
0x79: {  	[sflag:s0] =	ssyncadd.s32 @!p0 s1  }
0x7a: {  	[bflag:$0x3] =	sbarrier.arrive $0xFFFF  }
0x7b: {  	_ =	shalt  }

// kernel: kernel.15.cloned.1.call-start
scs
__scs_entry_jumppad:
0x0: {  	(pc) =	sbr.rel $0x88, $3  }
0x1: {  	(tag) =	ssettag $0x0;
	lr =	simm.s32 $0x1  }
0x2: {  	[smem:$0x3F9B] =	sst lr;
	_ =	strace $0xD0000000  }
0x3: {  	_ = 	snop  }
0x4: {  	_ = 	snop  }
0x5: {  	_ = 	snop  }
0x6: {  	_ = 	snop  }
0x7: {  	_ = 	snop  }
__scs_overlays_trampoline_lowered:
0x8: {  	[smem:$0x3FAA] =	sst s0  }
0x9: {  	[smem:$0x3FAB] =	sst s1  }
0xa: {  	[smem:$0x3FAC] =	sst s2  }
0xb: {  	[smem:$0x3FAD] =	sst s3  }
0xc: {  	[smem:$0x3FAE] =	sst s4  }
0xd: {  	[smem:$0x3FAF] =	sst s5  }
0xe: {  	[smem:$0x3FB0] =	sst s6  }
0xf: {  	[smem:$0x3FB1] =	sst s7  }
0x10: {  	[smem:$0x3FB2] =	sst s8  }
0x11: {  	[smem:$0x3FB3] =	sst s9;
	s0 =	simm.s32 @!p0 $0x0  }
0x12: {  	s1 =	sld [smem:$0x3F99];
	s0 =	simm.s32 @p0 $0x1  }
0x13: {  	[smem:$0x3FB4] =	sst s0;
	s0 =	simm.s32 @!p1 $0x0  }
0x14: {  	s2 =	sld [smem:$0x3F98];
	s0 =	simm.s32 @p1 $0x1  }
0x15: {  	[smem:$0x3FB5] =	sst s0;
	s0 =	simm.s32 @!p2 $0x0  }
0x16: {  	s3 =	sld [smem:$0x3FDB];
	s0 =	simm.s32 @p2 $0x1  }
0x17: {  	s4 =	simm.s32 $0x1BF5;
	[smem:$0x3FB7] =	sst s0  }
0x18: {  	s0 =	sld [smem:$0x3F9A];
	_ =	swait.ge [sflag:s4], $0x0  }
0x19: {  	s7 =	sld [smem:$0x3F9B]  }
0x1a: {  	s8 =	sadd.s32 $0xFFFFE003, lr  }
0x1b: {  	s9 =	sadd.s32 $0xFFFFFEF7, lr;
	s5 =	simm.s32 $0xFFFFFFFF;
	p2 =	slt.u32 s8, $0xFFFFF086  }
0x1c: {  	p1 =	slt.u32 s9, $0xF7A;
	s5 =	simm.s32 @!p2 $0x0  }
0x1d: {  	s5 =	simm.s32 @p1 $0x1;
	p0 =	seq.s32 s7, s2  }
0x1e: {  	s7 =	smul.u32 @!p0 $0xF7A, s2;
	p2 =	seq.s32 @!p0 s5, $0x0  }
0x1f: {  	s9 =	smul.u32 $0xF7A, s1;
	s8 =	simm.s32 @!p0 $0x1BF5;
	p2 =	por !p2, p0  }
0x20: {  	[sflag:s8] =	ssyncset.s32 @!p0 $0xFFFFF086;
	s6 =	sadd.s32 @!p0 s3, s7;
	s7 =	simm.s32 @!p0 $0x108  }
0x21: {  	s3 =	sadd.s32 s3, s9;
	s6 =	sadd.s32 @!p0 $0x88, s6;
	s7 =	simm.s32 @p2 $0x1082  }
0x22: {  	[simem:s7], [sflag:s8] =	dma.local @!p0 [hbm:s6], $0xF7A  }
0x23: {  	s9 =	sor.u32 $0xD0000000, s2;
	s6 =	simm.s32 $0x108;
	_ =	swait.ge @!p0 [sflag:s8], $0x0  }
0x24: {  	s3 =	sadd.s32 $0x88, s3;
	s6 =	simm.s32 @!p1 $0x1082;
	[sflag:s4] =	ssyncset.s32 $0xFFFFF086  }
0x25: {  	[simem:s6], [sflag:s4] =	dma.local [hbm:s3], $0xF7A  }
0x26: {  	[smem:$0x3F9B] =	sst s1;
	(tag) =	ssettag s2;
	_ =	strace s9  }
0x27: {  	s1 =	sld [smem:$0x3FAB]  }
0x28: {  	s2 =	sld [smem:$0x3FAC]  }
0x29: {  	s4 =	sld [smem:$0x3FAE]  }
0x2a: {  	p0 =	seq.s32 s5, $0x0;
	s5 =	sld [smem:$0x3FAF]  }
0x2b: {  	s6 =	sld [smem:$0x3FB0]  }
0x2c: {  	s7 =	sld [smem:$0x3FB1]  }
0x2d: {  	s3 =	simm.s32 $0x108;
	s8 =	sld [smem:$0x3FB2]  }
0x2e: {  	s3 =	simm.s32 @!p0 $0x1082;
	s9 =	sld [smem:$0x3FB3]  }
0x2f: {  	lr =	sadd.s32 s0, s3;
	s0 =	sld [smem:$0x3FAA]  }
0x30: {  	s3 =	sld [smem:$0x3FAD]  }
0x31: {  	[smem:$0x3FB6] =	sst s10  }
0x32: {  	s10 =	sld [smem:$0x3FB4];
	_ =	sdelay $0x3  }
0x33: {  	p0 =	seq.s32 s10, $0x1;
	s10 =	sld [smem:$0x3FB6];
	_ =	sdelay $0x3  }
0x34: {  	[smem:$0x3FB6] =	sst s10  }
0x35: {  	s10 =	sld [smem:$0x3FB5];
	_ =	sdelay $0x3  }
0x36: {  	p1 =	seq.s32 s10, $0x1;
	s10 =	sld [smem:$0x3FB6];
	_ =	sdelay $0x3  }
0x37: {  	[smem:$0x3FB6] =	sst s10  }
0x38: {  	s10 =	sld [smem:$0x3FB7]  }
0x39: {  	_ = 	snop;
	(pc) =	sbr.ind lr, $3  }
0x3a: {  	_ = 	snop  }
0x3b: {  	_ = 	snop  }
0x3c: {  	p2 =	seq.s32 s10, $0x1;
	s10 =	sld [smem:$0x3FB6]  }
0x3d: {  	_ =	shalt  }
0x3e: {  	_ =	shalt  }
0x3f: {  	_ =	shalt  }
0x40: {  	_ =	shalt  }
0x41: {  	_ =	shalt  }
0x42: {  	_ =	shalt  }
0x43: {  	_ =	shalt  }
0x44: {  	_ =	shalt  }
0x45: {  	_ =	shalt  }
0x46: {  	_ =	shalt  }
0x47: {  	_ =	shalt  }
0x48: {  	_ =	shalt  }
0x49: {  	_ =	shalt  }
0x4a: {  	_ =	shalt  }
0x4b: {  	_ =	shalt  }
0x4c: {  	_ =	shalt  }
0x4d: {  	_ =	shalt  }
0x4e: {  	_ =	shalt  }
0x4f: {  	_ =	shalt  }
0x50: {  	_ =	shalt  }
0x51: {  	_ =	shalt  }
0x52: {  	_ =	shalt  }
0x53: {  	_ =	shalt  }
0x54: {  	_ =	shalt  }
0x55: {  	_ =	shalt  }
0x56: {  	_ =	shalt  }
0x57: {  	_ =	shalt  }
0x58: {  	_ =	shalt  }
0x59: {  	_ =	shalt  }
0x5a: {  	_ =	shalt  }
0x5b: {  	_ =	shalt  }
0x5c: {  	_ =	shalt  }
0x5d: {  	_ =	shalt  }
0x5e: {  	_ =	shalt  }
0x5f: {  	_ =	shalt  }
0x60: {  	_ =	shalt  }
0x61: {  	_ =	shalt  }
0x62: {  	_ =	shalt  }
0x63: {  	_ =	shalt  }
0x64: {  	_ =	shalt  }
0x65: {  	_ =	shalt  }
0x66: {  	_ =	shalt  }
0x67: {  	_ =	shalt  }
0x68: {  	_ =	shalt  }
0x69: {  	_ =	shalt  }
0x6a: {  	_ =	shalt  }
0x6b: {  	_ =	shalt  }
0x6c: {  	_ =	shalt  }
0x6d: {  	_ =	shalt  }
0x6e: {  	_ =	shalt  }
0x6f: {  	_ =	shalt  }
0x70: {  	_ =	shalt  }
0x71: {  	_ =	shalt  }
0x72: {  	_ =	shalt  }
0x73: {  	_ =	shalt  }
0x74: {  	_ =	shalt  }
0x75: {  	_ =	shalt  }
0x76: {  	_ =	shalt  }
0x77: {  	_ =	shalt  }
0x78: {  	_ =	shalt  }
0x79: {  	_ =	shalt  }
0x7a: {  	_ =	shalt  }
0x7b: {  	_ =	shalt  }
0x7c: {  	_ =	shalt  }
0x7d: {  	_ =	shalt  }
0x7e: {  	_ =	shalt  }
0x7f: {  	_ =	shalt  }
0x80: {  	_ =	shalt  }
0x81: {  	_ =	shalt  }
0x82: {  	_ =	shalt  }
0x83: {  	_ =	shalt  }
0x84: {  	_ =	shalt  }
0x85: {  	_ =	shalt  }
0x86: {  	_ =	shalt  }
0x87: {  	_ =	shalt  }
.Lfunc_end0:
.L_simem_size_0:
called_computation.1_lowered:
.L_overlay_start_0:
0x88: {  	s2 =	sld [smem:$0x3FD9]  }
0x89: {  	s3 =	sld [smem:$0x3FFE];
	_ =	sdelay $0x1  }
0x8a: {  	s1 =	srdreg.scid  }
0x8b: {  	s0 =	sand.u32 $0x1, s1  }
0x8c: {  	s17 =	sshll.u32 s0, $0xA;
	s2 =	sadd.s32 s3, s2  }
0x8d: {  	s2 =	sadd.s32 s2, s17  }
0x8e: {  	[smem:$0x3FC2] =	sst s2  }
0x8f: {  	_ = 	snop  }
0x90: {  	s2 =	sld [smem:$0x3FD0];
	(tm) =	ssettm $0x1  }
0x91: {  	s18 =	sld [smem:$0x3FFB];
	_ =	sdelay $0x3  }
0x92: {  	_ =	strace s18  }
0x93: {  	s3 =	sld [smem:$0x3FFC];
	_ =	sdelay $0x3  }
0x94: {  	_ =	strace s3  }
0x95: {  	s3 =	sld [smem:$0x3FFD];
	_ =	sdelay $0x3  }
0x96: {  	_ =	strace s3  }
0x97: {  	_ =	strace $0x8FFFFFFF  }
0x98: {  	s19 =	sld [smem:$0x3FDB];
	_ =	sdelay $0x1  }
0x99: {  	s4 =	simm.s32 $_scs_section_size  }
0x9a: {  	s5 =	simm.s32 $_size__tile_overlayer_lowered;
	s6 =	simm.s32 $_tile_overlayer_lowered  }
0x9b: {  	s22 =	simm.s32 $0x1BFF;
	s21 =	sshll.u32 s6, $0x1;
	s3 =	sadd.s32 s4, s19  }
0x9c: {  	s7 =	simm.s32 $0x0;
	s20 =	sshll.u32 s5, $0x1;
	s5 =	sadd.s32 s21, s3  }
0x9d: {  	[timem:s7], [sflag:s22] =	dma.local [hbm:s5], s20  }
0x9e: {  	_ =	swait.ge [sflag:s22], s20  }
0x9f: {  	s4 =	ssub.s32 $0x0, s20;
	[sflag:s22] =	ssyncset.done $0x0  }
0xa0: {  	[sflag:s22] =	ssyncadd.s32 s4;
	_ =	sdelay $0x1  }
0xa1: {  	s23 =	simm.s32 $0x1B8B  }
0xa2: {  	_ =	swait.ge [sflag:s23], $0x1  }
0xa3: {  	[sflag:s23] =	ssyncset.done $0x0  }
0xa4: {  	s25 =	simm.s32 $0x1B8E;
	s24 =	sld [smem:$0x3FFE];
	[sflag:s23] =	ssyncadd.s32 $0xFFFFFFFF  }
0xa5: {  	s26 =	simm.s32 $execute0_lowered;
	[smem:$0x3FD2] =	sst s25  }
0xa6: {  	s5 =	sshll.u32 s26, $0x1;
	_ =	strace $0x80000049;
	[dreg:$0x1] =	wrdreg $0xFFFFFFFF  }
0xa7: {  	s28 =	simm.s32 $_size_execute0_lowered;
	s3 =	sadd.s32 s3, s5;
	[dreg:$0x0] =	wrdreg $0x0  }
0xa8: {  	s5 =	sshll.u32 s28, $0x1;
	[dreg:$0x2] =	wrdreg s3  }
0xa9: {  	[dreg:$0x3] =	wrdreg s5  }
0xaa: {  	[dreg:$0x4] =	wrdreg $0xC0  }
0xab: {  	_ =	task [dreg:s7], $0x5FFFF  }
0xac: {  	[dreg:$0x1] =	wrdreg $0xFFFFFFFF  }
0xad: {  	[dreg:$0x0] =	wrdreg $0x60  }
0xae: {  	[dreg:$0x2] =	wrdreg s24  }
0xaf: {  	[dreg:$0x3] =	wrdreg s2  }
0xb0: {  	[dreg:$0x4] =	wrdreg $0x0  }
0xb1: {  	[dreg:$0x5] =	wrdreg $0x9  }
0xb2: {  	_ =	task.clear_ibuf [dreg:s7], $0x6FFFF;
	_ =	strace $0x90000049  }
0xb3: {  	s29 =	simm.s32 $0x9;
	_ =	strace $0x8000004B  }
0xb4: {  	_ =	swait.ge [sflag:s29], $0x1  }
0xb5: {  	[sflag:s29] =	ssyncadd.s32 $0xFFFFFFFF  }
0xb6: {  	_ =	strace $0x9000004B  }
0xb7: {  	_ =	sfence  }
0xb8: {  	s30 =	sld [smem:$0x0];
	_ =	sdelay $0x2  }
0xb9: {  	s31 =	sshll.u32 s1, $0xD;
	s1 =	sshrl.u32 s1, $0x2  }
0xba: {  	s3 =	sand.u32 $0x4000, s31;
	s1 =	sadd.s32 s1, s30  }
0xbb: {  	s0 =	sor.u32 s3, s0;
	s1 =	sshll.u32 s1, $0x11  }
0xbc: {  	s0 =	sor.u32 s1, s0  }
0xbd: {  	s0 =	sadd.s32 $0x8F2B, s0  }
0xbe: {  	[sflag:s0] =	ssyncadd.remote.s32 $0x1  }
0xbf: {  	_ =	sfence.sel $0xFFFF  }
0xc0: {  	[dreg:$0x0] =	wrdreg $0xFFFFFFFF;
	(pc) =	sbr.abs _section_cstart, $3  }
0xc1: {  	[dreg:$0x1] =	wrdreg $0xFFFFFFFF  }
0xc2: {  	_ =	task.clear_ibuf [dreg:s7], $0x2FFFF;
	_ =	strace $0x9FFFFFFF  }
0xc3: {  	(tm) =	ssettm $0x7FFFFFFF  }
tec
execute0_lowered:
.L_overlay_start_1:
0x0: {  	(tag) =	ssettag $0x1  }
0x1: {  	s5 =	rddreg [dreg:$0x0]  }
0x2: {  	s16 =	rddreg [dreg:$0x1]  }
0x3: {  	s2 =	rddreg [dreg:$0x2];
	s1 =	stileid.u32  }
0x4: {  	s4 =	srdreg.scid;
	s3 =	simm.s32 $0x0;
	s21 =	simm.s32 $0x14000  }
0x5: {  	s22 =	simm.s32 $0x14080;
	s23 =	simm.s32 $0x80;
	s17 =	smul.u32 $0x9E0, s1  }
0x6: {  	s24 =	simm.s32 $0x14100;
	s25 =	simm.s32 $0x1;
	s6 =	smul.u32 $0x2800, s1  }
0x7: {  	s26 =	simm.s32 $0x0;
	s14 =	sand.u32 $0x1, s4;
	s8 =	smul.u32 $0x50000, s1  }
0x8: {  	[smem:$0x7FF] =	sst s3;
	s4 =	sadd.s32 $0x2200, s5;
	s7 =	smul.u32 $0x28000, s14  }
0x9: {  	_ =	strace $0x8000004A;
	s9 =	ssub.s32 $0x2, s14;
	s20 =	smul.u32 $0x4F0, s14  }
0xa: {  	s18 =	sadd.s32 s17, s5;
	s31 =	sshrl.u32 s9, $0x1;
	s8 =	sshrl.u32 s8, $0x2  }
0xb: {  	s17 =	sadd.s32 s17, s16;
	s6 =	sadd.s32 s6, s7;
	s19 =	ssub.s32 s9, s31  }
0xc: {  	s17 =	sadd.s32 s20, s17;
	s18 =	sadd.s32 s20, s18;
	s20 =	simm.s32 $0x2  }
0xd: {  	s15 =	sadd.s32 s6, s5;
	s5 =	sadd.s32 s8, s2;
	s16 =	smax.u32 s19, $0x1  }
0xe: {  	s18 =	sadd.s32 $0x52A00, s18;
	s19 =	simm.s32 $0x18100;
	s6 =	sadd.s32 $0x2000, s5  }
0xf: {  	s7 =	sadd.s32 $0x4000, s5;
	s8 =	sadd.s32 $0x6000, s5;
	s9 =	sadd.s32 $0x8000, s5  }
0x10: {  	s10 =	sadd.s32 $0xA000, s5;
	s11 =	sadd.s32 $0xC000, s5;
	s12 =	sadd.s32 $0xE000, s5  }
0x11: {  	v0 =	vimm.f32 $0.0e+00;
	s13 =	sadd.s32 $0x10000, s5;
	s14 =	sadd.s32 $0x12000, s5;
	s15 =	sadd.s32 $0x5C800, s15  }
.LBB2_1:
0x12: {  	s28 =	simm.s32 $0x0;
	s29 =	simm.s32 $0x200  }
.LBB2_2:
0x13: {  	p0 =	sne.s32 s29, $0x7E00;
	[tilespmem:s28+$0x18170] =	vst v0  }
0x14: {  	[tilespmem:s28+$0x18100] =	vst v0  }
0x15: {  	[tilespmem:s28+$0x18110] =	vst v0  }
.Ltmp0:
0x16: {  	[tilespmem:s28+$0x18120] =	vst v0;
	(pc) =	sbr.rel @p0 .LBB2_2-.Ltmp0, $4  }
0x17: {  	[tilespmem:s28+$0x18130] =	vst v0  }
0x18: {  	[tilespmem:s28+$0x18140] =	vst v0  }
0x19: {  	[tilespmem:s28+$0x18150] =	vst v0  }
0x1a: {  	[tilespmem:s28+$0x18160] =	vst v0;
	s28 =	sshra.s32 s29, $0x2;
	s29 =	sadd.s32 $0x200, s29  }
0x1b: {  	[tilespmem:s28+$0x18170] =	vst v0  }
0x1c: {  	[tilespmem:s28+$0x18100] =	vst v0  }
0x1d: {  	[tilespmem:s28+$0x18110] =	vst v0  }
0x1e: {  	[tilespmem:s28+$0x18120] =	vst v0  }
0x1f: {  	[tilespmem:s28+$0x18130] =	vst v0  }
0x20: {  	[tilespmem:s28+$0x18140] =	vst v0  }
0x21: {  	[tilespmem:s28+$0x18150] =	vst v0  }
0x22: {  	[tilespmem:s28+$0x18160] =	vst v0  }
0x23: {  	[spmem:s5] =	stream.linear.scatter [tilespmem:s19], [sflag:$0x2], $0x2000, $0x38;
	[tilespmem:$0x1A100] =	vst v63  }
0x24: {  	_ =	swait.ge [sflag:s20], $0x2000  }
0x25: {  	[sflag:s20] =	ssyncset.done $0x0  }
0x26: {  	[sflag:s20] =	ssyncadd.s32 $0xFFFFE000  }
0x27: {  	[spmem:s6] =	stream.linear.scatter [tilespmem:s19], [sflag:$0x2], $0x2000, $0x38;
	[tilespmem:$0x1A100] =	vst v63  }
0x28: {  	_ =	swait.ge [sflag:s20], $0x2000  }
0x29: {  	[sflag:s20] =	ssyncset.done $0x0  }
0x2a: {  	[sflag:s20] =	ssyncadd.s32 $0xFFFFE000  }
0x2b: {  	[spmem:s7] =	stream.linear.scatter [tilespmem:s19], [sflag:$0x2], $0x2000, $0x38;
	[tilespmem:$0x1A100] =	vst v63  }
0x2c: {  	_ =	swait.ge [sflag:s20], $0x2000  }
0x2d: {  	[sflag:s20] =	ssyncset.done $0x0  }
0x2e: {  	[sflag:s20] =	ssyncadd.s32 $0xFFFFE000  }
0x2f: {  	[spmem:s8] =	stream.linear.scatter [tilespmem:s19], [sflag:$0x2], $0x2000, $0x38;
	[tilespmem:$0x1A100] =	vst v63  }
0x30: {  	_ =	swait.ge [sflag:s20], $0x2000  }
0x31: {  	[sflag:s20] =	ssyncset.done $0x0  }
0x32: {  	[sflag:s20] =	ssyncadd.s32 $0xFFFFE000  }
0x33: {  	[spmem:s9] =	stream.linear.scatter [tilespmem:s19], [sflag:$0x2], $0x2000, $0x38;
	[tilespmem:$0x1A100] =	vst v63  }
0x34: {  	_ =	swait.ge [sflag:s20], $0x2000  }
0x35: {  	[sflag:s20] =	ssyncset.done $0x0  }
0x36: {  	[sflag:s20] =	ssyncadd.s32 $0xFFFFE000  }
0x37: {  	[spmem:s10] =	stream.linear.scatter [tilespmem:s19], [sflag:$0x2], $0x2000, $0x38;
	[tilespmem:$0x1A100] =	vst v63  }
0x38: {  	_ =	swait.ge [sflag:s20], $0x2000  }
0x39: {  	[sflag:s20] =	ssyncset.done $0x0  }
0x3a: {  	[sflag:s20] =	ssyncadd.s32 $0xFFFFE000  }
0x3b: {  	[spmem:s11] =	stream.linear.scatter [tilespmem:s19], [sflag:$0x2], $0x2000, $0x38;
	[tilespmem:$0x1A100] =	vst v63  }
0x3c: {  	_ =	swait.ge [sflag:s20], $0x2000  }
0x3d: {  	[sflag:s20] =	ssyncset.done $0x0  }
0x3e: {  	[sflag:s20] =	ssyncadd.s32 $0xFFFFE000  }
0x3f: {  	[spmem:s12] =	stream.linear.scatter [tilespmem:s19], [sflag:$0x2], $0x2000, $0x38;
	[tilespmem:$0x1A100] =	vst v63  }
0x40: {  	_ =	swait.ge [sflag:s20], $0x2000  }
0x41: {  	[sflag:s20] =	ssyncset.done $0x0  }
0x42: {  	[sflag:s20] =	ssyncadd.s32 $0xFFFFE000  }
0x43: {  	[spmem:s13] =	stream.linear.scatter [tilespmem:s19], [sflag:$0x2], $0x2000, $0x38;
	[tilespmem:$0x1A100] =	vst v63  }
0x44: {  	_ =	swait.ge [sflag:s20], $0x2000  }
0x45: {  	[sflag:s20] =	ssyncset.done $0x0  }
0x46: {  	[sflag:s20] =	ssyncadd.s32 $0xFFFFE000  }
0x47: {  	[spmem:s14] =	stream.linear.scatter [tilespmem:s19], [sflag:$0x2], $0x2000, $0x38;
	[tilespmem:$0x1A100] =	vst v63  }
0x48: {  	_ =	swait.ge [sflag:s20], $0x2000  }
0x49: {  	[sflag:s20] =	ssyncset.done $0x0  }
0x4a: {  	[sflag:s20] =	ssyncadd.s32 $0xFFFFE000  }
0x4b: {  	s28 =	sadd.s32 $0x0, s18;
	[bflag:$0x0] =	sbarrier.arrive $0xFFFF  }
0x4c: {  	[tilespmem:s21], [sflag:$0x2] =	stream.linear.gather [hbm4b:s28+s3], $0x80, $0x38;
	[tilespmem:$0x1A100] =	vst v63  }
0x4d: {  	_ =	swait.ge [sflag:s20], $0x80  }
0x4e: {  	[sflag:s20] =	ssyncset.done $0x0  }
0x4f: {  	s28 =	sadd.s32 $0x0, s17;
	[sflag:s20] =	ssyncadd.s32 $0xFFFFFF80  }
0x50: {  	[tilespmem:s22], [sflag:$0x2] =	stream.linear.gather [hbm4b:s28+s3], $0x80, $0x38;
	[tilespmem:$0x1A100] =	vst v63  }
0x51: {  	_ =	swait.ge [sflag:s20], $0x80  }
0x52: {  	[sflag:s20] =	ssyncset.done $0x0  }
0x53: {  	[sflag:s20] =	ssyncadd.s32 $0xFFFFFF80  }
0x54: {  	[tilespmem:s24], [sflag:$0x1] =	stream.indirect.gather [hbm4b:s4+s23], $0x80, s21, s23, $0xb8;
	[tilespmem:$0x1A100] =	vst v63  }
0x55: {  	_ =	swait.ge [sflag:s25], $0x4000  }
0x56: {  	[sflag:s25] =	ssyncset.done $0x0  }
0x57: {  	[sflag:s25] =	ssyncadd.s32 $0xFFFFC000  }
0x58: {  	[spmem:s2] =	stream.indirect.scatter.add.f32 [tilespmem:s24], [sflag:$0x2], $0x80, s22, s23, $0xb8;
	[tilespmem:$0x1A100] =	vst v63  }
0x59: {  	_ =	swait.ge [sflag:s20], $0x4000  }
0x5a: {  	s29 =	simm.s32 $0x20;
	s28 =	simm.s32 $0x10;
	[sflag:s20] =	ssyncset.done $0x0  }
.LBB2_4:
0x5b: {  	s30 =	sadd.s32 s28, s18  }
0x5c: {  	[sflag:s20] =	ssyncadd.s32 $0xFFFFC000;
	s31 =	smov.u32 s29;
	s0 =	sadd.s32 $0x10, s29  }
0x5d: {  	[tilespmem:s21], [sflag:$0x2] =	stream.linear.gather [hbm4b:s30+s3], $0x80, $0x38;
	[tilespmem:$0x1A100] =	vst v63  }
0x5e: {  	p0 =	sne.s32 s29, $0x4E0;
	_ =	swait.ge [sflag:s20], $0x80  }
0x5f: {  	[sflag:s20] =	ssyncset.done $0x0  }
0x60: {  	s29 =	sadd.s32 s28, s17;
	s28 =	smov.u32 s31;
	[sflag:s20] =	ssyncadd.s32 $0xFFFFFF80  }
0x61: {  	[tilespmem:s22], [sflag:$0x2] =	stream.linear.gather [hbm4b:s29+s3], $0x80, $0x38;
	[tilespmem:$0x1A100] =	vst v63  }
0x62: {  	_ =	swait.ge [sflag:s20], $0x80  }
0x63: {  	[sflag:s20] =	ssyncset.done $0x0  }
0x64: {  	[sflag:s20] =	ssyncadd.s32 $0xFFFFFF80  }
0x65: {  	[tilespmem:s24], [sflag:$0x1] =	stream.indirect.gather [hbm4b:s4+s23], $0x80, s21, s23, $0xb8;
	[tilespmem:$0x1A100] =	vst v63  }
0x66: {  	_ =	swait.ge [sflag:s25], $0x4000  }
.Ltmp1:
0x67: {  	[sflag:s25] =	ssyncset.done $0x0;
	(pc) =	sbr.rel @p0 .LBB2_4-.Ltmp1, $4  }
0x68: {  	[sflag:s25] =	ssyncadd.s32 $0xFFFFC000  }
0x69: {  	[spmem:s2] =	stream.indirect.scatter.add.f32 [tilespmem:s24], [sflag:$0x2], $0x80, s22, s23, $0xb8;
	[tilespmem:$0x1A100] =	vst v63  }
0x6a: {  	_ =	swait.ge [sflag:s20], $0x4000  }
0x6b: {  	s29 =	smov.u32 s0;
	[sflag:s20] =	ssyncset.done $0x0  }
0x6c: {  	s0 =	sadd.s32 s28, s18;
	[sflag:s20] =	ssyncadd.s32 $0xFFFFC000  }
0x6d: {  	[tilespmem:s21], [sflag:$0x2] =	stream.linear.gather [hbm4b:s0+s3], $0x80, $0x38;
	[tilespmem:$0x1A100] =	vst v63  }
0x6e: {  	_ =	swait.ge [sflag:s20], $0x80  }
0x6f: {  	[sflag:s20] =	ssyncset.done $0x0  }
0x70: {  	s29 =	sadd.s32 s28, s17;
	[sflag:s20] =	ssyncadd.s32 $0xFFFFFF80  }
0x71: {  	[tilespmem:s22], [sflag:$0x2] =	stream.linear.gather [hbm4b:s29+s3], $0x80, $0x38;
	[tilespmem:$0x1A100] =	vst v63  }
0x72: {  	_ =	swait.ge [sflag:s20], $0x80  }
0x73: {  	[sflag:s20] =	ssyncset.done $0x0  }
0x74: {  	[sflag:s20] =	ssyncadd.s32 $0xFFFFFF80  }
0x75: {  	[tilespmem:s24], [sflag:$0x1] =	stream.indirect.gather [hbm4b:s4+s23], $0x80, s21, s23, $0xb8;
	[tilespmem:$0x1A100] =	vst v63  }
0x76: {  	_ =	swait.ge [sflag:s25], $0x4000  }
0x77: {  	[sflag:s25] =	ssyncset.done $0x0  }
0x78: {  	[sflag:s25] =	ssyncadd.s32 $0xFFFFC000  }
0x79: {  	[spmem:s2] =	stream.indirect.scatter.add.f32 [tilespmem:s24], [sflag:$0x2], $0x80, s22, s23, $0xb8;
	[tilespmem:$0x1A100] =	vst v63  }
0x7a: {  	_ =	swait.ge [sflag:s20], $0x4000  }
0x7b: {  	s30 =	sshll.u32 s1, $0x6;
	s26 =	sadd.s32 $0x1, s26;
	[sflag:s20] =	ssyncset.done $0x0  }
0x7c: {  	s31 =	sshrl.u32 s5, $0x3;
	p0 =	sne.s32 s26, s16;
	[sflag:s20] =	ssyncadd.s32 $0xFFFFC000  }
.Ltmp2:
0x7d: {  	s0 =	sor.u32 $0x1C02, s30;
	[bflag:$0x0] =	sbarrier.arrive $0xFFFF;
	(pc) =	sbr.rel @p0 .LBB2_1-.Ltmp2, $4  }
0x7e: {  	[hbm:s15], [sflag:s0] =	dma.local [spmem:s31], $0x2800  }
0x7f: {  	_ =	swait.ge [sflag:s20], $0x2800  }
0x80: {  	[sflag:s20] =	ssyncset.done $0x0  }
0x81: {  	[sflag:s20] =	ssyncadd.s32 $0xFFFFD800  }
0x82: {  	_ =	sfence.sel $0x180000  }
0x83: {  	[bflag:$0x0] =	sbarrier.arrive $0xFFFF  }
0x84: {  	_ =	strace $0x9000004A  }
0x85: {  	[bflag:$0x2] =	sbarrier.arrive $0xFFFF  }
0x86: {  	p0 =	sne.s32 s1, $0x0;
	s0 =	rddreg [dreg:$0x3]  }
0x87: {  	s0 =	sadd.s32 @!p0 $0x100000, s0  }
0x88: {  	[sflag:s0] =	ssyncadd.tile.s32 @!p0 $0x1;
	_ =	shalt  }
.Lfunc_end2:
_tile_overlayer_lowered:
.L_overlay_start_2:
0x89: {  	(tag) =	ssettag $0x2  }
0x8a: {  	s0 =	rddreg [dreg:$0x0];
	s2 =	stileid.u32  }
0x8b: {  	s1 =	rddreg [dreg:$0x1];
	p0 =	sne.s32 s2, $0x0  }
0x8c: {  	s3 =	rddreg [dreg:$0x2];
	[bflag:$0x3] =	sbarrier.arrive $0xFFFF;
	s2 =	simm.s32 @!p0 $0x1C02  }
0x8d: {  	[timem:s3], [sflag:s2] =	dma.local @!p0 [hbm:s0], s1  }
0x8e: {  	s0 =	simm.s32 @!p0 $0x2  }
0x8f: {  	_ =	swait.ge @!p0 [sflag:s0], s1  }
0x90: {  	s1 =	ssub.s32 @!p0 $0x0, s1;
	[sflag:s0] =	ssyncset.done @!p0 $0x0  }
0x91: {  	[sflag:s0] =	ssyncadd.s32 @!p0 s1  }
0x92: {  	[bflag:$0x3] =	sbarrier.arrive $0xFFFF  }
0x93: {  	_ =	shalt  }

// kernel: kernel.18.cloned.1.call-start
scs
__scs_entry_jumppad:
0x0: {  	(pc) =	sbr.rel $0x88, $3  }
0x1: {  	(tag) =	ssettag $0x0;
	lr =	simm.s32 $0x1  }
0x2: {  	[smem:$0x3F9B] =	sst lr;
	_ =	strace $0xD0000000  }
0x3: {  	_ = 	snop  }
0x4: {  	_ = 	snop  }
0x5: {  	_ = 	snop  }
0x6: {  	_ = 	snop  }
0x7: {  	_ = 	snop  }
__scs_overlays_trampoline_lowered:
0x8: {  	[smem:$0x3FAA] =	sst s0  }
0x9: {  	[smem:$0x3FAB] =	sst s1  }
0xa: {  	[smem:$0x3FAC] =	sst s2  }
0xb: {  	[smem:$0x3FAD] =	sst s3  }
0xc: {  	[smem:$0x3FAE] =	sst s4  }
0xd: {  	[smem:$0x3FAF] =	sst s5  }
0xe: {  	[smem:$0x3FB0] =	sst s6  }
0xf: {  	[smem:$0x3FB1] =	sst s7  }
0x10: {  	[smem:$0x3FB2] =	sst s8  }
0x11: {  	[smem:$0x3FB3] =	sst s9;
	s0 =	simm.s32 @!p0 $0x0  }
0x12: {  	s1 =	sld [smem:$0x3F99];
	s0 =	simm.s32 @p0 $0x1  }
0x13: {  	[smem:$0x3FB4] =	sst s0;
	s0 =	simm.s32 @!p1 $0x0  }
0x14: {  	s2 =	sld [smem:$0x3F98];
	s0 =	simm.s32 @p1 $0x1  }
0x15: {  	[smem:$0x3FB5] =	sst s0;
	s0 =	simm.s32 @!p2 $0x0  }
0x16: {  	s3 =	sld [smem:$0x3FDB];
	s0 =	simm.s32 @p2 $0x1  }
0x17: {  	s4 =	simm.s32 $0x1BF5;
	[smem:$0x3FB7] =	sst s0  }
0x18: {  	s0 =	sld [smem:$0x3F9A];
	_ =	swait.ge [sflag:s4], $0x0  }
0x19: {  	s7 =	sld [smem:$0x3F9B]  }
0x1a: {  	s8 =	sadd.s32 $0xFFFFE003, lr  }
0x1b: {  	s9 =	sadd.s32 $0xFFFFFEF7, lr;
	s5 =	simm.s32 $0xFFFFFFFF;
	p2 =	slt.u32 s8, $0xFFFFF086  }
0x1c: {  	p1 =	slt.u32 s9, $0xF7A;
	s5 =	simm.s32 @!p2 $0x0  }
0x1d: {  	s5 =	simm.s32 @p1 $0x1;
	p0 =	seq.s32 s7, s2  }
0x1e: {  	s7 =	smul.u32 @!p0 $0xF7A, s2;
	p2 =	seq.s32 @!p0 s5, $0x0  }
0x1f: {  	s9 =	smul.u32 $0xF7A, s1;
	s8 =	simm.s32 @!p0 $0x1BF5;
	p2 =	por !p2, p0  }
0x20: {  	[sflag:s8] =	ssyncset.s32 @!p0 $0xFFFFF086;
	s6 =	sadd.s32 @!p0 s3, s7;
	s7 =	simm.s32 @!p0 $0x108  }
0x21: {  	s3 =	sadd.s32 s3, s9;
	s6 =	sadd.s32 @!p0 $0x88, s6;
	s7 =	simm.s32 @p2 $0x1082  }
0x22: {  	[simem:s7], [sflag:s8] =	dma.local @!p0 [hbm:s6], $0xF7A  }
0x23: {  	s9 =	sor.u32 $0xD0000000, s2;
	s6 =	simm.s32 $0x108;
	_ =	swait.ge @!p0 [sflag:s8], $0x0  }
0x24: {  	s3 =	sadd.s32 $0x88, s3;
	s6 =	simm.s32 @!p1 $0x1082;
	[sflag:s4] =	ssyncset.s32 $0xFFFFF086  }
0x25: {  	[simem:s6], [sflag:s4] =	dma.local [hbm:s3], $0xF7A  }
0x26: {  	[smem:$0x3F9B] =	sst s1;
	(tag) =	ssettag s2;
	_ =	strace s9  }
0x27: {  	s1 =	sld [smem:$0x3FAB]  }
0x28: {  	s2 =	sld [smem:$0x3FAC]  }
0x29: {  	s4 =	sld [smem:$0x3FAE]  }
0x2a: {  	p0 =	seq.s32 s5, $0x0;
	s5 =	sld [smem:$0x3FAF]  }
0x2b: {  	s6 =	sld [smem:$0x3FB0]  }
0x2c: {  	s7 =	sld [smem:$0x3FB1]  }
0x2d: {  	s3 =	simm.s32 $0x108;
	s8 =	sld [smem:$0x3FB2]  }
0x2e: {  	s3 =	simm.s32 @!p0 $0x1082;
	s9 =	sld [smem:$0x3FB3]  }
0x2f: {  	lr =	sadd.s32 s0, s3;
	s0 =	sld [smem:$0x3FAA]  }
0x30: {  	s3 =	sld [smem:$0x3FAD]  }
0x31: {  	[smem:$0x3FB6] =	sst s10  }
0x32: {  	s10 =	sld [smem:$0x3FB4];
	_ =	sdelay $0x3  }
0x33: {  	p0 =	seq.s32 s10, $0x1;
	s10 =	sld [smem:$0x3FB6];
	_ =	sdelay $0x3  }
0x34: {  	[smem:$0x3FB6] =	sst s10  }
0x35: {  	s10 =	sld [smem:$0x3FB5];
	_ =	sdelay $0x3  }
0x36: {  	p1 =	seq.s32 s10, $0x1;
	s10 =	sld [smem:$0x3FB6];
	_ =	sdelay $0x3  }
0x37: {  	[smem:$0x3FB6] =	sst s10  }
0x38: {  	s10 =	sld [smem:$0x3FB7]  }
0x39: {  	_ = 	snop;
	(pc) =	sbr.ind lr, $3  }
0x3a: {  	_ = 	snop  }
0x3b: {  	_ = 	snop  }
0x3c: {  	p2 =	seq.s32 s10, $0x1;
	s10 =	sld [smem:$0x3FB6]  }
0x3d: {  	_ =	shalt  }
0x3e: {  	_ =	shalt  }
0x3f: {  	_ =	shalt  }
0x40: {  	_ =	shalt  }
0x41: {  	_ =	shalt  }
0x42: {  	_ =	shalt  }
0x43: {  	_ =	shalt  }
0x44: {  	_ =	shalt  }
0x45: {  	_ =	shalt  }
0x46: {  	_ =	shalt  }
0x47: {  	_ =	shalt  }
0x48: {  	_ =	shalt  }
0x49: {  	_ =	shalt  }
0x4a: {  	_ =	shalt  }
0x4b: {  	_ =	shalt  }
0x4c: {  	_ =	shalt  }
0x4d: {  	_ =	shalt  }
0x4e: {  	_ =	shalt  }
0x4f: {  	_ =	shalt  }
0x50: {  	_ =	shalt  }
0x51: {  	_ =	shalt  }
0x52: {  	_ =	shalt  }
0x53: {  	_ =	shalt  }
0x54: {  	_ =	shalt  }
0x55: {  	_ =	shalt  }
0x56: {  	_ =	shalt  }
0x57: {  	_ =	shalt  }
0x58: {  	_ =	shalt  }
0x59: {  	_ =	shalt  }
0x5a: {  	_ =	shalt  }
0x5b: {  	_ =	shalt  }
0x5c: {  	_ =	shalt  }
0x5d: {  	_ =	shalt  }
0x5e: {  	_ =	shalt  }
0x5f: {  	_ =	shalt  }
0x60: {  	_ =	shalt  }
0x61: {  	_ =	shalt  }
0x62: {  	_ =	shalt  }
0x63: {  	_ =	shalt  }
0x64: {  	_ =	shalt  }
0x65: {  	_ =	shalt  }
0x66: {  	_ =	shalt  }
0x67: {  	_ =	shalt  }
0x68: {  	_ =	shalt  }
0x69: {  	_ =	shalt  }
0x6a: {  	_ =	shalt  }
0x6b: {  	_ =	shalt  }
0x6c: {  	_ =	shalt  }
0x6d: {  	_ =	shalt  }
0x6e: {  	_ =	shalt  }
0x6f: {  	_ =	shalt  }
0x70: {  	_ =	shalt  }
0x71: {  	_ =	shalt  }
0x72: {  	_ =	shalt  }
0x73: {  	_ =	shalt  }
0x74: {  	_ =	shalt  }
0x75: {  	_ =	shalt  }
0x76: {  	_ =	shalt  }
0x77: {  	_ =	shalt  }
0x78: {  	_ =	shalt  }
0x79: {  	_ =	shalt  }
0x7a: {  	_ =	shalt  }
0x7b: {  	_ =	shalt  }
0x7c: {  	_ =	shalt  }
0x7d: {  	_ =	shalt  }
0x7e: {  	_ =	shalt  }
0x7f: {  	_ =	shalt  }
0x80: {  	_ =	shalt  }
0x81: {  	_ =	shalt  }
0x82: {  	_ =	shalt  }
0x83: {  	_ =	shalt  }
0x84: {  	_ =	shalt  }
0x85: {  	_ =	shalt  }
0x86: {  	_ =	shalt  }
0x87: {  	_ =	shalt  }
.Lfunc_end0:
.L_simem_size_0:
called_computation.2_lowered:
.L_overlay_start_0:
0x88: {  	s2 =	sld [smem:$0x3FD9]  }
0x89: {  	s3 =	sld [smem:$0x3FFE];
	_ =	sdelay $0x1  }
0x8a: {  	s1 =	srdreg.scid  }
0x8b: {  	s0 =	sand.u32 $0x1, s1  }
0x8c: {  	s17 =	sshll.u32 s0, $0xA;
	s2 =	sadd.s32 s3, s2  }
0x8d: {  	s2 =	sadd.s32 s2, s17  }
0x8e: {  	[smem:$0x3FC2] =	sst s2  }
0x8f: {  	_ = 	snop  }
0x90: {  	s2 =	sld [smem:$0x3FD0];
	(tm) =	ssettm $0x1  }
0x91: {  	s18 =	sld [smem:$0x3FFB];
	_ =	sdelay $0x3  }
0x92: {  	_ =	strace s18  }
0x93: {  	s3 =	sld [smem:$0x3FFC];
	_ =	sdelay $0x3  }
0x94: {  	_ =	strace s3  }
0x95: {  	s3 =	sld [smem:$0x3FFD];
	_ =	sdelay $0x3  }
0x96: {  	_ =	strace s3  }
0x97: {  	_ =	strace $0x8FFFFFFF  }
0x98: {  	s19 =	sld [smem:$0x3FDB];
	_ =	sdelay $0x1  }
0x99: {  	s4 =	simm.s32 $_scs_section_size  }
0x9a: {  	s5 =	simm.s32 $_size__tile_overlayer_lowered;
	s6 =	simm.s32 $_tile_overlayer_lowered  }
0x9b: {  	s22 =	simm.s32 $0x1BFF;
	s21 =	sshll.u32 s6, $0x1;
	s3 =	sadd.s32 s4, s19  }
0x9c: {  	s7 =	simm.s32 $0x0;
	s20 =	sshll.u32 s5, $0x1;
	s5 =	sadd.s32 s21, s3  }
0x9d: {  	[timem:s7], [sflag:s22] =	dma.local [hbm:s5], s20  }
0x9e: {  	_ =	swait.ge [sflag:s22], s20  }
0x9f: {  	s4 =	ssub.s32 $0x0, s20;
	[sflag:s22] =	ssyncset.done $0x0  }
0xa0: {  	[sflag:s22] =	ssyncadd.s32 s4;
	_ =	sdelay $0x1  }
0xa1: {  	s23 =	simm.s32 $0x1B8B  }
0xa2: {  	_ =	swait.ge [sflag:s23], $0x1  }
0xa3: {  	[sflag:s23] =	ssyncset.done $0x0  }
0xa4: {  	s25 =	simm.s32 $0x1B8E;
	s24 =	sld [smem:$0x3FFE];
	[sflag:s23] =	ssyncadd.s32 $0xFFFFFFFF  }
0xa5: {  	s26 =	simm.s32 $execute0_lowered;
	[smem:$0x3FD2] =	sst s25  }
0xa6: {  	s5 =	sshll.u32 s26, $0x1;
	_ =	strace $0x8000004C;
	[dreg:$0x1] =	wrdreg $0xFFFFFFFF  }
0xa7: {  	s28 =	simm.s32 $_size_execute0_lowered;
	s3 =	sadd.s32 s3, s5;
	[dreg:$0x0] =	wrdreg $0x0  }
0xa8: {  	s5 =	sshll.u32 s28, $0x1;
	[dreg:$0x2] =	wrdreg s3  }
0xa9: {  	[dreg:$0x3] =	wrdreg s5  }
0xaa: {  	[dreg:$0x4] =	wrdreg $0xC0  }
0xab: {  	_ =	task [dreg:s7], $0x5FFFF  }
0xac: {  	[dreg:$0x1] =	wrdreg $0xFFFFFFFF  }
0xad: {  	[dreg:$0x0] =	wrdreg $0x60  }
0xae: {  	[dreg:$0x2] =	wrdreg s24  }
0xaf: {  	[dreg:$0x3] =	wrdreg s2  }
0xb0: {  	[dreg:$0x4] =	wrdreg $0x0  }
0xb1: {  	[dreg:$0x5] =	wrdreg $0x9  }
0xb2: {  	_ =	task.clear_ibuf [dreg:s7], $0x6FFFF;
	_ =	strace $0x9000004C  }
0xb3: {  	s29 =	simm.s32 $0x9;
	_ =	strace $0x8000004E  }
0xb4: {  	_ =	swait.ge [sflag:s29], $0x1  }
0xb5: {  	[sflag:s29] =	ssyncadd.s32 $0xFFFFFFFF  }
0xb6: {  	_ =	strace $0x9000004E  }
0xb7: {  	_ =	sfence  }
0xb8: {  	s30 =	sld [smem:$0x0];
	_ =	sdelay $0x2  }
0xb9: {  	s31 =	sshll.u32 s1, $0xD;
	s1 =	sshrl.u32 s1, $0x2  }
0xba: {  	s3 =	sand.u32 $0x4000, s31;
	s1 =	sadd.s32 s1, s30  }
0xbb: {  	s0 =	sor.u32 s3, s0;
	s1 =	sshll.u32 s1, $0x11  }
0xbc: {  	s0 =	sor.u32 s1, s0  }
0xbd: {  	s0 =	sadd.s32 $0x8F2B, s0  }
0xbe: {  	[sflag:s0] =	ssyncadd.remote.s32 $0x1  }
0xbf: {  	_ =	sfence.sel $0xFFFF  }
0xc0: {  	[dreg:$0x0] =	wrdreg $0xFFFFFFFF;
	(pc) =	sbr.abs _section_cstart, $3  }
0xc1: {  	[dreg:$0x1] =	wrdreg $0xFFFFFFFF  }
0xc2: {  	_ =	task.clear_ibuf [dreg:s7], $0x2FFFF;
	_ =	strace $0x9FFFFFFF  }
0xc3: {  	(tm) =	ssettm $0x7FFFFFFF  }
tec
execute0_lowered:
.L_overlay_start_1:
0x0: {  	(tag) =	ssettag $0x1  }
0x1: {  	s5 =	rddreg [dreg:$0x0]  }
0x2: {  	s16 =	rddreg [dreg:$0x1]  }
0x3: {  	s2 =	rddreg [dreg:$0x2];
	s1 =	stileid.u32  }
0x4: {  	s4 =	srdreg.scid;
	s3 =	simm.s32 $0x0;
	s21 =	simm.s32 $0x14000  }
0x5: {  	s22 =	simm.s32 $0x14080;
	s23 =	simm.s32 $0x80;
	s17 =	smul.u32 $0x9E0, s1  }
0x6: {  	s24 =	simm.s32 $0x14100;
	s25 =	simm.s32 $0x1;
	s6 =	smul.u32 $0x2800, s1  }
0x7: {  	s26 =	simm.s32 $0x0;
	s14 =	sand.u32 $0x1, s4;
	s8 =	smul.u32 $0x50000, s1  }
0x8: {  	[smem:$0x7FF] =	sst s3;
	s4 =	sadd.s32 $0x2200, s5;
	s7 =	smul.u32 $0x28000, s14  }
0x9: {  	_ =	strace $0x8000004D;
	s9 =	ssub.s32 $0x2, s14;
	s20 =	smul.u32 $0x4F0, s14  }
0xa: {  	s18 =	sadd.s32 s17, s5;
	s31 =	sshrl.u32 s9, $0x1;
	s8 =	sshrl.u32 s8, $0x2  }
0xb: {  	s17 =	sadd.s32 s17, s16;
	s6 =	sadd.s32 s6, s7;
	s19 =	ssub.s32 s9, s31  }
0xc: {  	s17 =	sadd.s32 s20, s17;
	s18 =	sadd.s32 s20, s18;
	s20 =	simm.s32 $0x2  }
0xd: {  	s15 =	sadd.s32 s6, s5;
	s5 =	sadd.s32 s8, s2;
	s16 =	smax.u32 s19, $0x1  }
0xe: {  	s18 =	sadd.s32 $0x52A00, s18;
	s19 =	simm.s32 $0x18100;
	s6 =	sadd.s32 $0x2000, s5  }
0xf: {  	s7 =	sadd.s32 $0x4000, s5;
	s8 =	sadd.s32 $0x6000, s5;
	s9 =	sadd.s32 $0x8000, s5  }
0x10: {  	s10 =	sadd.s32 $0xA000, s5;
	s11 =	sadd.s32 $0xC000, s5;
	s12 =	sadd.s32 $0xE000, s5  }
0x11: {  	v0 =	vimm.f32 $0.0e+00;
	s13 =	sadd.s32 $0x10000, s5;
	s14 =	sadd.s32 $0x12000, s5;
	s15 =	sadd.s32 $0x5C800, s15  }
.LBB2_1:
0x12: {  	s28 =	simm.s32 $0x0;
	s29 =	simm.s32 $0x200  }
.LBB2_2:
0x13: {  	p0 =	sne.s32 s29, $0x7E00;
	[tilespmem:s28+$0x18170] =	vst v0  }
0x14: {  	[tilespmem:s28+$0x18100] =	vst v0  }
0x15: {  	[tilespmem:s28+$0x18110] =	vst v0  }
.Ltmp0:
0x16: {  	[tilespmem:s28+$0x18120] =	vst v0;
	(pc) =	sbr.rel @p0 .LBB2_2-.Ltmp0, $4  }
0x17: {  	[tilespmem:s28+$0x18130] =	vst v0  }
0x18: {  	[tilespmem:s28+$0x18140] =	vst v0  }
0x19: {  	[tilespmem:s28+$0x18150] =	vst v0  }
0x1a: {  	[tilespmem:s28+$0x18160] =	vst v0;
	s28 =	sshra.s32 s29, $0x2;
	s29 =	sadd.s32 $0x200, s29  }
0x1b: {  	[tilespmem:s28+$0x18170] =	vst v0  }
0x1c: {  	[tilespmem:s28+$0x18100] =	vst v0  }
0x1d: {  	[tilespmem:s28+$0x18110] =	vst v0  }
0x1e: {  	[tilespmem:s28+$0x18120] =	vst v0  }
0x1f: {  	[tilespmem:s28+$0x18130] =	vst v0  }
0x20: {  	[tilespmem:s28+$0x18140] =	vst v0  }
0x21: {  	[tilespmem:s28+$0x18150] =	vst v0  }
0x22: {  	[tilespmem:s28+$0x18160] =	vst v0  }
0x23: {  	[spmem:s5] =	stream.linear.scatter [tilespmem:s19], [sflag:$0x2], $0x2000, $0x38;
	[tilespmem:$0x1A100] =	vst v63  }
0x24: {  	_ =	swait.ge [sflag:s20], $0x2000  }
0x25: {  	[sflag:s20] =	ssyncset.done $0x0  }
0x26: {  	[sflag:s20] =	ssyncadd.s32 $0xFFFFE000  }
0x27: {  	[spmem:s6] =	stream.linear.scatter [tilespmem:s19], [sflag:$0x2], $0x2000, $0x38;
	[tilespmem:$0x1A100] =	vst v63  }
0x28: {  	_ =	swait.ge [sflag:s20], $0x2000  }
0x29: {  	[sflag:s20] =	ssyncset.done $0x0  }
0x2a: {  	[sflag:s20] =	ssyncadd.s32 $0xFFFFE000  }
0x2b: {  	[spmem:s7] =	stream.linear.scatter [tilespmem:s19], [sflag:$0x2], $0x2000, $0x38;
	[tilespmem:$0x1A100] =	vst v63  }
0x2c: {  	_ =	swait.ge [sflag:s20], $0x2000  }
0x2d: {  	[sflag:s20] =	ssyncset.done $0x0  }
0x2e: {  	[sflag:s20] =	ssyncadd.s32 $0xFFFFE000  }
0x2f: {  	[spmem:s8] =	stream.linear.scatter [tilespmem:s19], [sflag:$0x2], $0x2000, $0x38;
	[tilespmem:$0x1A100] =	vst v63  }
0x30: {  	_ =	swait.ge [sflag:s20], $0x2000  }
0x31: {  	[sflag:s20] =	ssyncset.done $0x0  }
0x32: {  	[sflag:s20] =	ssyncadd.s32 $0xFFFFE000  }
0x33: {  	[spmem:s9] =	stream.linear.scatter [tilespmem:s19], [sflag:$0x2], $0x2000, $0x38;
	[tilespmem:$0x1A100] =	vst v63  }
0x34: {  	_ =	swait.ge [sflag:s20], $0x2000  }
0x35: {  	[sflag:s20] =	ssyncset.done $0x0  }
0x36: {  	[sflag:s20] =	ssyncadd.s32 $0xFFFFE000  }
0x37: {  	[spmem:s10] =	stream.linear.scatter [tilespmem:s19], [sflag:$0x2], $0x2000, $0x38;
	[tilespmem:$0x1A100] =	vst v63  }
0x38: {  	_ =	swait.ge [sflag:s20], $0x2000  }
0x39: {  	[sflag:s20] =	ssyncset.done $0x0  }
0x3a: {  	[sflag:s20] =	ssyncadd.s32 $0xFFFFE000  }
0x3b: {  	[spmem:s11] =	stream.linear.scatter [tilespmem:s19], [sflag:$0x2], $0x2000, $0x38;
	[tilespmem:$0x1A100] =	vst v63  }
0x3c: {  	_ =	swait.ge [sflag:s20], $0x2000  }
0x3d: {  	[sflag:s20] =	ssyncset.done $0x0  }
0x3e: {  	[sflag:s20] =	ssyncadd.s32 $0xFFFFE000  }
0x3f: {  	[spmem:s12] =	stream.linear.scatter [tilespmem:s19], [sflag:$0x2], $0x2000, $0x38;
	[tilespmem:$0x1A100] =	vst v63  }
0x40: {  	_ =	swait.ge [sflag:s20], $0x2000  }
0x41: {  	[sflag:s20] =	ssyncset.done $0x0  }
0x42: {  	[sflag:s20] =	ssyncadd.s32 $0xFFFFE000  }
0x43: {  	[spmem:s13] =	stream.linear.scatter [tilespmem:s19], [sflag:$0x2], $0x2000, $0x38;
	[tilespmem:$0x1A100] =	vst v63  }
0x44: {  	_ =	swait.ge [sflag:s20], $0x2000  }
0x45: {  	[sflag:s20] =	ssyncset.done $0x0  }
0x46: {  	[sflag:s20] =	ssyncadd.s32 $0xFFFFE000  }
0x47: {  	[spmem:s14] =	stream.linear.scatter [tilespmem:s19], [sflag:$0x2], $0x2000, $0x38;
	[tilespmem:$0x1A100] =	vst v63  }
0x48: {  	_ =	swait.ge [sflag:s20], $0x2000  }
0x49: {  	[sflag:s20] =	ssyncset.done $0x0  }
0x4a: {  	[sflag:s20] =	ssyncadd.s32 $0xFFFFE000  }
0x4b: {  	s28 =	sadd.s32 $0x0, s18;
	[bflag:$0x0] =	sbarrier.arrive $0xFFFF  }
0x4c: {  	[tilespmem:s21], [sflag:$0x2] =	stream.linear.gather [hbm4b:s28+s3], $0x80, $0x38;
	[tilespmem:$0x1A100] =	vst v63  }
0x4d: {  	_ =	swait.ge [sflag:s20], $0x80  }
0x4e: {  	[sflag:s20] =	ssyncset.done $0x0  }
0x4f: {  	s28 =	sadd.s32 $0x0, s17;
	[sflag:s20] =	ssyncadd.s32 $0xFFFFFF80  }
0x50: {  	[tilespmem:s22], [sflag:$0x2] =	stream.linear.gather [hbm4b:s28+s3], $0x80, $0x38;
	[tilespmem:$0x1A100] =	vst v63  }
0x51: {  	_ =	swait.ge [sflag:s20], $0x80  }
0x52: {  	[sflag:s20] =	ssyncset.done $0x0  }
0x53: {  	[sflag:s20] =	ssyncadd.s32 $0xFFFFFF80  }
0x54: {  	[tilespmem:s24], [sflag:$0x1] =	stream.indirect.gather [hbm4b:s4+s23], $0x80, s21, s23, $0xb8;
	[tilespmem:$0x1A100] =	vst v63  }
0x55: {  	_ =	swait.ge [sflag:s25], $0x4000  }
0x56: {  	[sflag:s25] =	ssyncset.done $0x0  }
0x57: {  	[sflag:s25] =	ssyncadd.s32 $0xFFFFC000  }
0x58: {  	[spmem:s2] =	stream.indirect.scatter.add.f32 [tilespmem:s24], [sflag:$0x2], $0x80, s22, s23, $0xb8;
	[tilespmem:$0x1A100] =	vst v63  }
0x59: {  	_ =	swait.ge [sflag:s20], $0x4000  }
0x5a: {  	s29 =	simm.s32 $0x20;
	s28 =	simm.s32 $0x10;
	[sflag:s20] =	ssyncset.done $0x0  }
.LBB2_4:
0x5b: {  	s30 =	sadd.s32 s28, s18  }
0x5c: {  	[sflag:s20] =	ssyncadd.s32 $0xFFFFC000;
	s31 =	smov.u32 s29;
	s0 =	sadd.s32 $0x10, s29  }
0x5d: {  	[tilespmem:s21], [sflag:$0x2] =	stream.linear.gather [hbm4b:s30+s3], $0x80, $0x38;
	[tilespmem:$0x1A100] =	vst v63  }
0x5e: {  	p0 =	sne.s32 s29, $0x4E0;
	_ =	swait.ge [sflag:s20], $0x80  }
0x5f: {  	[sflag:s20] =	ssyncset.done $0x0  }
0x60: {  	s29 =	sadd.s32 s28, s17;
	s28 =	smov.u32 s31;
	[sflag:s20] =	ssyncadd.s32 $0xFFFFFF80  }
0x61: {  	[tilespmem:s22], [sflag:$0x2] =	stream.linear.gather [hbm4b:s29+s3], $0x80, $0x38;
	[tilespmem:$0x1A100] =	vst v63  }
0x62: {  	_ =	swait.ge [sflag:s20], $0x80  }
0x63: {  	[sflag:s20] =	ssyncset.done $0x0  }
0x64: {  	[sflag:s20] =	ssyncadd.s32 $0xFFFFFF80  }
0x65: {  	[tilespmem:s24], [sflag:$0x1] =	stream.indirect.gather [hbm4b:s4+s23], $0x80, s21, s23, $0xb8;
	[tilespmem:$0x1A100] =	vst v63  }
0x66: {  	_ =	swait.ge [sflag:s25], $0x4000  }
.Ltmp1:
0x67: {  	[sflag:s25] =	ssyncset.done $0x0;
	(pc) =	sbr.rel @p0 .LBB2_4-.Ltmp1, $4  }
0x68: {  	[sflag:s25] =	ssyncadd.s32 $0xFFFFC000  }
0x69: {  	[spmem:s2] =	stream.indirect.scatter.add.f32 [tilespmem:s24], [sflag:$0x2], $0x80, s22, s23, $0xb8;
	[tilespmem:$0x1A100] =	vst v63  }
0x6a: {  	_ =	swait.ge [sflag:s20], $0x4000  }
0x6b: {  	s29 =	smov.u32 s0;
	[sflag:s20] =	ssyncset.done $0x0  }
0x6c: {  	s0 =	sadd.s32 s28, s18;
	[sflag:s20] =	ssyncadd.s32 $0xFFFFC000  }
0x6d: {  	[tilespmem:s21], [sflag:$0x2] =	stream.linear.gather [hbm4b:s0+s3], $0x80, $0x38;
	[tilespmem:$0x1A100] =	vst v63  }
0x6e: {  	_ =	swait.ge [sflag:s20], $0x80  }
0x6f: {  	[sflag:s20] =	ssyncset.done $0x0  }
0x70: {  	s29 =	sadd.s32 s28, s17;
	[sflag:s20] =	ssyncadd.s32 $0xFFFFFF80  }
0x71: {  	[tilespmem:s22], [sflag:$0x2] =	stream.linear.gather [hbm4b:s29+s3], $0x80, $0x38;
	[tilespmem:$0x1A100] =	vst v63  }
0x72: {  	_ =	swait.ge [sflag:s20], $0x80  }
0x73: {  	[sflag:s20] =	ssyncset.done $0x0  }
0x74: {  	[sflag:s20] =	ssyncadd.s32 $0xFFFFFF80  }
0x75: {  	[tilespmem:s24], [sflag:$0x1] =	stream.indirect.gather [hbm4b:s4+s23], $0x80, s21, s23, $0xb8;
	[tilespmem:$0x1A100] =	vst v63  }
0x76: {  	_ =	swait.ge [sflag:s25], $0x4000  }
0x77: {  	[sflag:s25] =	ssyncset.done $0x0  }
0x78: {  	[sflag:s25] =	ssyncadd.s32 $0xFFFFC000  }
0x79: {  	[spmem:s2] =	stream.indirect.scatter.add.f32 [tilespmem:s24], [sflag:$0x2], $0x80, s22, s23, $0xb8;
	[tilespmem:$0x1A100] =	vst v63  }
0x7a: {  	_ =	swait.ge [sflag:s20], $0x4000  }
0x7b: {  	s30 =	sshll.u32 s1, $0x6;
	s26 =	sadd.s32 $0x1, s26;
	[sflag:s20] =	ssyncset.done $0x0  }
0x7c: {  	s31 =	sshrl.u32 s5, $0x3;
	p0 =	sne.s32 s26, s16;
	[sflag:s20] =	ssyncadd.s32 $0xFFFFC000  }
.Ltmp2:
0x7d: {  	s0 =	sor.u32 $0x1C02, s30;
	[bflag:$0x0] =	sbarrier.arrive $0xFFFF;
	(pc) =	sbr.rel @p0 .LBB2_1-.Ltmp2, $4  }
0x7e: {  	[hbm:s15], [sflag:s0] =	dma.local [spmem:s31], $0x2800  }
0x7f: {  	_ =	swait.ge [sflag:s20], $0x2800  }
0x80: {  	[sflag:s20] =	ssyncset.done $0x0  }
0x81: {  	[sflag:s20] =	ssyncadd.s32 $0xFFFFD800  }
0x82: {  	_ =	sfence.sel $0x180000  }
0x83: {  	[bflag:$0x0] =	sbarrier.arrive $0xFFFF  }
0x84: {  	_ =	strace $0x9000004D  }
0x85: {  	[bflag:$0x2] =	sbarrier.arrive $0xFFFF  }
0x86: {  	p0 =	sne.s32 s1, $0x0;
	s0 =	rddreg [dreg:$0x3]  }
0x87: {  	s0 =	sadd.s32 @!p0 $0x100000, s0  }
0x88: {  	[sflag:s0] =	ssyncadd.tile.s32 @!p0 $0x1;
	_ =	shalt  }
.Lfunc_end2:
_tile_overlayer_lowered:
.L_overlay_start_2:
0x89: {  	(tag) =	ssettag $0x2  }
0x8a: {  	s0 =	rddreg [dreg:$0x0];
	s2 =	stileid.u32  }
0x8b: {  	s1 =	rddreg [dreg:$0x1];
	p0 =	sne.s32 s2, $0x0  }
0x8c: {  	s3 =	rddreg [dreg:$0x2];
	[bflag:$0x3] =	sbarrier.arrive $0xFFFF;
	s2 =	simm.s32 @!p0 $0x1C02  }
0x8d: {  	[timem:s3], [sflag:s2] =	dma.local @!p0 [hbm:s0], s1  }
0x8e: {  	s0 =	simm.s32 @!p0 $0x2  }
0x8f: {  	_ =	swait.ge @!p0 [sflag:s0], s1  }
0x90: {  	s1 =	ssub.s32 @!p0 $0x0, s1;
	[sflag:s0] =	ssyncset.done @!p0 $0x0  }
0x91: {  	[sflag:s0] =	ssyncadd.s32 @!p0 s1  }
0x92: {  	[bflag:$0x3] =	sbarrier.arrive $0xFFFF  }
0x93: {  	_ =	shalt  }

// kernel: kernel.21.cloned.1.call-start
scs
__scs_entry_jumppad:
0x0: {  	(pc) =	sbr.rel $0x88, $3  }
0x1: {  	(tag) =	ssettag $0x0;
	lr =	simm.s32 $0x1  }
0x2: {  	[smem:$0x3F9B] =	sst lr;
	_ =	strace $0xD0000000  }
0x3: {  	_ = 	snop  }
0x4: {  	_ = 	snop  }
0x5: {  	_ = 	snop  }
0x6: {  	_ = 	snop  }
0x7: {  	_ = 	snop  }
__scs_overlays_trampoline_lowered:
0x8: {  	[smem:$0x3FAA] =	sst s0  }
0x9: {  	[smem:$0x3FAB] =	sst s1  }
0xa: {  	[smem:$0x3FAC] =	sst s2  }
0xb: {  	[smem:$0x3FAD] =	sst s3  }
0xc: {  	[smem:$0x3FAE] =	sst s4  }
0xd: {  	[smem:$0x3FAF] =	sst s5  }
0xe: {  	[smem:$0x3FB0] =	sst s6  }
0xf: {  	[smem:$0x3FB1] =	sst s7  }
0x10: {  	[smem:$0x3FB2] =	sst s8  }
0x11: {  	[smem:$0x3FB3] =	sst s9;
	s0 =	simm.s32 @!p0 $0x0  }
0x12: {  	s1 =	sld [smem:$0x3F99];
	s0 =	simm.s32 @p0 $0x1  }
0x13: {  	[smem:$0x3FB4] =	sst s0;
	s0 =	simm.s32 @!p1 $0x0  }
0x14: {  	s2 =	sld [smem:$0x3F98];
	s0 =	simm.s32 @p1 $0x1  }
0x15: {  	[smem:$0x3FB5] =	sst s0;
	s0 =	simm.s32 @!p2 $0x0  }
0x16: {  	s3 =	sld [smem:$0x3FDB];
	s0 =	simm.s32 @p2 $0x1  }
0x17: {  	s4 =	simm.s32 $0x1BF5;
	[smem:$0x3FB7] =	sst s0  }
0x18: {  	s0 =	sld [smem:$0x3F9A];
	_ =	swait.ge [sflag:s4], $0x0  }
0x19: {  	s7 =	sld [smem:$0x3F9B]  }
0x1a: {  	s8 =	sadd.s32 $0xFFFFE003, lr  }
0x1b: {  	s9 =	sadd.s32 $0xFFFFFEF7, lr;
	s5 =	simm.s32 $0xFFFFFFFF;
	p2 =	slt.u32 s8, $0xFFFFF086  }
0x1c: {  	p1 =	slt.u32 s9, $0xF7A;
	s5 =	simm.s32 @!p2 $0x0  }
0x1d: {  	s5 =	simm.s32 @p1 $0x1;
	p0 =	seq.s32 s7, s2  }
0x1e: {  	s7 =	smul.u32 @!p0 $0xF7A, s2;
	p2 =	seq.s32 @!p0 s5, $0x0  }
0x1f: {  	s9 =	smul.u32 $0xF7A, s1;
	s8 =	simm.s32 @!p0 $0x1BF5;
	p2 =	por !p2, p0  }
0x20: {  	[sflag:s8] =	ssyncset.s32 @!p0 $0xFFFFF086;
	s6 =	sadd.s32 @!p0 s3, s7;
	s7 =	simm.s32 @!p0 $0x108  }
0x21: {  	s3 =	sadd.s32 s3, s9;
	s6 =	sadd.s32 @!p0 $0x88, s6;
	s7 =	simm.s32 @p2 $0x1082  }
0x22: {  	[simem:s7], [sflag:s8] =	dma.local @!p0 [hbm:s6], $0xF7A  }
0x23: {  	s9 =	sor.u32 $0xD0000000, s2;
	s6 =	simm.s32 $0x108;
	_ =	swait.ge @!p0 [sflag:s8], $0x0  }
0x24: {  	s3 =	sadd.s32 $0x88, s3;
	s6 =	simm.s32 @!p1 $0x1082;
	[sflag:s4] =	ssyncset.s32 $0xFFFFF086  }
0x25: {  	[simem:s6], [sflag:s4] =	dma.local [hbm:s3], $0xF7A  }
0x26: {  	[smem:$0x3F9B] =	sst s1;
	(tag) =	ssettag s2;
	_ =	strace s9  }
0x27: {  	s1 =	sld [smem:$0x3FAB]  }
0x28: {  	s2 =	sld [smem:$0x3FAC]  }
0x29: {  	s4 =	sld [smem:$0x3FAE]  }
0x2a: {  	p0 =	seq.s32 s5, $0x0;
	s5 =	sld [smem:$0x3FAF]  }
0x2b: {  	s6 =	sld [smem:$0x3FB0]  }
0x2c: {  	s7 =	sld [smem:$0x3FB1]  }
0x2d: {  	s3 =	simm.s32 $0x108;
	s8 =	sld [smem:$0x3FB2]  }
0x2e: {  	s3 =	simm.s32 @!p0 $0x1082;
	s9 =	sld [smem:$0x3FB3]  }
0x2f: {  	lr =	sadd.s32 s0, s3;
	s0 =	sld [smem:$0x3FAA]  }
0x30: {  	s3 =	sld [smem:$0x3FAD]  }
0x31: {  	[smem:$0x3FB6] =	sst s10  }
0x32: {  	s10 =	sld [smem:$0x3FB4];
	_ =	sdelay $0x3  }
0x33: {  	p0 =	seq.s32 s10, $0x1;
	s10 =	sld [smem:$0x3FB6];
	_ =	sdelay $0x3  }
0x34: {  	[smem:$0x3FB6] =	sst s10  }
0x35: {  	s10 =	sld [smem:$0x3FB5];
	_ =	sdelay $0x3  }
0x36: {  	p1 =	seq.s32 s10, $0x1;
	s10 =	sld [smem:$0x3FB6];
	_ =	sdelay $0x3  }
0x37: {  	[smem:$0x3FB6] =	sst s10  }
0x38: {  	s10 =	sld [smem:$0x3FB7]  }
0x39: {  	_ = 	snop;
	(pc) =	sbr.ind lr, $3  }
0x3a: {  	_ = 	snop  }
0x3b: {  	_ = 	snop  }
0x3c: {  	p2 =	seq.s32 s10, $0x1;
	s10 =	sld [smem:$0x3FB6]  }
0x3d: {  	_ =	shalt  }
0x3e: {  	_ =	shalt  }
0x3f: {  	_ =	shalt  }
0x40: {  	_ =	shalt  }
0x41: {  	_ =	shalt  }
0x42: {  	_ =	shalt  }
0x43: {  	_ =	shalt  }
0x44: {  	_ =	shalt  }
0x45: {  	_ =	shalt  }
0x46: {  	_ =	shalt  }
0x47: {  	_ =	shalt  }
0x48: {  	_ =	shalt  }
0x49: {  	_ =	shalt  }
0x4a: {  	_ =	shalt  }
0x4b: {  	_ =	shalt  }
0x4c: {  	_ =	shalt  }
0x4d: {  	_ =	shalt  }
0x4e: {  	_ =	shalt  }
0x4f: {  	_ =	shalt  }
0x50: {  	_ =	shalt  }
0x51: {  	_ =	shalt  }
0x52: {  	_ =	shalt  }
0x53: {  	_ =	shalt  }
0x54: {  	_ =	shalt  }
0x55: {  	_ =	shalt  }
0x56: {  	_ =	shalt  }
0x57: {  	_ =	shalt  }
0x58: {  	_ =	shalt  }
0x59: {  	_ =	shalt  }
0x5a: {  	_ =	shalt  }
0x5b: {  	_ =	shalt  }
0x5c: {  	_ =	shalt  }
0x5d: {  	_ =	shalt  }
0x5e: {  	_ =	shalt  }
0x5f: {  	_ =	shalt  }
0x60: {  	_ =	shalt  }
0x61: {  	_ =	shalt  }
0x62: {  	_ =	shalt  }
0x63: {  	_ =	shalt  }
0x64: {  	_ =	shalt  }
0x65: {  	_ =	shalt  }
0x66: {  	_ =	shalt  }
0x67: {  	_ =	shalt  }
0x68: {  	_ =	shalt  }
0x69: {  	_ =	shalt  }
0x6a: {  	_ =	shalt  }
0x6b: {  	_ =	shalt  }
0x6c: {  	_ =	shalt  }
0x6d: {  	_ =	shalt  }
0x6e: {  	_ =	shalt  }
0x6f: {  	_ =	shalt  }
0x70: {  	_ =	shalt  }
0x71: {  	_ =	shalt  }
0x72: {  	_ =	shalt  }
0x73: {  	_ =	shalt  }
0x74: {  	_ =	shalt  }
0x75: {  	_ =	shalt  }
0x76: {  	_ =	shalt  }
0x77: {  	_ =	shalt  }
0x78: {  	_ =	shalt  }
0x79: {  	_ =	shalt  }
0x7a: {  	_ =	shalt  }
0x7b: {  	_ =	shalt  }
0x7c: {  	_ =	shalt  }
0x7d: {  	_ =	shalt  }
0x7e: {  	_ =	shalt  }
0x7f: {  	_ =	shalt  }
0x80: {  	_ =	shalt  }
0x81: {  	_ =	shalt  }
0x82: {  	_ =	shalt  }
0x83: {  	_ =	shalt  }
0x84: {  	_ =	shalt  }
0x85: {  	_ =	shalt  }
0x86: {  	_ =	shalt  }
0x87: {  	_ =	shalt  }
.Lfunc_end0:
.L_simem_size_0:
called_computation.3_lowered:
.L_overlay_start_0:
0x88: {  	s2 =	sld [smem:$0x3FD9]  }
0x89: {  	s3 =	sld [smem:$0x3FFE];
	_ =	sdelay $0x1  }
0x8a: {  	s1 =	srdreg.scid  }
0x8b: {  	s0 =	sand.u32 $0x1, s1  }
0x8c: {  	s17 =	sshll.u32 s0, $0xA;
	s2 =	sadd.s32 s3, s2  }
0x8d: {  	s2 =	sadd.s32 s2, s17  }
0x8e: {  	[smem:$0x3FC2] =	sst s2  }
0x8f: {  	_ = 	snop  }
0x90: {  	s2 =	sld [smem:$0x3FD0];
	(tm) =	ssettm $0x1  }
0x91: {  	s18 =	sld [smem:$0x3FFB];
	_ =	sdelay $0x3  }
0x92: {  	_ =	strace s18  }
0x93: {  	s3 =	sld [smem:$0x3FFC];
	_ =	sdelay $0x3  }
0x94: {  	_ =	strace s3  }
0x95: {  	s3 =	sld [smem:$0x3FFD];
	_ =	sdelay $0x3  }
0x96: {  	_ =	strace s3  }
0x97: {  	_ =	strace $0x8FFFFFFF  }
0x98: {  	s19 =	sld [smem:$0x3FDB];
	_ =	sdelay $0x1  }
0x99: {  	s4 =	simm.s32 $_scs_section_size  }
0x9a: {  	s5 =	simm.s32 $_size__tile_overlayer_lowered;
	s6 =	simm.s32 $_tile_overlayer_lowered  }
0x9b: {  	s22 =	simm.s32 $0x1BFF;
	s21 =	sshll.u32 s6, $0x1;
	s3 =	sadd.s32 s4, s19  }
0x9c: {  	s7 =	simm.s32 $0x0;
	s20 =	sshll.u32 s5, $0x1;
	s5 =	sadd.s32 s21, s3  }
0x9d: {  	[timem:s7], [sflag:s22] =	dma.local [hbm:s5], s20  }
0x9e: {  	_ =	swait.ge [sflag:s22], s20  }
0x9f: {  	s4 =	ssub.s32 $0x0, s20;
	[sflag:s22] =	ssyncset.done $0x0  }
0xa0: {  	[sflag:s22] =	ssyncadd.s32 s4;
	_ =	sdelay $0x1  }
0xa1: {  	s23 =	simm.s32 $0x1B8B  }
0xa2: {  	_ =	swait.ge [sflag:s23], $0x1  }
0xa3: {  	[sflag:s23] =	ssyncset.done $0x0  }
0xa4: {  	s25 =	simm.s32 $0x1B8E;
	s24 =	sld [smem:$0x3FFE];
	[sflag:s23] =	ssyncadd.s32 $0xFFFFFFFF  }
0xa5: {  	s26 =	simm.s32 $execute0_lowered;
	[smem:$0x3FD2] =	sst s25  }
0xa6: {  	s5 =	sshll.u32 s26, $0x1;
	_ =	strace $0x8000004F;
	[dreg:$0x1] =	wrdreg $0xFFFFFFFF  }
0xa7: {  	s28 =	simm.s32 $_size_execute0_lowered;
	s3 =	sadd.s32 s3, s5;
	[dreg:$0x0] =	wrdreg $0x0  }
0xa8: {  	s5 =	sshll.u32 s28, $0x1;
	[dreg:$0x2] =	wrdreg s3  }
0xa9: {  	[dreg:$0x3] =	wrdreg s5  }
0xaa: {  	[dreg:$0x4] =	wrdreg $0xC0  }
0xab: {  	_ =	task [dreg:s7], $0x5FFFF  }
0xac: {  	[dreg:$0x1] =	wrdreg $0xFFFFFFFF  }
0xad: {  	[dreg:$0x0] =	wrdreg $0x60  }
0xae: {  	[dreg:$0x2] =	wrdreg s24  }
0xaf: {  	[dreg:$0x3] =	wrdreg s2  }
0xb0: {  	[dreg:$0x4] =	wrdreg $0x0  }
0xb1: {  	[dreg:$0x5] =	wrdreg $0x9  }
0xb2: {  	_ =	task.clear_ibuf [dreg:s7], $0x6FFFF;
	_ =	strace $0x9000004F  }
0xb3: {  	s29 =	simm.s32 $0x9;
	_ =	strace $0x80000051  }
0xb4: {  	_ =	swait.ge [sflag:s29], $0x1  }
0xb5: {  	[sflag:s29] =	ssyncadd.s32 $0xFFFFFFFF  }
0xb6: {  	_ =	strace $0x90000051  }
0xb7: {  	_ =	sfence  }
0xb8: {  	s30 =	sld [smem:$0x0];
	_ =	sdelay $0x2  }
0xb9: {  	s31 =	sshll.u32 s1, $0xD;
	s1 =	sshrl.u32 s1, $0x2  }
0xba: {  	s3 =	sand.u32 $0x4000, s31;
	s1 =	sadd.s32 s1, s30  }
0xbb: {  	s0 =	sor.u32 s3, s0;
	s1 =	sshll.u32 s1, $0x11  }
0xbc: {  	s0 =	sor.u32 s1, s0  }
0xbd: {  	s0 =	sadd.s32 $0x8F2B, s0  }
0xbe: {  	[sflag:s0] =	ssyncadd.remote.s32 $0x1  }
0xbf: {  	_ =	sfence.sel $0xFFFF  }
0xc0: {  	[dreg:$0x0] =	wrdreg $0xFFFFFFFF;
	(pc) =	sbr.abs _section_cstart, $3  }
0xc1: {  	[dreg:$0x1] =	wrdreg $0xFFFFFFFF  }
0xc2: {  	_ =	task.clear_ibuf [dreg:s7], $0x2FFFF;
	_ =	strace $0x9FFFFFFF  }
0xc3: {  	(tm) =	ssettm $0x7FFFFFFF  }
tec
execute0_lowered:
.L_overlay_start_1:
0x0: {  	(tag) =	ssettag $0x1  }
0x1: {  	s5 =	rddreg [dreg:$0x0]  }
0x2: {  	s16 =	rddreg [dreg:$0x1]  }
0x3: {  	s2 =	rddreg [dreg:$0x2];
	s1 =	stileid.u32  }
0x4: {  	s4 =	srdreg.scid;
	s3 =	simm.s32 $0x0;
	s21 =	simm.s32 $0x14000  }
0x5: {  	s22 =	simm.s32 $0x14080;
	s23 =	simm.s32 $0x80;
	s17 =	smul.u32 $0x9E0, s1  }
0x6: {  	s24 =	simm.s32 $0x14100;
	s25 =	simm.s32 $0x1;
	s6 =	smul.u32 $0x2800, s1  }
0x7: {  	s26 =	simm.s32 $0x0;
	s14 =	sand.u32 $0x1, s4;
	s8 =	smul.u32 $0x50000, s1  }
0x8: {  	[smem:$0x7FF] =	sst s3;
	s4 =	sadd.s32 $0x2200, s5;
	s7 =	smul.u32 $0x28000, s14  }
0x9: {  	_ =	strace $0x80000050;
	s9 =	ssub.s32 $0x2, s14;
	s20 =	smul.u32 $0x4F0, s14  }
0xa: {  	s18 =	sadd.s32 s17, s5;
	s31 =	sshrl.u32 s9, $0x1;
	s8 =	sshrl.u32 s8, $0x2  }
0xb: {  	s17 =	sadd.s32 s17, s16;
	s6 =	sadd.s32 s6, s7;
	s19 =	ssub.s32 s9, s31  }
0xc: {  	s17 =	sadd.s32 s20, s17;
	s18 =	sadd.s32 s20, s18;
	s20 =	simm.s32 $0x2  }
0xd: {  	s15 =	sadd.s32 s6, s5;
	s5 =	sadd.s32 s8, s2;
	s16 =	smax.u32 s19, $0x1  }
0xe: {  	s18 =	sadd.s32 $0x52A00, s18;
	s19 =	simm.s32 $0x18100;
	s6 =	sadd.s32 $0x2000, s5  }
0xf: {  	s7 =	sadd.s32 $0x4000, s5;
	s8 =	sadd.s32 $0x6000, s5;
	s9 =	sadd.s32 $0x8000, s5  }
0x10: {  	s10 =	sadd.s32 $0xA000, s5;
	s11 =	sadd.s32 $0xC000, s5;
	s12 =	sadd.s32 $0xE000, s5  }
0x11: {  	v0 =	vimm.f32 $0.0e+00;
	s13 =	sadd.s32 $0x10000, s5;
	s14 =	sadd.s32 $0x12000, s5;
	s15 =	sadd.s32 $0x5C800, s15  }
.LBB2_1:
0x12: {  	s28 =	simm.s32 $0x0;
	s29 =	simm.s32 $0x200  }
.LBB2_2:
0x13: {  	p0 =	sne.s32 s29, $0x7E00;
	[tilespmem:s28+$0x18170] =	vst v0  }
0x14: {  	[tilespmem:s28+$0x18100] =	vst v0  }
0x15: {  	[tilespmem:s28+$0x18110] =	vst v0  }
.Ltmp0:
0x16: {  	[tilespmem:s28+$0x18120] =	vst v0;
	(pc) =	sbr.rel @p0 .LBB2_2-.Ltmp0, $4  }
0x17: {  	[tilespmem:s28+$0x18130] =	vst v0  }
0x18: {  	[tilespmem:s28+$0x18140] =	vst v0  }
0x19: {  	[tilespmem:s28+$0x18150] =	vst v0  }
0x1a: {  	[tilespmem:s28+$0x18160] =	vst v0;
	s28 =	sshra.s32 s29, $0x2;
	s29 =	sadd.s32 $0x200, s29  }
0x1b: {  	[tilespmem:s28+$0x18170] =	vst v0  }
0x1c: {  	[tilespmem:s28+$0x18100] =	vst v0  }
0x1d: {  	[tilespmem:s28+$0x18110] =	vst v0  }
0x1e: {  	[tilespmem:s28+$0x18120] =	vst v0  }
0x1f: {  	[tilespmem:s28+$0x18130] =	vst v0  }
0x20: {  	[tilespmem:s28+$0x18140] =	vst v0  }
0x21: {  	[tilespmem:s28+$0x18150] =	vst v0  }
0x22: {  	[tilespmem:s28+$0x18160] =	vst v0  }
0x23: {  	[spmem:s5] =	stream.linear.scatter [tilespmem:s19], [sflag:$0x2], $0x2000, $0x38;
	[tilespmem:$0x1A100] =	vst v63  }
0x24: {  	_ =	swait.ge [sflag:s20], $0x2000  }
0x25: {  	[sflag:s20] =	ssyncset.done $0x0  }
0x26: {  	[sflag:s20] =	ssyncadd.s32 $0xFFFFE000  }
0x27: {  	[spmem:s6] =	stream.linear.scatter [tilespmem:s19], [sflag:$0x2], $0x2000, $0x38;
	[tilespmem:$0x1A100] =	vst v63  }
0x28: {  	_ =	swait.ge [sflag:s20], $0x2000  }
0x29: {  	[sflag:s20] =	ssyncset.done $0x0  }
0x2a: {  	[sflag:s20] =	ssyncadd.s32 $0xFFFFE000  }
0x2b: {  	[spmem:s7] =	stream.linear.scatter [tilespmem:s19], [sflag:$0x2], $0x2000, $0x38;
	[tilespmem:$0x1A100] =	vst v63  }
0x2c: {  	_ =	swait.ge [sflag:s20], $0x2000  }
0x2d: {  	[sflag:s20] =	ssyncset.done $0x0  }
0x2e: {  	[sflag:s20] =	ssyncadd.s32 $0xFFFFE000  }
0x2f: {  	[spmem:s8] =	stream.linear.scatter [tilespmem:s19], [sflag:$0x2], $0x2000, $0x38;
	[tilespmem:$0x1A100] =	vst v63  }
0x30: {  	_ =	swait.ge [sflag:s20], $0x2000  }
0x31: {  	[sflag:s20] =	ssyncset.done $0x0  }
0x32: {  	[sflag:s20] =	ssyncadd.s32 $0xFFFFE000  }
0x33: {  	[spmem:s9] =	stream.linear.scatter [tilespmem:s19], [sflag:$0x2], $0x2000, $0x38;
	[tilespmem:$0x1A100] =	vst v63  }
0x34: {  	_ =	swait.ge [sflag:s20], $0x2000  }
0x35: {  	[sflag:s20] =	ssyncset.done $0x0  }
0x36: {  	[sflag:s20] =	ssyncadd.s32 $0xFFFFE000  }
0x37: {  	[spmem:s10] =	stream.linear.scatter [tilespmem:s19], [sflag:$0x2], $0x2000, $0x38;
	[tilespmem:$0x1A100] =	vst v63  }
0x38: {  	_ =	swait.ge [sflag:s20], $0x2000  }
0x39: {  	[sflag:s20] =	ssyncset.done $0x0  }
0x3a: {  	[sflag:s20] =	ssyncadd.s32 $0xFFFFE000  }
0x3b: {  	[spmem:s11] =	stream.linear.scatter [tilespmem:s19], [sflag:$0x2], $0x2000, $0x38;
	[tilespmem:$0x1A100] =	vst v63  }
0x3c: {  	_ =	swait.ge [sflag:s20], $0x2000  }
0x3d: {  	[sflag:s20] =	ssyncset.done $0x0  }
0x3e: {  	[sflag:s20] =	ssyncadd.s32 $0xFFFFE000  }
0x3f: {  	[spmem:s12] =	stream.linear.scatter [tilespmem:s19], [sflag:$0x2], $0x2000, $0x38;
	[tilespmem:$0x1A100] =	vst v63  }
0x40: {  	_ =	swait.ge [sflag:s20], $0x2000  }
0x41: {  	[sflag:s20] =	ssyncset.done $0x0  }
0x42: {  	[sflag:s20] =	ssyncadd.s32 $0xFFFFE000  }
0x43: {  	[spmem:s13] =	stream.linear.scatter [tilespmem:s19], [sflag:$0x2], $0x2000, $0x38;
	[tilespmem:$0x1A100] =	vst v63  }
0x44: {  	_ =	swait.ge [sflag:s20], $0x2000  }
0x45: {  	[sflag:s20] =	ssyncset.done $0x0  }
0x46: {  	[sflag:s20] =	ssyncadd.s32 $0xFFFFE000  }
0x47: {  	[spmem:s14] =	stream.linear.scatter [tilespmem:s19], [sflag:$0x2], $0x2000, $0x38;
	[tilespmem:$0x1A100] =	vst v63  }
0x48: {  	_ =	swait.ge [sflag:s20], $0x2000  }
0x49: {  	[sflag:s20] =	ssyncset.done $0x0  }
0x4a: {  	[sflag:s20] =	ssyncadd.s32 $0xFFFFE000  }
0x4b: {  	s28 =	sadd.s32 $0x0, s18;
	[bflag:$0x0] =	sbarrier.arrive $0xFFFF  }
0x4c: {  	[tilespmem:s21], [sflag:$0x2] =	stream.linear.gather [hbm4b:s28+s3], $0x80, $0x38;
	[tilespmem:$0x1A100] =	vst v63  }
0x4d: {  	_ =	swait.ge [sflag:s20], $0x80  }
0x4e: {  	[sflag:s20] =	ssyncset.done $0x0  }
0x4f: {  	s28 =	sadd.s32 $0x0, s17;
	[sflag:s20] =	ssyncadd.s32 $0xFFFFFF80  }
0x50: {  	[tilespmem:s22], [sflag:$0x2] =	stream.linear.gather [hbm4b:s28+s3], $0x80, $0x38;
	[tilespmem:$0x1A100] =	vst v63  }
0x51: {  	_ =	swait.ge [sflag:s20], $0x80  }
0x52: {  	[sflag:s20] =	ssyncset.done $0x0  }
0x53: {  	[sflag:s20] =	ssyncadd.s32 $0xFFFFFF80  }
0x54: {  	[tilespmem:s24], [sflag:$0x1] =	stream.indirect.gather [hbm4b:s4+s23], $0x80, s21, s23, $0xb8;
	[tilespmem:$0x1A100] =	vst v63  }
0x55: {  	_ =	swait.ge [sflag:s25], $0x4000  }
0x56: {  	[sflag:s25] =	ssyncset.done $0x0  }
0x57: {  	[sflag:s25] =	ssyncadd.s32 $0xFFFFC000  }
0x58: {  	[spmem:s2] =	stream.indirect.scatter.add.f32 [tilespmem:s24], [sflag:$0x2], $0x80, s22, s23, $0xb8;
	[tilespmem:$0x1A100] =	vst v63  }
0x59: {  	_ =	swait.ge [sflag:s20], $0x4000  }
0x5a: {  	s29 =	simm.s32 $0x20;
	s28 =	simm.s32 $0x10;
	[sflag:s20] =	ssyncset.done $0x0  }
.LBB2_4:
0x5b: {  	s30 =	sadd.s32 s28, s18  }
0x5c: {  	[sflag:s20] =	ssyncadd.s32 $0xFFFFC000;
	s31 =	smov.u32 s29;
	s0 =	sadd.s32 $0x10, s29  }
0x5d: {  	[tilespmem:s21], [sflag:$0x2] =	stream.linear.gather [hbm4b:s30+s3], $0x80, $0x38;
	[tilespmem:$0x1A100] =	vst v63  }
0x5e: {  	p0 =	sne.s32 s29, $0x4E0;
	_ =	swait.ge [sflag:s20], $0x80  }
0x5f: {  	[sflag:s20] =	ssyncset.done $0x0  }
0x60: {  	s29 =	sadd.s32 s28, s17;
	s28 =	smov.u32 s31;
	[sflag:s20] =	ssyncadd.s32 $0xFFFFFF80  }
0x61: {  	[tilespmem:s22], [sflag:$0x2] =	stream.linear.gather [hbm4b:s29+s3], $0x80, $0x38;
	[tilespmem:$0x1A100] =	vst v63  }
0x62: {  	_ =	swait.ge [sflag:s20], $0x80  }
0x63: {  	[sflag:s20] =	ssyncset.done $0x0  }
0x64: {  	[sflag:s20] =	ssyncadd.s32 $0xFFFFFF80  }
0x65: {  	[tilespmem:s24], [sflag:$0x1] =	stream.indirect.gather [hbm4b:s4+s23], $0x80, s21, s23, $0xb8;
	[tilespmem:$0x1A100] =	vst v63  }
0x66: {  	_ =	swait.ge [sflag:s25], $0x4000  }
.Ltmp1:
0x67: {  	[sflag:s25] =	ssyncset.done $0x0;
	(pc) =	sbr.rel @p0 .LBB2_4-.Ltmp1, $4  }
0x68: {  	[sflag:s25] =	ssyncadd.s32 $0xFFFFC000  }
0x69: {  	[spmem:s2] =	stream.indirect.scatter.add.f32 [tilespmem:s24], [sflag:$0x2], $0x80, s22, s23, $0xb8;
	[tilespmem:$0x1A100] =	vst v63  }
0x6a: {  	_ =	swait.ge [sflag:s20], $0x4000  }
0x6b: {  	s29 =	smov.u32 s0;
	[sflag:s20] =	ssyncset.done $0x0  }
0x6c: {  	s0 =	sadd.s32 s28, s18;
	[sflag:s20] =	ssyncadd.s32 $0xFFFFC000  }
0x6d: {  	[tilespmem:s21], [sflag:$0x2] =	stream.linear.gather [hbm4b:s0+s3], $0x80, $0x38;
	[tilespmem:$0x1A100] =	vst v63  }
0x6e: {  	_ =	swait.ge [sflag:s20], $0x80  }
0x6f: {  	[sflag:s20] =	ssyncset.done $0x0  }
0x70: {  	s29 =	sadd.s32 s28, s17;
	[sflag:s20] =	ssyncadd.s32 $0xFFFFFF80  }
0x71: {  	[tilespmem:s22], [sflag:$0x2] =	stream.linear.gather [hbm4b:s29+s3], $0x80, $0x38;
	[tilespmem:$0x1A100] =	vst v63  }
0x72: {  	_ =	swait.ge [sflag:s20], $0x80  }
0x73: {  	[sflag:s20] =	ssyncset.done $0x0  }
0x74: {  	[sflag:s20] =	ssyncadd.s32 $0xFFFFFF80  }
0x75: {  	[tilespmem:s24], [sflag:$0x1] =	stream.indirect.gather [hbm4b:s4+s23], $0x80, s21, s23, $0xb8;
	[tilespmem:$0x1A100] =	vst v63  }
0x76: {  	_ =	swait.ge [sflag:s25], $0x4000  }
0x77: {  	[sflag:s25] =	ssyncset.done $0x0  }
0x78: {  	[sflag:s25] =	ssyncadd.s32 $0xFFFFC000  }
0x79: {  	[spmem:s2] =	stream.indirect.scatter.add.f32 [tilespmem:s24], [sflag:$0x2], $0x80, s22, s23, $0xb8;
	[tilespmem:$0x1A100] =	vst v63  }
0x7a: {  	_ =	swait.ge [sflag:s20], $0x4000  }
0x7b: {  	s30 =	sshll.u32 s1, $0x6;
	s26 =	sadd.s32 $0x1, s26;
	[sflag:s20] =	ssyncset.done $0x0  }
0x7c: {  	s31 =	sshrl.u32 s5, $0x3;
	p0 =	sne.s32 s26, s16;
	[sflag:s20] =	ssyncadd.s32 $0xFFFFC000  }
.Ltmp2:
0x7d: {  	s0 =	sor.u32 $0x1C02, s30;
	[bflag:$0x0] =	sbarrier.arrive $0xFFFF;
	(pc) =	sbr.rel @p0 .LBB2_1-.Ltmp2, $4  }
0x7e: {  	[hbm:s15], [sflag:s0] =	dma.local [spmem:s31], $0x2800  }
0x7f: {  	_ =	swait.ge [sflag:s20], $0x2800  }
0x80: {  	[sflag:s20] =	ssyncset.done $0x0  }
0x81: {  	[sflag:s20] =	ssyncadd.s32 $0xFFFFD800  }
0x82: {  	_ =	sfence.sel $0x180000  }
0x83: {  	[bflag:$0x0] =	sbarrier.arrive $0xFFFF  }
0x84: {  	_ =	strace $0x90000050  }
0x85: {  	[bflag:$0x2] =	sbarrier.arrive $0xFFFF  }
0x86: {  	p0 =	sne.s32 s1, $0x0;
	s0 =	rddreg [dreg:$0x3]  }
0x87: {  	s0 =	sadd.s32 @!p0 $0x100000, s0  }
0x88: {  	[sflag:s0] =	ssyncadd.tile.s32 @!p0 $0x1;
	_ =	shalt  }
.Lfunc_end2:
_tile_overlayer_lowered:
.L_overlay_start_2:
0x89: {  	(tag) =	ssettag $0x2  }
0x8a: {  	s0 =	rddreg [dreg:$0x0];
	s2 =	stileid.u32  }
0x8b: {  	s1 =	rddreg [dreg:$0x1];
	p0 =	sne.s32 s2, $0x0  }
0x8c: {  	s3 =	rddreg [dreg:$0x2];
	[bflag:$0x3] =	sbarrier.arrive $0xFFFF;
	s2 =	simm.s32 @!p0 $0x1C02  }
0x8d: {  	[timem:s3], [sflag:s2] =	dma.local @!p0 [hbm:s0], s1  }
0x8e: {  	s0 =	simm.s32 @!p0 $0x2  }
0x8f: {  	_ =	swait.ge @!p0 [sflag:s0], s1  }
0x90: {  	s1 =	ssub.s32 @!p0 $0x0, s1;
	[sflag:s0] =	ssyncset.done @!p0 $0x0  }
0x91: {  	[sflag:s0] =	ssyncadd.s32 @!p0 s1  }
0x92: {  	[bflag:$0x3] =	sbarrier.arrive $0xFFFF  }
0x93: {  	_ =	shalt  }

// kernel: kernel.24.cloned.1.call-start
scs
__scs_entry_jumppad:
0x0: {  	(pc) =	sbr.rel $0x88, $3  }
0x1: {  	(tag) =	ssettag $0x0;
	lr =	simm.s32 $0x1  }
0x2: {  	[smem:$0x3F9B] =	sst lr;
	_ =	strace $0xD0000000  }
0x3: {  	_ = 	snop  }
0x4: {  	_ = 	snop  }
0x5: {  	_ = 	snop  }
0x6: {  	_ = 	snop  }
0x7: {  	_ = 	snop  }
__scs_overlays_trampoline_lowered:
0x8: {  	[smem:$0x3FAA] =	sst s0  }
0x9: {  	[smem:$0x3FAB] =	sst s1  }
0xa: {  	[smem:$0x3FAC] =	sst s2  }
0xb: {  	[smem:$0x3FAD] =	sst s3  }
0xc: {  	[smem:$0x3FAE] =	sst s4  }
0xd: {  	[smem:$0x3FAF] =	sst s5  }
0xe: {  	[smem:$0x3FB0] =	sst s6  }
0xf: {  	[smem:$0x3FB1] =	sst s7  }
0x10: {  	[smem:$0x3FB2] =	sst s8  }
0x11: {  	[smem:$0x3FB3] =	sst s9;
	s0 =	simm.s32 @!p0 $0x0  }
0x12: {  	s1 =	sld [smem:$0x3F99];
	s0 =	simm.s32 @p0 $0x1  }
0x13: {  	[smem:$0x3FB4] =	sst s0;
	s0 =	simm.s32 @!p1 $0x0  }
0x14: {  	s2 =	sld [smem:$0x3F98];
	s0 =	simm.s32 @p1 $0x1  }
0x15: {  	[smem:$0x3FB5] =	sst s0;
	s0 =	simm.s32 @!p2 $0x0  }
0x16: {  	s3 =	sld [smem:$0x3FDB];
	s0 =	simm.s32 @p2 $0x1  }
0x17: {  	s4 =	simm.s32 $0x1BF5;
	[smem:$0x3FB7] =	sst s0  }
0x18: {  	s0 =	sld [smem:$0x3F9A];
	_ =	swait.ge [sflag:s4], $0x0  }
0x19: {  	s7 =	sld [smem:$0x3F9B]  }
0x1a: {  	s8 =	sadd.s32 $0xFFFFE003, lr  }
0x1b: {  	s9 =	sadd.s32 $0xFFFFFEF7, lr;
	s5 =	simm.s32 $0xFFFFFFFF;
	p2 =	slt.u32 s8, $0xFFFFF086  }
0x1c: {  	p1 =	slt.u32 s9, $0xF7A;
	s5 =	simm.s32 @!p2 $0x0  }
0x1d: {  	s5 =	simm.s32 @p1 $0x1;
	p0 =	seq.s32 s7, s2  }
0x1e: {  	s7 =	smul.u32 @!p0 $0xF7A, s2;
	p2 =	seq.s32 @!p0 s5, $0x0  }
0x1f: {  	s9 =	smul.u32 $0xF7A, s1;
	s8 =	simm.s32 @!p0 $0x1BF5;
	p2 =	por !p2, p0  }
0x20: {  	[sflag:s8] =	ssyncset.s32 @!p0 $0xFFFFF086;
	s6 =	sadd.s32 @!p0 s3, s7;
	s7 =	simm.s32 @!p0 $0x108  }
0x21: {  	s3 =	sadd.s32 s3, s9;
	s6 =	sadd.s32 @!p0 $0x88, s6;
	s7 =	simm.s32 @p2 $0x1082  }
0x22: {  	[simem:s7], [sflag:s8] =	dma.local @!p0 [hbm:s6], $0xF7A  }
0x23: {  	s9 =	sor.u32 $0xD0000000, s2;
	s6 =	simm.s32 $0x108;
	_ =	swait.ge @!p0 [sflag:s8], $0x0  }
0x24: {  	s3 =	sadd.s32 $0x88, s3;
	s6 =	simm.s32 @!p1 $0x1082;
	[sflag:s4] =	ssyncset.s32 $0xFFFFF086  }
0x25: {  	[simem:s6], [sflag:s4] =	dma.local [hbm:s3], $0xF7A  }
0x26: {  	[smem:$0x3F9B] =	sst s1;
	(tag) =	ssettag s2;
	_ =	strace s9  }
0x27: {  	s1 =	sld [smem:$0x3FAB]  }
0x28: {  	s2 =	sld [smem:$0x3FAC]  }
0x29: {  	s4 =	sld [smem:$0x3FAE]  }
0x2a: {  	p0 =	seq.s32 s5, $0x0;
	s5 =	sld [smem:$0x3FAF]  }
0x2b: {  	s6 =	sld [smem:$0x3FB0]  }
0x2c: {  	s7 =	sld [smem:$0x3FB1]  }
0x2d: {  	s3 =	simm.s32 $0x108;
	s8 =	sld [smem:$0x3FB2]  }
0x2e: {  	s3 =	simm.s32 @!p0 $0x1082;
	s9 =	sld [smem:$0x3FB3]  }
0x2f: {  	lr =	sadd.s32 s0, s3;
	s0 =	sld [smem:$0x3FAA]  }
0x30: {  	s3 =	sld [smem:$0x3FAD]  }
0x31: {  	[smem:$0x3FB6] =	sst s10  }
0x32: {  	s10 =	sld [smem:$0x3FB4];
	_ =	sdelay $0x3  }
0x33: {  	p0 =	seq.s32 s10, $0x1;
	s10 =	sld [smem:$0x3FB6];
	_ =	sdelay $0x3  }
0x34: {  	[smem:$0x3FB6] =	sst s10  }
0x35: {  	s10 =	sld [smem:$0x3FB5];
	_ =	sdelay $0x3  }
0x36: {  	p1 =	seq.s32 s10, $0x1;
	s10 =	sld [smem:$0x3FB6];
	_ =	sdelay $0x3  }
0x37: {  	[smem:$0x3FB6] =	sst s10  }
0x38: {  	s10 =	sld [smem:$0x3FB7]  }
0x39: {  	_ = 	snop;
	(pc) =	sbr.ind lr, $3  }
0x3a: {  	_ = 	snop  }
0x3b: {  	_ = 	snop  }
0x3c: {  	p2 =	seq.s32 s10, $0x1;
	s10 =	sld [smem:$0x3FB6]  }
0x3d: {  	_ =	shalt  }
0x3e: {  	_ =	shalt  }
0x3f: {  	_ =	shalt  }
0x40: {  	_ =	shalt  }
0x41: {  	_ =	shalt  }
0x42: {  	_ =	shalt  }
0x43: {  	_ =	shalt  }
0x44: {  	_ =	shalt  }
0x45: {  	_ =	shalt  }
0x46: {  	_ =	shalt  }
0x47: {  	_ =	shalt  }
0x48: {  	_ =	shalt  }
0x49: {  	_ =	shalt  }
0x4a: {  	_ =	shalt  }
0x4b: {  	_ =	shalt  }
0x4c: {  	_ =	shalt  }
0x4d: {  	_ =	shalt  }
0x4e: {  	_ =	shalt  }
0x4f: {  	_ =	shalt  }
0x50: {  	_ =	shalt  }
0x51: {  	_ =	shalt  }
0x52: {  	_ =	shalt  }
0x53: {  	_ =	shalt  }
0x54: {  	_ =	shalt  }
0x55: {  	_ =	shalt  }
0x56: {  	_ =	shalt  }
0x57: {  	_ =	shalt  }
0x58: {  	_ =	shalt  }
0x59: {  	_ =	shalt  }
0x5a: {  	_ =	shalt  }
0x5b: {  	_ =	shalt  }
0x5c: {  	_ =	shalt  }
0x5d: {  	_ =	shalt  }
0x5e: {  	_ =	shalt  }
0x5f: {  	_ =	shalt  }
0x60: {  	_ =	shalt  }
0x61: {  	_ =	shalt  }
0x62: {  	_ =	shalt  }
0x63: {  	_ =	shalt  }
0x64: {  	_ =	shalt  }
0x65: {  	_ =	shalt  }
0x66: {  	_ =	shalt  }
0x67: {  	_ =	shalt  }
0x68: {  	_ =	shalt  }
0x69: {  	_ =	shalt  }
0x6a: {  	_ =	shalt  }
0x6b: {  	_ =	shalt  }
0x6c: {  	_ =	shalt  }
0x6d: {  	_ =	shalt  }
0x6e: {  	_ =	shalt  }
0x6f: {  	_ =	shalt  }
0x70: {  	_ =	shalt  }
0x71: {  	_ =	shalt  }
0x72: {  	_ =	shalt  }
0x73: {  	_ =	shalt  }
0x74: {  	_ =	shalt  }
0x75: {  	_ =	shalt  }
0x76: {  	_ =	shalt  }
0x77: {  	_ =	shalt  }
0x78: {  	_ =	shalt  }
0x79: {  	_ =	shalt  }
0x7a: {  	_ =	shalt  }
0x7b: {  	_ =	shalt  }
0x7c: {  	_ =	shalt  }
0x7d: {  	_ =	shalt  }
0x7e: {  	_ =	shalt  }
0x7f: {  	_ =	shalt  }
0x80: {  	_ =	shalt  }
0x81: {  	_ =	shalt  }
0x82: {  	_ =	shalt  }
0x83: {  	_ =	shalt  }
0x84: {  	_ =	shalt  }
0x85: {  	_ =	shalt  }
0x86: {  	_ =	shalt  }
0x87: {  	_ =	shalt  }
.Lfunc_end0:
.L_simem_size_0:
called_computation.4_lowered:
.L_overlay_start_0:
0x88: {  	s2 =	sld [smem:$0x3FD9]  }
0x89: {  	s3 =	sld [smem:$0x3FFE];
	_ =	sdelay $0x1  }
0x8a: {  	s1 =	srdreg.scid  }
0x8b: {  	s0 =	sand.u32 $0x1, s1  }
0x8c: {  	s17 =	sshll.u32 s0, $0xA;
	s2 =	sadd.s32 s3, s2  }
0x8d: {  	s2 =	sadd.s32 s2, s17  }
0x8e: {  	[smem:$0x3FC2] =	sst s2  }
0x8f: {  	_ = 	snop  }
0x90: {  	s2 =	sld [smem:$0x3FD0];
	(tm) =	ssettm $0x1  }
0x91: {  	s18 =	sld [smem:$0x3FFB];
	_ =	sdelay $0x3  }
0x92: {  	_ =	strace s18  }
0x93: {  	s3 =	sld [smem:$0x3FFC];
	_ =	sdelay $0x3  }
0x94: {  	_ =	strace s3  }
0x95: {  	s3 =	sld [smem:$0x3FFD];
	_ =	sdelay $0x3  }
0x96: {  	_ =	strace s3  }
0x97: {  	_ =	strace $0x8FFFFFFF  }
0x98: {  	s19 =	sld [smem:$0x3FDB];
	_ =	sdelay $0x1  }
0x99: {  	s4 =	simm.s32 $_scs_section_size  }
0x9a: {  	s5 =	simm.s32 $_size__tile_overlayer_lowered;
	s6 =	simm.s32 $_tile_overlayer_lowered  }
0x9b: {  	s22 =	simm.s32 $0x1BFF;
	s21 =	sshll.u32 s6, $0x1;
	s3 =	sadd.s32 s4, s19  }
0x9c: {  	s7 =	simm.s32 $0x0;
	s20 =	sshll.u32 s5, $0x1;
	s5 =	sadd.s32 s21, s3  }
0x9d: {  	[timem:s7], [sflag:s22] =	dma.local [hbm:s5], s20  }
0x9e: {  	_ =	swait.ge [sflag:s22], s20  }
0x9f: {  	s4 =	ssub.s32 $0x0, s20;
	[sflag:s22] =	ssyncset.done $0x0  }
0xa0: {  	[sflag:s22] =	ssyncadd.s32 s4;
	_ =	sdelay $0x1  }
0xa1: {  	s23 =	simm.s32 $0x1B8B  }
0xa2: {  	_ =	swait.ge [sflag:s23], $0x1  }
0xa3: {  	[sflag:s23] =	ssyncset.done $0x0  }
0xa4: {  	s25 =	simm.s32 $0x1B8E;
	s24 =	sld [smem:$0x3FFE];
	[sflag:s23] =	ssyncadd.s32 $0xFFFFFFFF  }
0xa5: {  	s26 =	simm.s32 $execute0_lowered;
	[smem:$0x3FD2] =	sst s25  }
0xa6: {  	s5 =	sshll.u32 s26, $0x1;
	_ =	strace $0x80000052;
	[dreg:$0x1] =	wrdreg $0xFFFFFFFF  }
0xa7: {  	s28 =	simm.s32 $_size_execute0_lowered;
	s3 =	sadd.s32 s3, s5;
	[dreg:$0x0] =	wrdreg $0x0  }
0xa8: {  	s5 =	sshll.u32 s28, $0x1;
	[dreg:$0x2] =	wrdreg s3  }
0xa9: {  	[dreg:$0x3] =	wrdreg s5  }
0xaa: {  	[dreg:$0x4] =	wrdreg $0xC0  }
0xab: {  	_ =	task [dreg:s7], $0x5FFFF  }
0xac: {  	[dreg:$0x1] =	wrdreg $0xFFFFFFFF  }
0xad: {  	[dreg:$0x0] =	wrdreg $0x60  }
0xae: {  	[dreg:$0x2] =	wrdreg s24  }
0xaf: {  	[dreg:$0x3] =	wrdreg s2  }
0xb0: {  	[dreg:$0x4] =	wrdreg $0x0  }
0xb1: {  	[dreg:$0x5] =	wrdreg $0x9  }
0xb2: {  	_ =	task.clear_ibuf [dreg:s7], $0x6FFFF;
	_ =	strace $0x90000052  }
0xb3: {  	s29 =	simm.s32 $0x9;
	_ =	strace $0x80000054  }
0xb4: {  	_ =	swait.ge [sflag:s29], $0x1  }
0xb5: {  	[sflag:s29] =	ssyncadd.s32 $0xFFFFFFFF  }
0xb6: {  	_ =	strace $0x90000054  }
0xb7: {  	_ =	sfence  }
0xb8: {  	s30 =	sld [smem:$0x0];
	_ =	sdelay $0x2  }
0xb9: {  	s31 =	sshll.u32 s1, $0xD;
	s1 =	sshrl.u32 s1, $0x2  }
0xba: {  	s3 =	sand.u32 $0x4000, s31;
	s1 =	sadd.s32 s1, s30  }
0xbb: {  	s0 =	sor.u32 s3, s0;
	s1 =	sshll.u32 s1, $0x11  }
0xbc: {  	s0 =	sor.u32 s1, s0  }
0xbd: {  	s0 =	sadd.s32 $0x8F2B, s0  }
0xbe: {  	[sflag:s0] =	ssyncadd.remote.s32 $0x1  }
0xbf: {  	_ =	sfence.sel $0xFFFF  }
0xc0: {  	[dreg:$0x0] =	wrdreg $0xFFFFFFFF;
	(pc) =	sbr.abs _section_cstart, $3  }
0xc1: {  	[dreg:$0x1] =	wrdreg $0xFFFFFFFF  }
0xc2: {  	_ =	task.clear_ibuf [dreg:s7], $0x2FFFF;
	_ =	strace $0x9FFFFFFF  }
0xc3: {  	(tm) =	ssettm $0x7FFFFFFF  }
tec
execute0_lowered:
.L_overlay_start_1:
0x0: {  	(tag) =	ssettag $0x1  }
0x1: {  	s5 =	rddreg [dreg:$0x0]  }
0x2: {  	s16 =	rddreg [dreg:$0x1]  }
0x3: {  	s2 =	rddreg [dreg:$0x2];
	s1 =	stileid.u32  }
0x4: {  	s4 =	srdreg.scid;
	s3 =	simm.s32 $0x0;
	s21 =	simm.s32 $0x14000  }
0x5: {  	s22 =	simm.s32 $0x14080;
	s23 =	simm.s32 $0x80;
	s17 =	smul.u32 $0x9E0, s1  }
0x6: {  	s24 =	simm.s32 $0x14100;
	s25 =	simm.s32 $0x1;
	s6 =	smul.u32 $0x2800, s1  }
0x7: {  	s26 =	simm.s32 $0x0;
	s14 =	sand.u32 $0x1, s4;
	s8 =	smul.u32 $0x50000, s1  }
0x8: {  	[smem:$0x7FF] =	sst s3;
	s4 =	sadd.s32 $0x2200, s5;
	s7 =	smul.u32 $0x28000, s14  }
0x9: {  	_ =	strace $0x80000053;
	s9 =	ssub.s32 $0x2, s14;
	s20 =	smul.u32 $0x4F0, s14  }
0xa: {  	s18 =	sadd.s32 s17, s5;
	s31 =	sshrl.u32 s9, $0x1;
	s8 =	sshrl.u32 s8, $0x2  }
0xb: {  	s17 =	sadd.s32 s17, s16;
	s6 =	sadd.s32 s6, s7;
	s19 =	ssub.s32 s9, s31  }
0xc: {  	s17 =	sadd.s32 s20, s17;
	s18 =	sadd.s32 s20, s18;
	s20 =	simm.s32 $0x2  }
0xd: {  	s15 =	sadd.s32 s6, s5;
	s5 =	sadd.s32 s8, s2;
	s16 =	smax.u32 s19, $0x1  }
0xe: {  	s18 =	sadd.s32 $0x52A00, s18;
	s19 =	simm.s32 $0x18100;
	s6 =	sadd.s32 $0x2000, s5  }
0xf: {  	s7 =	sadd.s32 $0x4000, s5;
	s8 =	sadd.s32 $0x6000, s5;
	s9 =	sadd.s32 $0x8000, s5  }
0x10: {  	s10 =	sadd.s32 $0xA000, s5;
	s11 =	sadd.s32 $0xC000, s5;
	s12 =	sadd.s32 $0xE000, s5  }
0x11: {  	v0 =	vimm.f32 $0.0e+00;
	s13 =	sadd.s32 $0x10000, s5;
	s14 =	sadd.s32 $0x12000, s5;
	s15 =	sadd.s32 $0x5C800, s15  }
.LBB2_1:
0x12: {  	s28 =	simm.s32 $0x0;
	s29 =	simm.s32 $0x200  }
.LBB2_2:
0x13: {  	p0 =	sne.s32 s29, $0x7E00;
	[tilespmem:s28+$0x18170] =	vst v0  }
0x14: {  	[tilespmem:s28+$0x18100] =	vst v0  }
0x15: {  	[tilespmem:s28+$0x18110] =	vst v0  }
.Ltmp0:
0x16: {  	[tilespmem:s28+$0x18120] =	vst v0;
	(pc) =	sbr.rel @p0 .LBB2_2-.Ltmp0, $4  }
0x17: {  	[tilespmem:s28+$0x18130] =	vst v0  }
0x18: {  	[tilespmem:s28+$0x18140] =	vst v0  }
0x19: {  	[tilespmem:s28+$0x18150] =	vst v0  }
0x1a: {  	[tilespmem:s28+$0x18160] =	vst v0;
	s28 =	sshra.s32 s29, $0x2;
	s29 =	sadd.s32 $0x200, s29  }
0x1b: {  	[tilespmem:s28+$0x18170] =	vst v0  }
0x1c: {  	[tilespmem:s28+$0x18100] =	vst v0  }
0x1d: {  	[tilespmem:s28+$0x18110] =	vst v0  }
0x1e: {  	[tilespmem:s28+$0x18120] =	vst v0  }
0x1f: {  	[tilespmem:s28+$0x18130] =	vst v0  }
0x20: {  	[tilespmem:s28+$0x18140] =	vst v0  }
0x21: {  	[tilespmem:s28+$0x18150] =	vst v0  }
0x22: {  	[tilespmem:s28+$0x18160] =	vst v0  }
0x23: {  	[spmem:s5] =	stream.linear.scatter [tilespmem:s19], [sflag:$0x2], $0x2000, $0x38;
	[tilespmem:$0x1A100] =	vst v63  }
0x24: {  	_ =	swait.ge [sflag:s20], $0x2000  }
0x25: {  	[sflag:s20] =	ssyncset.done $0x0  }
0x26: {  	[sflag:s20] =	ssyncadd.s32 $0xFFFFE000  }
0x27: {  	[spmem:s6] =	stream.linear.scatter [tilespmem:s19], [sflag:$0x2], $0x2000, $0x38;
	[tilespmem:$0x1A100] =	vst v63  }
0x28: {  	_ =	swait.ge [sflag:s20], $0x2000  }
0x29: {  	[sflag:s20] =	ssyncset.done $0x0  }
0x2a: {  	[sflag:s20] =	ssyncadd.s32 $0xFFFFE000  }
0x2b: {  	[spmem:s7] =	stream.linear.scatter [tilespmem:s19], [sflag:$0x2], $0x2000, $0x38;
	[tilespmem:$0x1A100] =	vst v63  }
0x2c: {  	_ =	swait.ge [sflag:s20], $0x2000  }
0x2d: {  	[sflag:s20] =	ssyncset.done $0x0  }
0x2e: {  	[sflag:s20] =	ssyncadd.s32 $0xFFFFE000  }
0x2f: {  	[spmem:s8] =	stream.linear.scatter [tilespmem:s19], [sflag:$0x2], $0x2000, $0x38;
	[tilespmem:$0x1A100] =	vst v63  }
0x30: {  	_ =	swait.ge [sflag:s20], $0x2000  }
0x31: {  	[sflag:s20] =	ssyncset.done $0x0  }
0x32: {  	[sflag:s20] =	ssyncadd.s32 $0xFFFFE000  }
0x33: {  	[spmem:s9] =	stream.linear.scatter [tilespmem:s19], [sflag:$0x2], $0x2000, $0x38;
	[tilespmem:$0x1A100] =	vst v63  }
0x34: {  	_ =	swait.ge [sflag:s20], $0x2000  }
0x35: {  	[sflag:s20] =	ssyncset.done $0x0  }
0x36: {  	[sflag:s20] =	ssyncadd.s32 $0xFFFFE000  }
0x37: {  	[spmem:s10] =	stream.linear.scatter [tilespmem:s19], [sflag:$0x2], $0x2000, $0x38;
	[tilespmem:$0x1A100] =	vst v63  }
0x38: {  	_ =	swait.ge [sflag:s20], $0x2000  }
0x39: {  	[sflag:s20] =	ssyncset.done $0x0  }
0x3a: {  	[sflag:s20] =	ssyncadd.s32 $0xFFFFE000  }
0x3b: {  	[spmem:s11] =	stream.linear.scatter [tilespmem:s19], [sflag:$0x2], $0x2000, $0x38;
	[tilespmem:$0x1A100] =	vst v63  }
0x3c: {  	_ =	swait.ge [sflag:s20], $0x2000  }
0x3d: {  	[sflag:s20] =	ssyncset.done $0x0  }
0x3e: {  	[sflag:s20] =	ssyncadd.s32 $0xFFFFE000  }
0x3f: {  	[spmem:s12] =	stream.linear.scatter [tilespmem:s19], [sflag:$0x2], $0x2000, $0x38;
	[tilespmem:$0x1A100] =	vst v63  }
0x40: {  	_ =	swait.ge [sflag:s20], $0x2000  }
0x41: {  	[sflag:s20] =	ssyncset.done $0x0  }
0x42: {  	[sflag:s20] =	ssyncadd.s32 $0xFFFFE000  }
0x43: {  	[spmem:s13] =	stream.linear.scatter [tilespmem:s19], [sflag:$0x2], $0x2000, $0x38;
	[tilespmem:$0x1A100] =	vst v63  }
0x44: {  	_ =	swait.ge [sflag:s20], $0x2000  }
0x45: {  	[sflag:s20] =	ssyncset.done $0x0  }
0x46: {  	[sflag:s20] =	ssyncadd.s32 $0xFFFFE000  }
0x47: {  	[spmem:s14] =	stream.linear.scatter [tilespmem:s19], [sflag:$0x2], $0x2000, $0x38;
	[tilespmem:$0x1A100] =	vst v63  }
0x48: {  	_ =	swait.ge [sflag:s20], $0x2000  }
0x49: {  	[sflag:s20] =	ssyncset.done $0x0  }
0x4a: {  	[sflag:s20] =	ssyncadd.s32 $0xFFFFE000  }
0x4b: {  	s28 =	sadd.s32 $0x0, s18;
	[bflag:$0x0] =	sbarrier.arrive $0xFFFF  }
0x4c: {  	[tilespmem:s21], [sflag:$0x2] =	stream.linear.gather [hbm4b:s28+s3], $0x80, $0x38;
	[tilespmem:$0x1A100] =	vst v63  }
0x4d: {  	_ =	swait.ge [sflag:s20], $0x80  }
0x4e: {  	[sflag:s20] =	ssyncset.done $0x0  }
0x4f: {  	s28 =	sadd.s32 $0x0, s17;
	[sflag:s20] =	ssyncadd.s32 $0xFFFFFF80  }
0x50: {  	[tilespmem:s22], [sflag:$0x2] =	stream.linear.gather [hbm4b:s28+s3], $0x80, $0x38;
	[tilespmem:$0x1A100] =	vst v63  }
0x51: {  	_ =	swait.ge [sflag:s20], $0x80  }
0x52: {  	[sflag:s20] =	ssyncset.done $0x0  }
0x53: {  	[sflag:s20] =	ssyncadd.s32 $0xFFFFFF80  }
0x54: {  	[tilespmem:s24], [sflag:$0x1] =	stream.indirect.gather [hbm4b:s4+s23], $0x80, s21, s23, $0xb8;
	[tilespmem:$0x1A100] =	vst v63  }
0x55: {  	_ =	swait.ge [sflag:s25], $0x4000  }
0x56: {  	[sflag:s25] =	ssyncset.done $0x0  }
0x57: {  	[sflag:s25] =	ssyncadd.s32 $0xFFFFC000  }
0x58: {  	[spmem:s2] =	stream.indirect.scatter.add.f32 [tilespmem:s24], [sflag:$0x2], $0x80, s22, s23, $0xb8;
	[tilespmem:$0x1A100] =	vst v63  }
0x59: {  	_ =	swait.ge [sflag:s20], $0x4000  }
0x5a: {  	s29 =	simm.s32 $0x20;
	s28 =	simm.s32 $0x10;
	[sflag:s20] =	ssyncset.done $0x0  }
.LBB2_4:
0x5b: {  	s30 =	sadd.s32 s28, s18  }
0x5c: {  	[sflag:s20] =	ssyncadd.s32 $0xFFFFC000;
	s31 =	smov.u32 s29;
	s0 =	sadd.s32 $0x10, s29  }
0x5d: {  	[tilespmem:s21], [sflag:$0x2] =	stream.linear.gather [hbm4b:s30+s3], $0x80, $0x38;
	[tilespmem:$0x1A100] =	vst v63  }
0x5e: {  	p0 =	sne.s32 s29, $0x4E0;
	_ =	swait.ge [sflag:s20], $0x80  }
0x5f: {  	[sflag:s20] =	ssyncset.done $0x0  }
0x60: {  	s29 =	sadd.s32 s28, s17;
	s28 =	smov.u32 s31;
	[sflag:s20] =	ssyncadd.s32 $0xFFFFFF80  }
0x61: {  	[tilespmem:s22], [sflag:$0x2] =	stream.linear.gather [hbm4b:s29+s3], $0x80, $0x38;
	[tilespmem:$0x1A100] =	vst v63  }
0x62: {  	_ =	swait.ge [sflag:s20], $0x80  }
0x63: {  	[sflag:s20] =	ssyncset.done $0x0  }
0x64: {  	[sflag:s20] =	ssyncadd.s32 $0xFFFFFF80  }
0x65: {  	[tilespmem:s24], [sflag:$0x1] =	stream.indirect.gather [hbm4b:s4+s23], $0x80, s21, s23, $0xb8;
	[tilespmem:$0x1A100] =	vst v63  }
0x66: {  	_ =	swait.ge [sflag:s25], $0x4000  }
.Ltmp1:
0x67: {  	[sflag:s25] =	ssyncset.done $0x0;
	(pc) =	sbr.rel @p0 .LBB2_4-.Ltmp1, $4  }
0x68: {  	[sflag:s25] =	ssyncadd.s32 $0xFFFFC000  }
0x69: {  	[spmem:s2] =	stream.indirect.scatter.add.f32 [tilespmem:s24], [sflag:$0x2], $0x80, s22, s23, $0xb8;
	[tilespmem:$0x1A100] =	vst v63  }
0x6a: {  	_ =	swait.ge [sflag:s20], $0x4000  }
0x6b: {  	s29 =	smov.u32 s0;
	[sflag:s20] =	ssyncset.done $0x0  }
0x6c: {  	s0 =	sadd.s32 s28, s18;
	[sflag:s20] =	ssyncadd.s32 $0xFFFFC000  }
0x6d: {  	[tilespmem:s21], [sflag:$0x2] =	stream.linear.gather [hbm4b:s0+s3], $0x80, $0x38;
	[tilespmem:$0x1A100] =	vst v63  }
0x6e: {  	_ =	swait.ge [sflag:s20], $0x80  }
0x6f: {  	[sflag:s20] =	ssyncset.done $0x0  }
0x70: {  	s29 =	sadd.s32 s28, s17;
	[sflag:s20] =	ssyncadd.s32 $0xFFFFFF80  }
0x71: {  	[tilespmem:s22], [sflag:$0x2] =	stream.linear.gather [hbm4b:s29+s3], $0x80, $0x38;
	[tilespmem:$0x1A100] =	vst v63  }
0x72: {  	_ =	swait.ge [sflag:s20], $0x80  }
0x73: {  	[sflag:s20] =	ssyncset.done $0x0  }
0x74: {  	[sflag:s20] =	ssyncadd.s32 $0xFFFFFF80  }
0x75: {  	[tilespmem:s24], [sflag:$0x1] =	stream.indirect.gather [hbm4b:s4+s23], $0x80, s21, s23, $0xb8;
	[tilespmem:$0x1A100] =	vst v63  }
0x76: {  	_ =	swait.ge [sflag:s25], $0x4000  }
0x77: {  	[sflag:s25] =	ssyncset.done $0x0  }
0x78: {  	[sflag:s25] =	ssyncadd.s32 $0xFFFFC000  }
0x79: {  	[spmem:s2] =	stream.indirect.scatter.add.f32 [tilespmem:s24], [sflag:$0x2], $0x80, s22, s23, $0xb8;
	[tilespmem:$0x1A100] =	vst v63  }
0x7a: {  	_ =	swait.ge [sflag:s20], $0x4000  }
0x7b: {  	s30 =	sshll.u32 s1, $0x6;
	s26 =	sadd.s32 $0x1, s26;
	[sflag:s20] =	ssyncset.done $0x0  }
0x7c: {  	s31 =	sshrl.u32 s5, $0x3;
	p0 =	sne.s32 s26, s16;
	[sflag:s20] =	ssyncadd.s32 $0xFFFFC000  }
.Ltmp2:
0x7d: {  	s0 =	sor.u32 $0x1C02, s30;
	[bflag:$0x0] =	sbarrier.arrive $0xFFFF;
	(pc) =	sbr.rel @p0 .LBB2_1-.Ltmp2, $4  }
0x7e: {  	[hbm:s15], [sflag:s0] =	dma.local [spmem:s31], $0x2800  }
0x7f: {  	_ =	swait.ge [sflag:s20], $0x2800  }
0x80: {  	[sflag:s20] =	ssyncset.done $0x0  }
0x81: {  	[sflag:s20] =	ssyncadd.s32 $0xFFFFD800  }
0x82: {  	_ =	sfence.sel $0x180000  }
0x83: {  	[bflag:$0x0] =	sbarrier.arrive $0xFFFF  }
0x84: {  	_ =	strace $0x90000053  }
0x85: {  	[bflag:$0x2] =	sbarrier.arrive $0xFFFF  }
0x86: {  	p0 =	sne.s32 s1, $0x0;
	s0 =	rddreg [dreg:$0x3]  }
0x87: {  	s0 =	sadd.s32 @!p0 $0x100000, s0  }
0x88: {  	[sflag:s0] =	ssyncadd.tile.s32 @!p0 $0x1;
	_ =	shalt  }
.Lfunc_end2:
_tile_overlayer_lowered:
.L_overlay_start_2:
0x89: {  	(tag) =	ssettag $0x2  }
0x8a: {  	s0 =	rddreg [dreg:$0x0];
	s2 =	stileid.u32  }
0x8b: {  	s1 =	rddreg [dreg:$0x1];
	p0 =	sne.s32 s2, $0x0  }
0x8c: {  	s3 =	rddreg [dreg:$0x2];
	[bflag:$0x3] =	sbarrier.arrive $0xFFFF;
	s2 =	simm.s32 @!p0 $0x1C02  }
0x8d: {  	[timem:s3], [sflag:s2] =	dma.local @!p0 [hbm:s0], s1  }
0x8e: {  	s0 =	simm.s32 @!p0 $0x2  }
0x8f: {  	_ =	swait.ge @!p0 [sflag:s0], s1  }
0x90: {  	s1 =	ssub.s32 @!p0 $0x0, s1;
	[sflag:s0] =	ssyncset.done @!p0 $0x0  }
0x91: {  	[sflag:s0] =	ssyncadd.s32 @!p0 s1  }
0x92: {  	[bflag:$0x3] =	sbarrier.arrive $0xFFFF  }
0x93: {  	_ =	shalt  }

</sc_bundles>
